<compile_context>
chip_gen: v7x
topology: tpu7x:2x2x1
jax: 0.10.2.dev20260603
libtpu: 0.0.44.dev20260713+nightly
codegen_flags: <defaults>
</compile_context>

<pallas_src>
import functools

import jax
import jax.numpy as jnp
from jax import lax
from jax.experimental import pallas as pl
from jax.experimental.pallas import tpu as pltpu
from jax.experimental.pallas import tpu_sc as plsc

N = 10000
E = 160000
D_IN = 256
D_EMB = 512
H = D_IN // 2

NC = 2
NS = 16
L = 16

EPT = E // NS
CH = 80
NCH = EPT // CH
IB = 25
NB = NCH // IB
WT = 10



def _edge_mlp_body(ea_ref, we1_ref, be1_ref, we2_ref, be2_ref, out_ref):
    ea_t = ea_ref[...].astype(jnp.bfloat16)
    h1 = lax.dot_general(ea_t, we1_ref[...].astype(jnp.bfloat16),
                         (((0,), (0,)), ((), ())),
                         preferred_element_type=jnp.float32)
    h1 = jnp.maximum(h1 + be1_ref[...], 0.0).astype(jnp.bfloat16)
    e = jnp.dot(h1, we2_ref[...].astype(jnp.bfloat16),
                preferred_element_type=jnp.float32)
    e = e + be2_ref[...]
    out_ref[0] = e[:, :H]
    out_ref[1] = e[:, H:]


def _edge_mlp(edge_attr, We1, be1, We2, be2, block_e=3200):
    grid = (E // block_e,)
    return pl.pallas_call(
        _edge_mlp_body,
        grid=grid,
        in_specs=[
            pl.BlockSpec((4, block_e), lambda i: (0, i)),
            pl.BlockSpec((4, D_IN), lambda i: (0, 0)),
            pl.BlockSpec((1, D_IN), lambda i: (0, 0)),
            pl.BlockSpec((D_IN, D_IN), lambda i: (0, 0)),
            pl.BlockSpec((1, D_IN), lambda i: (0, 0)),
        ],
        out_specs=pl.BlockSpec((NC, block_e, H), lambda i: (0, i, 0)),
        out_shape=jax.ShapeDtypeStruct((NC, E, H), jnp.float32),
    )(edge_attr, We1, be1.reshape(1, D_IN), We2, be2.reshape(1, D_IN))



def _xsplit_body(x_ref, o0_ref, o1_ref):
    o0_ref[...] = x_ref[:, :H]
    o1_ref[...] = x_ref[:, H:]


def _xsplit(x, block_n=2000):
    return pl.pallas_call(
        _xsplit_body,
        grid=(N // block_n,),
        in_specs=[pl.BlockSpec((block_n, D_IN), lambda i: (i, 0))],
        out_specs=[pl.BlockSpec((block_n, H), lambda i: (i, 0)),
                   pl.BlockSpec((block_n, H), lambda i: (i, 0))],
        out_shape=[jax.ShapeDtypeStruct((N, H), jnp.float32),
                   jax.ShapeDtypeStruct((N, H), jnp.float32)],
    )(x)



def _sc_body(x0_hbm, x1_hbm, e_hbm, src_hbm, dst_hbm, out_hbm,
             src_v, dst_v, xb0, xb1, eb0, eb1, dcur0, dcur1,
             aggr_sh, semg0, seme0, semg1, seme1, sems0, sems1):
    c = lax.axis_index("c")
    s = lax.axis_index("s")
    zf = jnp.zeros((L,), jnp.float32)

    def _zrow(r, carry):
        for k in range(H // L):
            xb0[r, pl.ds(k * L, L)] = zf
        return carry

    lax.fori_loop(0, CH, _zrow, 0)
    for k in range(8):
        chunk_id = s + k * NS

        @pl.when(chunk_id < NCH)
        def _zero_chunk():
            pltpu.sync_copy(xb0, aggr_sh.at[pl.ds(chunk_id * CH, CH)])

    plsc.subcore_barrier()


    def _load_block(b):
        pltpu.sync_copy(src_hbm.at[s, b], src_v)
        pltpu.sync_copy(dst_hbm.at[s, b], dst_v)

    def _issue(q, xb, eb, semg, seme):
        r = q % IB
        idx = src_v.at[r]

        @pl.when(c == 0)
        def _g0():
            pltpu.async_copy(x0_hbm.at[idx], xb, semg)

        @pl.when(c == 1)
        def _g1():
            pltpu.async_copy(x1_hbm.at[idx], xb, semg)

        pltpu.async_copy(e_hbm.at[c, pl.ds(s * EPT + q * CH, CH)], eb, seme)

    def _wait(xb, eb, semg, seme):
        @pl.when(c == 0)
        def _w0():
            pltpu.make_async_copy(x0_hbm.at[src_v.at[0]], xb, semg).wait()

        @pl.when(c == 1)
        def _w1():
            pltpu.make_async_copy(x1_hbm.at[src_v.at[0]], xb, semg).wait()

        pltpu.make_async_copy(e_hbm.at[c, pl.ds(0, CH)], eb, seme).wait()

    def _snap_dst(q, dcur):
        r = q % IB
        for k in range(CH // L):
            sl = pl.ds(k * L, L)
            dcur[sl] = dst_v[r, sl]

    def _compute(xb, eb):
        def _rows(i, carry):
            for rr in range(2):
                for k in range(H // L):
                    sl = pl.ds(k * L, L)
                    xb[2 * i + rr, sl] = jnp.maximum(
                        xb[2 * i + rr, sl] + eb[2 * i + rr, sl], 0.0)
            return carry

        lax.fori_loop(0, CH // 2, _rows, 0)

    def _scatter_start(xb, dcur, sems):
        pltpu.async_copy(xb, aggr_sh.at[dcur], sems, add=True)

    def _scatter_wait(xb, dcur, sems):
        pltpu.make_async_copy(xb, aggr_sh.at[dcur], sems).wait()

    def _maybe_block(q):
        @pl.when(q % IB == 0)
        def _lb():
            _load_block(q // IB)

    _load_block(0)
    _issue(0, xb0, eb0, semg0, seme0)

    def _pair(m, carry):
        q0 = 2 * m
        q1 = q0 + 1
        q2 = q0 + 2
        _wait(xb0, eb0, semg0, seme0)
        _snap_dst(q0, dcur0)
        _maybe_block(q1)

        @pl.when(m > 0)
        def _ws1():
            _scatter_wait(xb1, dcur1, sems1)

        _issue(q1, xb1, eb1, semg1, seme1)
        _compute(xb0, eb0)
        _scatter_start(xb0, dcur0, sems0)
        _wait(xb1, eb1, semg1, seme1)
        _snap_dst(q1, dcur1)
        _maybe_block(q2)
        _scatter_wait(xb0, dcur0, sems0)
        _issue(q2, xb0, eb0, semg0, seme0)
        _compute(xb1, eb1)
        _scatter_start(xb1, dcur1, sems1)
        return carry

    lax.fori_loop(0, (NCH - 1) // 2, _pair, 0)

    _wait(xb0, eb0, semg0, seme0)
    _snap_dst(NCH - 1, dcur0)
    _compute(xb0, eb0)
    _scatter_wait(xb1, dcur1, sems1)
    _scatter_start(xb0, dcur0, sems0)
    _scatter_wait(xb0, dcur0, sems0)

    plsc.subcore_barrier()

    rows_per_wt = N // WT

    @pl.when(s < WT)
    def _write_phase():
        pltpu.sync_copy(aggr_sh.at[pl.ds(s * rows_per_wt, rows_per_wt)],
                        out_hbm.at[c, pl.ds(s * rows_per_wt, rows_per_wt)])


def _sc_gather_scatter(x0, x1, e2, src4, dst4):
    mesh = plsc.VectorSubcoreMesh(core_axis_name="c", subcore_axis_name="s",
                                  num_cores=NC, num_subcores=NS)
    fn = pl.kernel(
        _sc_body,
        out_type=jax.ShapeDtypeStruct((NC, N, H), jnp.float32),
        mesh=mesh,
        scratch_types=[
            pltpu.VMEM((IB, CH), jnp.int32),
            pltpu.VMEM((IB, CH), jnp.int32),
            pltpu.VMEM((CH, H), jnp.float32),
            pltpu.VMEM((CH, H), jnp.float32),
            pltpu.VMEM((CH, H), jnp.float32),
            pltpu.VMEM((CH, H), jnp.float32),
            pltpu.VMEM((CH,), jnp.int32),
            pltpu.VMEM((CH,), jnp.int32),
            pltpu.VMEM_SHARED((N, H), jnp.float32),
            pltpu.SemaphoreType.DMA,
            pltpu.SemaphoreType.DMA,
            pltpu.SemaphoreType.DMA,
            pltpu.SemaphoreType.DMA,
            pltpu.SemaphoreType.DMA,
            pltpu.SemaphoreType.DMA,
        ],
    )
    return fn(x0, x1, e2, src4, dst4)



def _node_mlp_body(x_ref, a_ref, w1_ref, b1_ref, w2_ref, b2_ref, eps_ref,
                   out_ref):
    scale = 1.0 + eps_ref[0, 0]
    aggr = jnp.concatenate([a_ref[0], a_ref[1]], axis=1)
    h = scale * x_ref[...] + aggr
    m = jnp.dot(h, w1_ref[...], preferred_element_type=jnp.float32)
    m = jnp.maximum(m + b1_ref[...], 0.0)
    o = jnp.dot(m, w2_ref[...], preferred_element_type=jnp.float32)
    out_ref[...] = o + b2_ref[...]


def _node_mlp(x, aggr2, W1, b1, W2, b2, eps, block_n=2000):
    grid = (N // block_n,)
    return pl.pallas_call(
        _node_mlp_body,
        grid=grid,
        in_specs=[
            pl.BlockSpec((block_n, D_IN), lambda i: (i, 0)),
            pl.BlockSpec((NC, block_n, H), lambda i: (0, i, 0)),
            pl.BlockSpec((D_IN, D_EMB), lambda i: (0, 0)),
            pl.BlockSpec((1, D_EMB), lambda i: (0, 0)),
            pl.BlockSpec((D_EMB, D_EMB), lambda i: (0, 0)),
            pl.BlockSpec((1, D_EMB), lambda i: (0, 0)),
            pl.BlockSpec(memory_space=pltpu.SMEM),
        ],
        out_specs=pl.BlockSpec((block_n, D_EMB), lambda i: (i, 0)),
        out_shape=jax.ShapeDtypeStruct((N, D_EMB), jnp.float32),
    )(x, aggr2, W1, b1.reshape(1, D_EMB), W2, b2.reshape(1, D_EMB),
      eps.reshape(1, 1))



def kernel(x, edge_index, edge_attr, We1, be1, We2, be2, W1, b1, W2, b2, eps):
    src = edge_index[0].astype(jnp.int32)
    dst = edge_index[1].astype(jnp.int32)
    src4 = src.reshape(NS, NB, IB, CH)
    dst4 = dst.reshape(NS, NB, IB, CH)
    ea_t = edge_attr.T
    x0, x1 = _xsplit(x)

    e2 = _edge_mlp(ea_t, We1, be1, We2, be2)
    aggr2 = _sc_gather_scatter(x0, x1, e2, src4, dst4)
    return _node_mlp(x, aggr2, W1, b1, W2, b2, eps)

# --- scband reference (transcript-rebuilt; emitter-appended) ---
"""Pipeline reference for scband-alchemy-custom-gine-36283883716967 (READ-ONLY COPY).

The authoritative reference and input builder live on the scoring server;
editing this copy changes nothing except your own understanding.
"""

import jax, jax.numpy as jnp
import numpy as np

N = 10000
E = 160000
IN_DIM = 256
EMB_DIM = 512
D_EDGE = 4


def _glorot(key, shape):
    fan_in, fan_out = shape[0], shape[1]
    limit = float(np.sqrt(6.0 / (fan_in + fan_out)))
    return jax.random.uniform(key, shape, jnp.float32, -limit, limit)


def setup_inputs(seed: int = 0) -> dict:
    key = jax.random.key(seed)
    ks = jax.random.split(key, 12)
    x = jax.random.normal(ks[0], (N, IN_DIM), jnp.float32)
    edge_index = jax.random.randint(ks[1], (2, E), 0, N, jnp.int64)
    edge_attr = jax.random.normal(ks[2], (E, D_EDGE), jnp.float32)
    # edge_embedding: Linear(4, in_dim) -> ReLU -> Linear(in_dim, in_dim)
    We1 = _glorot(ks[3], (D_EDGE, IN_DIM))
    be1 = jnp.zeros((IN_DIM,), jnp.float32)
    We2 = _glorot(ks[4], (IN_DIM, IN_DIM))
    be2 = jnp.zeros((IN_DIM,), jnp.float32)
    # GINE nn mlp: Linear(in_dim, emb_dim) -> ReLU -> Linear(emb_dim, emb_dim)
    W1 = _glorot(ks[5], (IN_DIM, EMB_DIM))
    b1 = jnp.zeros((EMB_DIM,), jnp.float32)
    W2 = _glorot(ks[6], (EMB_DIM, EMB_DIM))
    b2 = jnp.zeros((EMB_DIM,), jnp.float32)
    eps = jnp.zeros((), jnp.float32)  # train_eps=True, init 0
    return {"x": x, "edge_index": edge_index, "edge_attr": edge_attr,
            "We1": We1, "be1": be1, "We2": We2, "be2": be2,
            "W1": W1, "b1": b1, "W2": W2, "b2": b2, "eps": eps}


def reference(x, edge_index, edge_attr, We1, be1, We2, be2, W1, b1, W2, b2, eps):
    # edge embedding MLP: [E, 4] -> [E, in_dim]
    e = jnp.dot(edge_attr, We1) + be1
    e = jax.nn.relu(e)
    e = jnp.dot(e, We2) + be2
    src = edge_index[0]
    dst = edge_index[1]
    # GINEConv message: relu(x_j + edge_attr)
    msg = jax.nn.relu(jnp.take(x, src, axis=0) + e)
    # sum aggregation to destination nodes
    aggr = jax.ops.segment_sum(msg, dst, num_segments=N)
    h = (1.0 + eps) * x + aggr
    # nn mlp
    out = jnp.dot(h, W1) + b1
    out = jax.nn.relu(out)
    out = jnp.dot(out, W2) + b2
    return out

if __name__ == "__main__":
    import jax
    _d = setup_inputs()
    print(jax.jit(kernel)(*tuple(_d.values())))

</pallas_src>

<mosaic_0001>
#map = affine_map<(d0, d1) -> (0, 0)>
#map1 = affine_map<(d0, d1) -> (0, 0, 0)>
#map2 = affine_map<(d0, d1) -> (0, 0, 0, 0)>
module attributes {stable_mosaic.version = 14 : i64} {
  func.func @_sc_body(%arg0: i32, %arg1: i32, %arg2: memref<10000x128xf32, #tpu.memory_space<hbm>>, %arg3: memref<10000x128xf32, #tpu.memory_space<hbm>>, %arg4: memref<2x160000x128xf32, #tpu.memory_space<hbm>>, %arg5: memref<16x5x25x80xi32, #tpu.memory_space<hbm>>, %arg6: memref<16x5x25x80xi32, #tpu.memory_space<hbm>>, %arg7: memref<2x10000x128xf32, #tpu.memory_space<hbm>>, %arg8: memref<25x80xi32, #tpu.memory_space<vmem>>, %arg9: memref<25x80xi32, #tpu.memory_space<vmem>>, %arg10: memref<80x128xf32, #tpu.memory_space<vmem>>, %arg11: memref<80x128xf32, #tpu.memory_space<vmem>>, %arg12: memref<80x128xf32, #tpu.memory_space<vmem>>, %arg13: memref<80x128xf32, #tpu.memory_space<vmem>>, %arg14: memref<80xi32, #tpu.memory_space<vmem>>, %arg15: memref<80xi32, #tpu.memory_space<vmem>>, %arg16: memref<10000x128xf32, #tpu.memory_space<vmem_shared>>, %arg17: memref<!tpu.dma_semaphore, #tpu.memory_space<semaphore_mem>>, %arg18: memref<!tpu.dma_semaphore, #tpu.memory_space<semaphore_mem>>, %arg19: memref<!tpu.dma_semaphore, #tpu.memory_space<semaphore_mem>>, %arg20: memref<!tpu.dma_semaphore, #tpu.memory_space<semaphore_mem>>, %arg21: memref<!tpu.dma_semaphore, #tpu.memory_space<semaphore_mem>>, %arg22: memref<!tpu.dma_semaphore, #tpu.memory_space<semaphore_mem>>) attributes {dimension_semantics = [#tpu.dimension_semantics<core_parallel>, #tpu.dimension_semantics<subcore_parallel>], iteration_bounds = array<i64: 2, 16>, scalar_prefetch = 0 : i64, scratch_operands = 15 : i64, tpu.core_type = #tpu.core_type<sc_vector_subcore>, window_params = [{transform_indices = #map}, {transform_indices = #map}, {transform_indices = #map1}, {transform_indices = #map2}, {transform_indices = #map2}, {transform_indices = #map1}]} {
    %broadcast_in_dim3A = arith.constant 0.000000e+00 : f32
    %broadcast_in_dim3A_0 = vector.broadcast %broadcast_in_dim3A : f32 to vector<16xf32>
    %scan3A = arith.constant 0 : i32
    %scan3A_1 = arith.constant 0 : i32
    %scan3A_2 = arith.constant 80 : i32
    %scan3A_3 = arith.addi %scan3A_1, %scan3A_2 : i32
    %scan3A_4 = arith.constant 1 : i32
    scf.for %scan3A_165 = %scan3A_1 to %scan3A_3 step %scan3A_4  : i32 {
      %swap3A_166 = arith.index_cast %scan3A_165 : i32 to index
      %swap3A_167 = arith.constant 0 : index
      %swap3A_168 = tpu.vector_load %arg10[%swap3A_166, %swap3A_167] {strides = array<i32>} : memref<80x128xf32, #tpu.memory_space<vmem>>, vector<1x16xf32>,
      %swap3A_169 = vector.shape_cast %swap3A_168 : vector<1x16xf32> to vector<16xf32>
      %swap3A_170 = vector.shape_cast %broadcast_in_dim3A_0 : vector<16xf32> to vector<1x16xf32>
      tpu.vector_store %arg10[%swap3A_166, %swap3A_167], %swap3A_170 {strides = array<i32>} : memref<80x128xf32, #tpu.memory_space<vmem>>, vector<1x16xf32>,
      %swap3A_171 = arith.index_cast %scan3A_165 : i32 to index
      %swap3A_172 = arith.constant 16 : index
      %swap3A_173 = tpu.vector_load %arg10[%swap3A_171, %swap3A_172] {strides = array<i32>} : memref<80x128xf32, #tpu.memory_space<vmem>>, vector<1x16xf32>,
      %swap3A_174 = vector.shape_cast %swap3A_173 : vector<1x16xf32> to vector<16xf32>
      %swap3A_175 = vector.shape_cast %broadcast_in_dim3A_0 : vector<16xf32> to vector<1x16xf32>
      tpu.vector_store %arg10[%swap3A_171, %swap3A_172], %swap3A_175 {strides = array<i32>} : memref<80x128xf32, #tpu.memory_space<vmem>>, vector<1x16xf32>,
      %swap3A_176 = arith.index_cast %scan3A_165 : i32 to index
      %swap3A_177 = arith.constant 32 : index
      %swap3A_178 = tpu.vector_load %arg10[%swap3A_176, %swap3A_177] {strides = array<i32>} : memref<80x128xf32, #tpu.memory_space<vmem>>, vector<1x16xf32>,
      %swap3A_179 = vector.shape_cast %swap3A_178 : vector<1x16xf32> to vector<16xf32>
      %swap3A_180 = vector.shape_cast %broadcast_in_dim3A_0 : vector<16xf32> to vector<1x16xf32>
      tpu.vector_store %arg10[%swap3A_176, %swap3A_177], %swap3A_180 {strides = array<i32>} : memref<80x128xf32, #tpu.memory_space<vmem>>, vector<1x16xf32>,
      %swap3A_181 = arith.index_cast %scan3A_165 : i32 to index
      %swap3A_182 = arith.constant 48 : index
      %swap3A_183 = tpu.vector_load %arg10[%swap3A_181, %swap3A_182] {strides = array<i32>} : memref<80x128xf32, #tpu.memory_space<vmem>>, vector<1x16xf32>,
      %swap3A_184 = vector.shape_cast %swap3A_183 : vector<1x16xf32> to vector<16xf32>
      %swap3A_185 = vector.shape_cast %broadcast_in_dim3A_0 : vector<16xf32> to vector<1x16xf32>
      tpu.vector_store %arg10[%swap3A_181, %swap3A_182], %swap3A_185 {strides = array<i32>} : memref<80x128xf32, #tpu.memory_space<vmem>>, vector<1x16xf32>,
      %swap3A_186 = arith.index_cast %scan3A_165 : i32 to index
      %swap3A_187 = arith.constant 64 : index
      %swap3A_188 = tpu.vector_load %arg10[%swap3A_186, %swap3A_187] {strides = array<i32>} : memref<80x128xf32, #tpu.memory_space<vmem>>, vector<1x16xf32>,
      %swap3A_189 = vector.shape_cast %swap3A_188 : vector<1x16xf32> to vector<16xf32>
      %swap3A_190 = vector.shape_cast %broadcast_in_dim3A_0 : vector<16xf32> to vector<1x16xf32>
      tpu.vector_store %arg10[%swap3A_186, %swap3A_187], %swap3A_190 {strides = array<i32>} : memref<80x128xf32, #tpu.memory_space<vmem>>, vector<1x16xf32>,
      %swap3A_191 = arith.index_cast %scan3A_165 : i32 to index
      %swap3A_192 = arith.constant 80 : index
      %swap3A_193 = tpu.vector_load %arg10[%swap3A_191, %swap3A_192] {strides = array<i32>} : memref<80x128xf32, #tpu.memory_space<vmem>>, vector<1x16xf32>,
      %swap3A_194 = vector.shape_cast %swap3A_193 : vector<1x16xf32> to vector<16xf32>
      %swap3A_195 = vector.shape_cast %broadcast_in_dim3A_0 : vector<16xf32> to vector<1x16xf32>
      tpu.vector_store %arg10[%swap3A_191, %swap3A_192], %swap3A_195 {strides = array<i32>} : memref<80x128xf32, #tpu.memory_space<vmem>>, vector<1x16xf32>,
      %swap3A_196 = arith.index_cast %scan3A_165 : i32 to index
      %swap3A_197 = arith.constant 96 : index
      %swap3A_198 = tpu.vector_load %arg10[%swap3A_196, %swap3A_197] {strides = array<i32>} : memref<80x128xf32, #tpu.memory_space<vmem>>, vector<1x16xf32>,
      %swap3A_199 = vector.shape_cast %swap3A_198 : vector<1x16xf32> to vector<16xf32>
      %swap3A_200 = vector.shape_cast %broadcast_in_dim3A_0 : vector<16xf32> to vector<1x16xf32>
      tpu.vector_store %arg10[%swap3A_196, %swap3A_197], %swap3A_200 {strides = array<i32>} : memref<80x128xf32, #tpu.memory_space<vmem>>, vector<1x16xf32>,
      %swap3A_201 = arith.index_cast %scan3A_165 : i32 to index
      %swap3A_202 = arith.constant 112 : index
      %swap3A_203 = tpu.vector_load %arg10[%swap3A_201, %swap3A_202] {strides = array<i32>} : memref<80x128xf32, #tpu.memory_space<vmem>>, vector<1x16xf32>,
      %swap3A_204 = vector.shape_cast %swap3A_203 : vector<1x16xf32> to vector<16xf32>
      %swap3A_205 = vector.shape_cast %broadcast_in_dim3A_0 : vector<16xf32> to vector<1x16xf32>
      tpu.vector_store %arg10[%swap3A_201, %swap3A_202], %swap3A_205 {strides = array<i32>} : memref<80x128xf32, #tpu.memory_space<vmem>>, vector<1x16xf32>,
    }
    %scan3A_5 = arith.constant 80 : i32
    %add3A = arith.constant 0 : i32
    %add3A_6 = arith.addi %arg1, %add3A : i32
    %lt3A = arith.constant 125 : i32
    %lt3A_7 = arith.cmpi slt, %add3A_6, %lt3A : i32
    %convert_element_type3A = arith.extui %lt3A_7 : i1 to i32
    %cond3A = arith.constant 0 : i32
    %cond3A_8 = arith.cmpi ne, %convert_element_type3A, %cond3A : i32
    scf.if %cond3A_8 {
      %mul3A_165 = arith.constant 80 : i32
      %mul3A_166 = arith.muli %add3A_6, %mul3A_165 : i32
      "tpu.region"() ({
        %run_scoped3A_167 = tpu.sem_alloc : memref<!tpu.dma_semaphore, #tpu.memory_space<semaphore_mem>>
        %dma_start3A_168 = arith.constant 0 : i32
        %dma_start3A_169 = tpu.memref_slice %arg16[%mul3A_166, %dma_start3A_168] : memref<10000x128xf32, #tpu.memory_space<vmem_shared>> -> memref<80x128xf32, #tpu.memory_space<vmem_shared>>
        %dma_start3A_170 = arith.constant 0 : i32
        %dma_start3A_171 = tpu.memref_slice %arg16[%mul3A_166, %dma_start3A_170] : memref<10000x128xf32, #tpu.memory_space<vmem_shared>> -> memref<80x128xf32, #tpu.memory_space<vmem_shared>>
        tpu.enqueue_dma source(%arg10 : memref<80x128xf32, #tpu.memory_space<vmem>>) target(%dma_start3A_171 : memref<80x128xf32, #tpu.memory_space<vmem_shared>>) target_semaphore(%run_scoped3A_167 : memref<!tpu.dma_semaphore, #tpu.memory_space<semaphore_mem>>)
        %dma_wait3A_172 = arith.constant 0 : i32
        %dma_wait3A_173 = tpu.memref_slice %arg16[%mul3A_166, %dma_wait3A_172] : memref<10000x128xf32, #tpu.memory_space<vmem_shared>> -> memref<80x128xf32, #tpu.memory_space<vmem_shared>>
        %dma_wait3A_174 = arith.constant 0 : i32
        %dma_wait3A_175 = tpu.memref_slice %arg16[%mul3A_166, %dma_wait3A_174] : memref<10000x128xf32, #tpu.memory_space<vmem_shared>> -> memref<80x128xf32, #tpu.memory_space<vmem_shared>>
        tpu.wait_dma2 semaphore(%run_scoped3A_167 : memref<!tpu.dma_semaphore, #tpu.memory_space<semaphore_mem>>) src(%arg10 : memref<80x128xf32, #tpu.memory_space<vmem>>) dst(%dma_wait3A_175 : memref<80x128xf32, #tpu.memory_space<vmem_shared>>)
        tpu.yield
      }) : () -> ()
    } else {
    }
    %add3A_9 = arith.constant 16 : i32
    %add3A_10 = arith.addi %arg1, %add3A_9 : i32
    %lt3A_11 = arith.constant 125 : i32
    %lt3A_12 = arith.cmpi slt, %add3A_10, %lt3A_11 : i32
    %convert_element_type3A_13 = arith.extui %lt3A_12 : i1 to i32
    %cond3A_14 = arith.constant 0 : i32
    %cond3A_15 = arith.cmpi ne, %convert_element_type3A_13, %cond3A_14 : i32
    scf.if %cond3A_15 {
      %mul3A_165 = arith.constant 80 : i32
      %mul3A_166 = arith.muli %add3A_10, %mul3A_165 : i32
      "tpu.region"() ({
        %run_scoped3A_167 = tpu.sem_alloc : memref<!tpu.dma_semaphore, #tpu.memory_space<semaphore_mem>>
        %dma_start3A_168 = arith.constant 0 : i32
        %dma_start3A_169 = tpu.memref_slice %arg16[%mul3A_166, %dma_start3A_168] : memref<10000x128xf32, #tpu.memory_space<vmem_shared>> -> memref<80x128xf32, #tpu.memory_space<vmem_shared>>
        %dma_start3A_170 = arith.constant 0 : i32
        %dma_start3A_171 = tpu.memref_slice %arg16[%mul3A_166, %dma_start3A_170] : memref<10000x128xf32, #tpu.memory_space<vmem_shared>> -> memref<80x128xf32, #tpu.memory_space<vmem_shared>>
        tpu.enqueue_dma source(%arg10 : memref<80x128xf32, #tpu.memory_space<vmem>>) target(%dma_start3A_171 : memref<80x128xf32, #tpu.memory_space<vmem_shared>>) target_semaphore(%run_scoped3A_167 : memref<!tpu.dma_semaphore, #tpu.memory_space<semaphore_mem>>)
        %dma_wait3A_172 = arith.constant 0 : i32
        %dma_wait3A_173 = tpu.memref_slice %arg16[%mul3A_166, %dma_wait3A_172] : memref<10000x128xf32, #tpu.memory_space<vmem_shared>> -> memref<80x128xf32, #tpu.memory_space<vmem_shared>>
        %dma_wait3A_174 = arith.constant 0 : i32
        %dma_wait3A_175 = tpu.memref_slice %arg16[%mul3A_166, %dma_wait3A_174] : memref<10000x128xf32, #tpu.memory_space<vmem_shared>> -> memref<80x128xf32, #tpu.memory_space<vmem_shared>>
        tpu.wait_dma2 semaphore(%run_scoped3A_167 : memref<!tpu.dma_semaphore, #tpu.memory_space<semaphore_mem>>) src(%arg10 : memref<80x128xf32, #tpu.memory_space<vmem>>) dst(%dma_wait3A_175 : memref<80x128xf32, #tpu.memory_space<vmem_shared>>)
        tpu.yield
      }) : () -> ()
    } else {
    }
    %add3A_16 = arith.constant 32 : i32
    %add3A_17 = arith.addi %arg1, %add3A_16 : i32
    %lt3A_18 = arith.constant 125 : i32
    %lt3A_19 = arith.cmpi slt, %add3A_17, %lt3A_18 : i32
    %convert_element_type3A_20 = arith.extui %lt3A_19 : i1 to i32
    %cond3A_21 = arith.constant 0 : i32
    %cond3A_22 = arith.cmpi ne, %convert_element_type3A_20, %cond3A_21 : i32
    scf.if %cond3A_22 {
      %mul3A_165 = arith.constant 80 : i32
      %mul3A_166 = arith.muli %add3A_17, %mul3A_165 : i32
      "tpu.region"() ({
        %run_scoped3A_167 = tpu.sem_alloc : memref<!tpu.dma_semaphore, #tpu.memory_space<semaphore_mem>>
        %dma_start3A_168 = arith.constant 0 : i32
        %dma_start3A_169 = tpu.memref_slice %arg16[%mul3A_166, %dma_start3A_168] : memref<10000x128xf32, #tpu.memory_space<vmem_shared>> -> memref<80x128xf32, #tpu.memory_space<vmem_shared>>
        %dma_start3A_170 = arith.constant 0 : i32
        %dma_start3A_171 = tpu.memref_slice %arg16[%mul3A_166, %dma_start3A_170] : memref<10000x128xf32, #tpu.memory_space<vmem_shared>> -> memref<80x128xf32, #tpu.memory_space<vmem_shared>>
        tpu.enqueue_dma source(%arg10 : memref<80x128xf32, #tpu.memory_space<vmem>>) target(%dma_start3A_171 : memref<80x128xf32, #tpu.memory_space<vmem_shared>>) target_semaphore(%run_scoped3A_167 : memref<!tpu.dma_semaphore, #tpu.memory_space<semaphore_mem>>)
        %dma_wait3A_172 = arith.constant 0 : i32
        %dma_wait3A_173 = tpu.memref_slice %arg16[%mul3A_166, %dma_wait3A_172] : memref<10000x128xf32, #tpu.memory_space<vmem_shared>> -> memref<80x128xf32, #tpu.memory_space<vmem_shared>>
        %dma_wait3A_174 = arith.constant 0 : i32
        %dma_wait3A_175 = tpu.memref_slice %arg16[%mul3A_166, %dma_wait3A_174] : memref<10000x128xf32, #tpu.memory_space<vmem_shared>> -> memref<80x128xf32, #tpu.memory_space<vmem_shared>>
        tpu.wait_dma2 semaphore(%run_scoped3A_167 : memref<!tpu.dma_semaphore, #tpu.memory_space<semaphore_mem>>) src(%arg10 : memref<80x128xf32, #tpu.memory_space<vmem>>) dst(%dma_wait3A_175 : memref<80x128xf32, #tpu.memory_space<vmem_shared>>)
        tpu.yield
      }) : () -> ()
    } else {
    }
    %add3A_23 = arith.constant 48 : i32
    %add3A_24 = arith.addi %arg1, %add3A_23 : i32
    %lt3A_25 = arith.constant 125 : i32
    %lt3A_26 = arith.cmpi slt, %add3A_24, %lt3A_25 : i32
    %convert_element_type3A_27 = arith.extui %lt3A_26 : i1 to i32
    %cond3A_28 = arith.constant 0 : i32
    %cond3A_29 = arith.cmpi ne, %convert_element_type3A_27, %cond3A_28 : i32
    scf.if %cond3A_29 {
      %mul3A_165 = arith.constant 80 : i32
      %mul3A_166 = arith.muli %add3A_24, %mul3A_165 : i32
      "tpu.region"() ({
        %run_scoped3A_167 = tpu.sem_alloc : memref<!tpu.dma_semaphore, #tpu.memory_space<semaphore_mem>>
        %dma_start3A_168 = arith.constant 0 : i32
        %dma_start3A_169 = tpu.memref_slice %arg16[%mul3A_166, %dma_start3A_168] : memref<10000x128xf32, #tpu.memory_space<vmem_shared>> -> memref<80x128xf32, #tpu.memory_space<vmem_shared>>
        %dma_start3A_170 = arith.constant 0 : i32
        %dma_start3A_171 = tpu.memref_slice %arg16[%mul3A_166, %dma_start3A_170] : memref<10000x128xf32, #tpu.memory_space<vmem_shared>> -> memref<80x128xf32, #tpu.memory_space<vmem_shared>>
        tpu.enqueue_dma source(%arg10 : memref<80x128xf32, #tpu.memory_space<vmem>>) target(%dma_start3A_171 : memref<80x128xf32, #tpu.memory_space<vmem_shared>>) target_semaphore(%run_scoped3A_167 : memref<!tpu.dma_semaphore, #tpu.memory_space<semaphore_mem>>)
        %dma_wait3A_172 = arith.constant 0 : i32
        %dma_wait3A_173 = tpu.memref_slice %arg16[%mul3A_166, %dma_wait3A_172] : memref<10000x128xf32, #tpu.memory_space<vmem_shared>> -> memref<80x128xf32, #tpu.memory_space<vmem_shared>>
        %dma_wait3A_174 = arith.constant 0 : i32
        %dma_wait3A_175 = tpu.memref_slice %arg16[%mul3A_166, %dma_wait3A_174] : memref<10000x128xf32, #tpu.memory_space<vmem_shared>> -> memref<80x128xf32, #tpu.memory_space<vmem_shared>>
        tpu.wait_dma2 semaphore(%run_scoped3A_167 : memref<!tpu.dma_semaphore, #tpu.memory_space<semaphore_mem>>) src(%arg10 : memref<80x128xf32, #tpu.memory_space<vmem>>) dst(%dma_wait3A_175 : memref<80x128xf32, #tpu.memory_space<vmem_shared>>)
        tpu.yield
      }) : () -> ()
    } else {
    }
    %add3A_30 = arith.constant 64 : i32
    %add3A_31 = arith.addi %arg1, %add3A_30 : i32
    %lt3A_32 = arith.constant 125 : i32
    %lt3A_33 = arith.cmpi slt, %add3A_31, %lt3A_32 : i32
    %convert_element_type3A_34 = arith.extui %lt3A_33 : i1 to i32
    %cond3A_35 = arith.constant 0 : i32
    %cond3A_36 = arith.cmpi ne, %convert_element_type3A_34, %cond3A_35 : i32
    scf.if %cond3A_36 {
      %mul3A_165 = arith.constant 80 : i32
      %mul3A_166 = arith.muli %add3A_31, %mul3A_165 : i32
      "tpu.region"() ({
        %run_scoped3A_167 = tpu.sem_alloc : memref<!tpu.dma_semaphore, #tpu.memory_space<semaphore_mem>>
        %dma_start3A_168 = arith.constant 0 : i32
        %dma_start3A_169 = tpu.memref_slice %arg16[%mul3A_166, %dma_start3A_168] : memref<10000x128xf32, #tpu.memory_space<vmem_shared>> -> memref<80x128xf32, #tpu.memory_space<vmem_shared>>
        %dma_start3A_170 = arith.constant 0 : i32
        %dma_start3A_171 = tpu.memref_slice %arg16[%mul3A_166, %dma_start3A_170] : memref<10000x128xf32, #tpu.memory_space<vmem_shared>> -> memref<80x128xf32, #tpu.memory_space<vmem_shared>>
        tpu.enqueue_dma source(%arg10 : memref<80x128xf32, #tpu.memory_space<vmem>>) target(%dma_start3A_171 : memref<80x128xf32, #tpu.memory_space<vmem_shared>>) target_semaphore(%run_scoped3A_167 : memref<!tpu.dma_semaphore, #tpu.memory_space<semaphore_mem>>)
        %dma_wait3A_172 = arith.constant 0 : i32
        %dma_wait3A_173 = tpu.memref_slice %arg16[%mul3A_166, %dma_wait3A_172] : memref<10000x128xf32, #tpu.memory_space<vmem_shared>> -> memref<80x128xf32, #tpu.memory_space<vmem_shared>>
        %dma_wait3A_174 = arith.constant 0 : i32
        %dma_wait3A_175 = tpu.memref_slice %arg16[%mul3A_166, %dma_wait3A_174] : memref<10000x128xf32, #tpu.memory_space<vmem_shared>> -> memref<80x128xf32, #tpu.memory_space<vmem_shared>>
        tpu.wait_dma2 semaphore(%run_scoped3A_167 : memref<!tpu.dma_semaphore, #tpu.memory_space<semaphore_mem>>) src(%arg10 : memref<80x128xf32, #tpu.memory_space<vmem>>) dst(%dma_wait3A_175 : memref<80x128xf32, #tpu.memory_space<vmem_shared>>)
        tpu.yield
      }) : () -> ()
    } else {
    }
    %add3A_37 = arith.constant 80 : i32
    %add3A_38 = arith.addi %arg1, %add3A_37 : i32
    %lt3A_39 = arith.constant 125 : i32
    %lt3A_40 = arith.cmpi slt, %add3A_38, %lt3A_39 : i32
    %convert_element_type3A_41 = arith.extui %lt3A_40 : i1 to i32
    %cond3A_42 = arith.constant 0 : i32
    %cond3A_43 = arith.cmpi ne, %convert_element_type3A_41, %cond3A_42 : i32
    scf.if %cond3A_43 {
      %mul3A_165 = arith.constant 80 : i32
      %mul3A_166 = arith.muli %add3A_38, %mul3A_165 : i32
      "tpu.region"() ({
        %run_scoped3A_167 = tpu.sem_alloc : memref<!tpu.dma_semaphore, #tpu.memory_space<semaphore_mem>>
        %dma_start3A_168 = arith.constant 0 : i32
        %dma_start3A_169 = tpu.memref_slice %arg16[%mul3A_166, %dma_start3A_168] : memref<10000x128xf32, #tpu.memory_space<vmem_shared>> -> memref<80x128xf32, #tpu.memory_space<vmem_shared>>
        %dma_start3A_170 = arith.constant 0 : i32
        %dma_start3A_171 = tpu.memref_slice %arg16[%mul3A_166, %dma_start3A_170] : memref<10000x128xf32, #tpu.memory_space<vmem_shared>> -> memref<80x128xf32, #tpu.memory_space<vmem_shared>>
        tpu.enqueue_dma source(%arg10 : memref<80x128xf32, #tpu.memory_space<vmem>>) target(%dma_start3A_171 : memref<80x128xf32, #tpu.memory_space<vmem_shared>>) target_semaphore(%run_scoped3A_167 : memref<!tpu.dma_semaphore, #tpu.memory_space<semaphore_mem>>)
        %dma_wait3A_172 = arith.constant 0 : i32
        %dma_wait3A_173 = tpu.memref_slice %arg16[%mul3A_166, %dma_wait3A_172] : memref<10000x128xf32, #tpu.memory_space<vmem_shared>> -> memref<80x128xf32, #tpu.memory_space<vmem_shared>>
        %dma_wait3A_174 = arith.constant 0 : i32
        %dma_wait3A_175 = tpu.memref_slice %arg16[%mul3A_166, %dma_wait3A_174] : memref<10000x128xf32, #tpu.memory_space<vmem_shared>> -> memref<80x128xf32, #tpu.memory_space<vmem_shared>>
        tpu.wait_dma2 semaphore(%run_scoped3A_167 : memref<!tpu.dma_semaphore, #tpu.memory_space<semaphore_mem>>) src(%arg10 : memref<80x128xf32, #tpu.memory_space<vmem>>) dst(%dma_wait3A_175 : memref<80x128xf32, #tpu.memory_space<vmem_shared>>)
        tpu.yield
      }) : () -> ()
    } else {
    }
    %add3A_44 = arith.constant 96 : i32
    %add3A_45 = arith.addi %arg1, %add3A_44 : i32
    %lt3A_46 = arith.constant 125 : i32
    %lt3A_47 = arith.cmpi slt, %add3A_45, %lt3A_46 : i32
    %convert_element_type3A_48 = arith.extui %lt3A_47 : i1 to i32
    %cond3A_49 = arith.constant 0 : i32
    %cond3A_50 = arith.cmpi ne, %convert_element_type3A_48, %cond3A_49 : i32
    scf.if %cond3A_50 {
      %mul3A_165 = arith.constant 80 : i32
      %mul3A_166 = arith.muli %add3A_45, %mul3A_165 : i32
      "tpu.region"() ({
        %run_scoped3A_167 = tpu.sem_alloc : memref<!tpu.dma_semaphore, #tpu.memory_space<semaphore_mem>>
        %dma_start3A_168 = arith.constant 0 : i32
        %dma_start3A_169 = tpu.memref_slice %arg16[%mul3A_166, %dma_start3A_168] : memref<10000x128xf32, #tpu.memory_space<vmem_shared>> -> memref<80x128xf32, #tpu.memory_space<vmem_shared>>
        %dma_start3A_170 = arith.constant 0 : i32
        %dma_start3A_171 = tpu.memref_slice %arg16[%mul3A_166, %dma_start3A_170] : memref<10000x128xf32, #tpu.memory_space<vmem_shared>> -> memref<80x128xf32, #tpu.memory_space<vmem_shared>>
        tpu.enqueue_dma source(%arg10 : memref<80x128xf32, #tpu.memory_space<vmem>>) target(%dma_start3A_171 : memref<80x128xf32, #tpu.memory_space<vmem_shared>>) target_semaphore(%run_scoped3A_167 : memref<!tpu.dma_semaphore, #tpu.memory_space<semaphore_mem>>)
        %dma_wait3A_172 = arith.constant 0 : i32
        %dma_wait3A_173 = tpu.memref_slice %arg16[%mul3A_166, %dma_wait3A_172] : memref<10000x128xf32, #tpu.memory_space<vmem_shared>> -> memref<80x128xf32, #tpu.memory_space<vmem_shared>>
        %dma_wait3A_174 = arith.constant 0 : i32
        %dma_wait3A_175 = tpu.memref_slice %arg16[%mul3A_166, %dma_wait3A_174] : memref<10000x128xf32, #tpu.memory_space<vmem_shared>> -> memref<80x128xf32, #tpu.memory_space<vmem_shared>>
        tpu.wait_dma2 semaphore(%run_scoped3A_167 : memref<!tpu.dma_semaphore, #tpu.memory_space<semaphore_mem>>) src(%arg10 : memref<80x128xf32, #tpu.memory_space<vmem>>) dst(%dma_wait3A_175 : memref<80x128xf32, #tpu.memory_space<vmem_shared>>)
        tpu.yield
      }) : () -> ()
    } else {
    }
    %add3A_51 = arith.constant 112 : i32
    %add3A_52 = arith.addi %arg1, %add3A_51 : i32
    %lt3A_53 = arith.constant 125 : i32
    %lt3A_54 = arith.cmpi slt, %add3A_52, %lt3A_53 : i32
    %convert_element_type3A_55 = arith.extui %lt3A_54 : i1 to i32
    %cond3A_56 = arith.constant 0 : i32
    %cond3A_57 = arith.cmpi ne, %convert_element_type3A_55, %cond3A_56 : i32
    scf.if %cond3A_57 {
      %mul3A_165 = arith.constant 80 : i32
      %mul3A_166 = arith.muli %add3A_52, %mul3A_165 : i32
      "tpu.region"() ({
        %run_scoped3A_167 = tpu.sem_alloc : memref<!tpu.dma_semaphore, #tpu.memory_space<semaphore_mem>>
        %dma_start3A_168 = arith.constant 0 : i32
        %dma_start3A_169 = tpu.memref_slice %arg16[%mul3A_166, %dma_start3A_168] : memref<10000x128xf32, #tpu.memory_space<vmem_shared>> -> memref<80x128xf32, #tpu.memory_space<vmem_shared>>
        %dma_start3A_170 = arith.constant 0 : i32
        %dma_start3A_171 = tpu.memref_slice %arg16[%mul3A_166, %dma_start3A_170] : memref<10000x128xf32, #tpu.memory_space<vmem_shared>> -> memref<80x128xf32, #tpu.memory_space<vmem_shared>>
        tpu.enqueue_dma source(%arg10 : memref<80x128xf32, #tpu.memory_space<vmem>>) target(%dma_start3A_171 : memref<80x128xf32, #tpu.memory_space<vmem_shared>>) target_semaphore(%run_scoped3A_167 : memref<!tpu.dma_semaphore, #tpu.memory_space<semaphore_mem>>)
        %dma_wait3A_172 = arith.constant 0 : i32
        %dma_wait3A_173 = tpu.memref_slice %arg16[%mul3A_166, %dma_wait3A_172] : memref<10000x128xf32, #tpu.memory_space<vmem_shared>> -> memref<80x128xf32, #tpu.memory_space<vmem_shared>>
        %dma_wait3A_174 = arith.constant 0 : i32
        %dma_wait3A_175 = tpu.memref_slice %arg16[%mul3A_166, %dma_wait3A_174] : memref<10000x128xf32, #tpu.memory_space<vmem_shared>> -> memref<80x128xf32, #tpu.memory_space<vmem_shared>>
        tpu.wait_dma2 semaphore(%run_scoped3A_167 : memref<!tpu.dma_semaphore, #tpu.memory_space<semaphore_mem>>) src(%arg10 : memref<80x128xf32, #tpu.memory_space<vmem>>) dst(%dma_wait3A_175 : memref<80x128xf32, #tpu.memory_space<vmem_shared>>)
        tpu.yield
      }) : () -> ()
    } else {
    }
    %barrier3A = arith.constant 0 : index
    tpu.barrier barrier_id(%barrier3A)
    %run_scoped3A = arith.constant 0 : i32
    "tpu.region"() ({
      %run_scoped3A_165 = tpu.sem_alloc : memref<!tpu.dma_semaphore, #tpu.memory_space<semaphore_mem>>
      %dma_start3A_166 = arith.constant 0 : i32
      %dma_start3A_167 = arith.constant 0 : i32
      %dma_start3A_168 = tpu.memref_slice %arg5[%arg1, %run_scoped3A, %dma_start3A_166, %dma_start3A_167] : memref<16x5x25x80xi32, #tpu.memory_space<hbm>> -> memref<1x1x25x80xi32, #tpu.memory_space<hbm>>
      %dma_start3A_169 = tpu.memref_squeeze %dma_start3A_168 : memref<1x1x25x80xi32, #tpu.memory_space<hbm>> -> memref<25x80xi32, #tpu.memory_space<hbm>>
      %dma_start3A_170 = arith.constant 0 : i32
      %dma_start3A_171 = arith.constant 0 : i32
      %dma_start3A_172 = tpu.memref_slice %arg5[%arg1, %run_scoped3A, %dma_start3A_170, %dma_start3A_171] : memref<16x5x25x80xi32, #tpu.memory_space<hbm>> -> memref<1x1x25x80xi32, #tpu.memory_space<hbm>>
      %dma_start3A_173 = tpu.memref_squeeze %dma_start3A_172 : memref<1x1x25x80xi32, #tpu.memory_space<hbm>> -> memref<25x80xi32, #tpu.memory_space<hbm>>
      tpu.enqueue_dma source(%dma_start3A_173 : memref<25x80xi32, #tpu.memory_space<hbm>>) target(%arg8 : memref<25x80xi32, #tpu.memory_space<vmem>>) target_semaphore(%run_scoped3A_165 : memref<!tpu.dma_semaphore, #tpu.memory_space<semaphore_mem>>)
      %dma_wait3A_174 = arith.constant 0 : i32
      %dma_wait3A_175 = arith.constant 0 : i32
      %dma_wait3A_176 = tpu.memref_slice %arg5[%arg1, %run_scoped3A, %dma_wait3A_174, %dma_wait3A_175] : memref<16x5x25x80xi32, #tpu.memory_space<hbm>> -> memref<1x1x25x80xi32, #tpu.memory_space<hbm>>
      %dma_wait3A_177 = tpu.memref_squeeze %dma_wait3A_176 : memref<1x1x25x80xi32, #tpu.memory_space<hbm>> -> memref<25x80xi32, #tpu.memory_space<hbm>>
      %dma_wait3A_178 = arith.constant 0 : i32
      %dma_wait3A_179 = arith.constant 0 : i32
      %dma_wait3A_180 = tpu.memref_slice %arg5[%arg1, %run_scoped3A, %dma_wait3A_178, %dma_wait3A_179] : memref<16x5x25x80xi32, #tpu.memory_space<hbm>> -> memref<1x1x25x80xi32, #tpu.memory_space<hbm>>
      %dma_wait3A_181 = tpu.memref_squeeze %dma_wait3A_180 : memref<1x1x25x80xi32, #tpu.memory_space<hbm>> -> memref<25x80xi32, #tpu.memory_space<hbm>>
      tpu.wait_dma2 semaphore(%run_scoped3A_165 : memref<!tpu.dma_semaphore, #tpu.memory_space<semaphore_mem>>) src(%dma_wait3A_181 : memref<25x80xi32, #tpu.memory_space<hbm>>) dst(%arg8 : memref<25x80xi32, #tpu.memory_space<vmem>>)
      tpu.yield
    }) : () -> ()
    %run_scoped3A_58 = arith.constant 0 : i32
    "tpu.region"() ({
      %run_scoped3A_165 = tpu.sem_alloc : memref<!tpu.dma_semaphore, #tpu.memory_space<semaphore_mem>>
      %dma_start3A_166 = arith.constant 0 : i32
      %dma_start3A_167 = arith.constant 0 : i32
      %dma_start3A_168 = tpu.memref_slice %arg6[%arg1, %run_scoped3A_58, %dma_start3A_166, %dma_start3A_167] : memref<16x5x25x80xi32, #tpu.memory_space<hbm>> -> memref<1x1x25x80xi32, #tpu.memory_space<hbm>>
      %dma_start3A_169 = tpu.memref_squeeze %dma_start3A_168 : memref<1x1x25x80xi32, #tpu.memory_space<hbm>> -> memref<25x80xi32, #tpu.memory_space<hbm>>
      %dma_start3A_170 = arith.constant 0 : i32
      %dma_start3A_171 = arith.constant 0 : i32
      %dma_start3A_172 = tpu.memref_slice %arg6[%arg1, %run_scoped3A_58, %dma_start3A_170, %dma_start3A_171] : memref<16x5x25x80xi32, #tpu.memory_space<hbm>> -> memref<1x1x25x80xi32, #tpu.memory_space<hbm>>
      %dma_start3A_173 = tpu.memref_squeeze %dma_start3A_172 : memref<1x1x25x80xi32, #tpu.memory_space<hbm>> -> memref<25x80xi32, #tpu.memory_space<hbm>>
      tpu.enqueue_dma source(%dma_start3A_173 : memref<25x80xi32, #tpu.memory_space<hbm>>) target(%arg9 : memref<25x80xi32, #tpu.memory_space<vmem>>) target_semaphore(%run_scoped3A_165 : memref<!tpu.dma_semaphore, #tpu.memory_space<semaphore_mem>>)
      %dma_wait3A_174 = arith.constant 0 : i32
      %dma_wait3A_175 = arith.constant 0 : i32
      %dma_wait3A_176 = tpu.memref_slice %arg6[%arg1, %run_scoped3A_58, %dma_wait3A_174, %dma_wait3A_175] : memref<16x5x25x80xi32, #tpu.memory_space<hbm>> -> memref<1x1x25x80xi32, #tpu.memory_space<hbm>>
      %dma_wait3A_177 = tpu.memref_squeeze %dma_wait3A_176 : memref<1x1x25x80xi32, #tpu.memory_space<hbm>> -> memref<25x80xi32, #tpu.memory_space<hbm>>
      %dma_wait3A_178 = arith.constant 0 : i32
      %dma_wait3A_179 = arith.constant 0 : i32
      %dma_wait3A_180 = tpu.memref_slice %arg6[%arg1, %run_scoped3A_58, %dma_wait3A_178, %dma_wait3A_179] : memref<16x5x25x80xi32, #tpu.memory_space<hbm>> -> memref<1x1x25x80xi32, #tpu.memory_space<hbm>>
      %dma_wait3A_181 = tpu.memref_squeeze %dma_wait3A_180 : memref<1x1x25x80xi32, #tpu.memory_space<hbm>> -> memref<25x80xi32, #tpu.memory_space<hbm>>
      tpu.wait_dma2 semaphore(%run_scoped3A_165 : memref<!tpu.dma_semaphore, #tpu.memory_space<semaphore_mem>>) src(%dma_wait3A_181 : memref<25x80xi32, #tpu.memory_space<hbm>>) dst(%arg9 : memref<25x80xi32, #tpu.memory_space<vmem>>)
      tpu.yield
    }) : () -> ()
    %eq3A = arith.constant 0 : i32
    %eq3A_59 = arith.cmpi eq, %arg0, %eq3A : i32
    %convert_element_type3A_60 = arith.extui %eq3A_59 : i1 to i32
    %cond3A_61 = arith.constant 0 : i32
    %cond3A_62 = arith.constant 0 : i32
    %cond3A_63 = arith.cmpi ne, %convert_element_type3A_60, %cond3A_62 : i32
    scf.if %cond3A_63 {
      %dma_start3A_165 = arith.constant 0 : i32
      %dma_start3A_166 = tpu.memref_slice %arg8[%cond3A_61, %dma_start3A_165] : memref<25x80xi32, #tpu.memory_space<vmem>> -> memref<1x80xi32, #tpu.memory_space<vmem>>
      %dma_start3A_167 = tpu.memref_squeeze %dma_start3A_166 : memref<1x80xi32, #tpu.memory_space<vmem>> -> memref<80xi32, #tpu.memory_space<vmem>>
      %dma_start3A_168 = arith.constant 0 : i32
      %dma_start3A_169 = arith.constant 0 : i32
      %dma_start3A_170 = tpu.memref_slice %arg2[%dma_start3A_168, %dma_start3A_169] : memref<10000x128xf32, #tpu.memory_space<hbm>> -> memref<10000x128xf32, #tpu.memory_space<hbm>>
      tpu.enqueue_indirect_dma source(%dma_start3A_170 : memref<10000x128xf32, #tpu.memory_space<hbm>>) target(%arg10 : memref<80x128xf32, #tpu.memory_space<vmem>>) offsets(%dma_start3A_167 : memref<80xi32, #tpu.memory_space<vmem>>) semaphore(%arg17 : memref<!tpu.dma_semaphore, #tpu.memory_space<semaphore_mem>>)
    } else {
    }
    %eq3A_64 = arith.constant 1 : i32
    %eq3A_65 = arith.cmpi eq, %arg0, %eq3A_64 : i32
    %convert_element_type3A_66 = arith.extui %eq3A_65 : i1 to i32
    %cond3A_67 = arith.constant 0 : i32
    %cond3A_68 = arith.constant 0 : i32
    %cond3A_69 = arith.cmpi ne, %convert_element_type3A_66, %cond3A_68 : i32
    scf.if %cond3A_69 {
      %dma_start3A_165 = arith.constant 0 : i32
      %dma_start3A_166 = tpu.memref_slice %arg8[%cond3A_67, %dma_start3A_165] : memref<25x80xi32, #tpu.memory_space<vmem>> -> memref<1x80xi32, #tpu.memory_space<vmem>>
      %dma_start3A_167 = tpu.memref_squeeze %dma_start3A_166 : memref<1x80xi32, #tpu.memory_space<vmem>> -> memref<80xi32, #tpu.memory_space<vmem>>
      %dma_start3A_168 = arith.constant 0 : i32
      %dma_start3A_169 = arith.constant 0 : i32
      %dma_start3A_170 = tpu.memref_slice %arg3[%dma_start3A_168, %dma_start3A_169] : memref<10000x128xf32, #tpu.memory_space<hbm>> -> memref<10000x128xf32, #tpu.memory_space<hbm>>
      tpu.enqueue_indirect_dma source(%dma_start3A_170 : memref<10000x128xf32, #tpu.memory_space<hbm>>) target(%arg10 : memref<80x128xf32, #tpu.memory_space<vmem>>) offsets(%dma_start3A_167 : memref<80xi32, #tpu.memory_space<vmem>>) semaphore(%arg17 : memref<!tpu.dma_semaphore, #tpu.memory_space<semaphore_mem>>)
    } else {
    }
    %mul3A = arith.constant 10000 : i32
    %mul3A_70 = arith.muli %arg1, %mul3A : i32
    %add3A_71 = arith.constant 0 : i32
    %add3A_72 = arith.addi %mul3A_70, %add3A_71 : i32
    %dma_start3A = arith.constant 0 : i32
    %dma_start3A_73 = tpu.memref_slice %arg4[%arg0, %add3A_72, %dma_start3A] : memref<2x160000x128xf32, #tpu.memory_space<hbm>> -> memref<1x80x128xf32, #tpu.memory_space<hbm>>
    %dma_start3A_74 = tpu.memref_squeeze %dma_start3A_73 : memref<1x80x128xf32, #tpu.memory_space<hbm>> -> memref<80x128xf32, #tpu.memory_space<hbm>>
    %dma_start3A_75 = arith.constant 0 : i32
    %dma_start3A_76 = tpu.memref_slice %arg4[%arg0, %add3A_72, %dma_start3A_75] : memref<2x160000x128xf32, #tpu.memory_space<hbm>> -> memref<1x80x128xf32, #tpu.memory_space<hbm>>
    %dma_start3A_77 = tpu.memref_squeeze %dma_start3A_76 : memref<1x80x128xf32, #tpu.memory_space<hbm>> -> memref<80x128xf32, #tpu.memory_space<hbm>>
    tpu.enqueue_dma source(%dma_start3A_77 : memref<80x128xf32, #tpu.memory_space<hbm>>) target(%arg12 : memref<80x128xf32, #tpu.memory_space<vmem>>) target_semaphore(%arg18 : memref<!tpu.dma_semaphore, #tpu.memory_space<semaphore_mem>>)
    %scan3A_78 = arith.constant 0 : i32
    %scan3A_79 = arith.constant 0 : i32
    %scan3A_80 = arith.constant 62 : i32
    %scan3A_81 = arith.addi %scan3A_79, %scan3A_80 : i32
    %scan3A_82 = arith.constant 1 : i32
    scf.for %scan3A_165 = %scan3A_79 to %scan3A_81 step %scan3A_82  : i32 {
      %mul3A_166 = arith.constant 2 : i32
      %mul3A_167 = arith.muli %mul3A_166, %scan3A_165 : i32
      %add3A_168 = arith.constant 1 : i32
      %add3A_169 = arith.addi %mul3A_167, %add3A_168 : i32
      %add3A_170 = arith.constant 2 : i32
      %add3A_171 = arith.addi %mul3A_167, %add3A_170 : i32
      %eq3A_172 = arith.constant 0 : i32
      %eq3A_173 = arith.cmpi eq, %arg0, %eq3A_172 : i32
      %convert_element_type3A_174 = arith.extui %eq3A_173 : i1 to i32
      %cond3A_175 = arith.constant 0 : i32
      %cond3A_176 = arith.cmpi ne, %convert_element_type3A_174, %cond3A_175 : i32
      scf.if %cond3A_176 {
        %dma_wait3A_456 = arith.constant 0 : i32
        %dma_wait3A_457 = arith.constant 0 : i32
        %dma_wait3A_458 = tpu.memref_slice %arg8[%dma_wait3A_456, %dma_wait3A_457] : memref<25x80xi32, #tpu.memory_space<vmem>> -> memref<1x80xi32, #tpu.memory_space<vmem>>
        %dma_wait3A_459 = tpu.memref_squeeze %dma_wait3A_458 : memref<1x80xi32, #tpu.memory_space<vmem>> -> memref<80xi32, #tpu.memory_space<vmem>>
        %dma_wait3A_460 = arith.constant 0 : i32
        %dma_wait3A_461 = arith.constant 0 : i32
        %dma_wait3A_462 = tpu.memref_slice %arg2[%dma_wait3A_460, %dma_wait3A_461] : memref<10000x128xf32, #tpu.memory_space<hbm>> -> memref<10000x128xf32, #tpu.memory_space<hbm>>
        tpu.wait_indirect_dma semaphore(%arg17 : memref<!tpu.dma_semaphore, #tpu.memory_space<semaphore_mem>>) src(%dma_wait3A_462 : memref<10000x128xf32, #tpu.memory_space<hbm>>) dst(%arg10 : memref<80x128xf32, #tpu.memory_space<vmem>>)
      } else {
      }
      %eq3A_177 = arith.constant 1 : i32
      %eq3A_178 = arith.cmpi eq, %arg0, %eq3A_177 : i32
      %convert_element_type3A_179 = arith.extui %eq3A_178 : i1 to i32
      %cond3A_180 = arith.constant 0 : i32
      %cond3A_181 = arith.cmpi ne, %convert_element_type3A_179, %cond3A_180 : i32
      scf.if %cond3A_181 {
        %dma_wait3A_456 = arith.constant 0 : i32
        %dma_wait3A_457 = arith.constant 0 : i32
        %dma_wait3A_458 = tpu.memref_slice %arg8[%dma_wait3A_456, %dma_wait3A_457] : memref<25x80xi32, #tpu.memory_space<vmem>> -> memref<1x80xi32, #tpu.memory_space<vmem>>
        %dma_wait3A_459 = tpu.memref_squeeze %dma_wait3A_458 : memref<1x80xi32, #tpu.memory_space<vmem>> -> memref<80xi32, #tpu.memory_space<vmem>>
        %dma_wait3A_460 = arith.constant 0 : i32
        %dma_wait3A_461 = arith.constant 0 : i32
        %dma_wait3A_462 = tpu.memref_slice %arg3[%dma_wait3A_460, %dma_wait3A_461] : memref<10000x128xf32, #tpu.memory_space<hbm>> -> memref<10000x128xf32, #tpu.memory_space<hbm>>
        tpu.wait_indirect_dma semaphore(%arg17 : memref<!tpu.dma_semaphore, #tpu.memory_space<semaphore_mem>>) src(%dma_wait3A_462 : memref<10000x128xf32, #tpu.memory_space<hbm>>) dst(%arg10 : memref<80x128xf32, #tpu.memory_space<vmem>>)
      } else {
      }
      %dma_wait3A_182 = arith.constant 0 : i32
      %dma_wait3A_183 = arith.constant 0 : i32
      %dma_wait3A_184 = tpu.memref_slice %arg4[%arg0, %dma_wait3A_182, %dma_wait3A_183] : memref<2x160000x128xf32, #tpu.memory_space<hbm>> -> memref<1x80x128xf32, #tpu.memory_space<hbm>>
      %dma_wait3A_185 = tpu.memref_squeeze %dma_wait3A_184 : memref<1x80x128xf32, #tpu.memory_space<hbm>> -> memref<80x128xf32, #tpu.memory_space<hbm>>
      %dma_wait3A_186 = arith.constant 0 : i32
      %dma_wait3A_187 = arith.constant 0 : i32
      %dma_wait3A_188 = tpu.memref_slice %arg4[%arg0, %dma_wait3A_186, %dma_wait3A_187] : memref<2x160000x128xf32, #tpu.memory_space<hbm>> -> memref<1x80x128xf32, #tpu.memory_space<hbm>>
      %dma_wait3A_189 = tpu.memref_squeeze %dma_wait3A_188 : memref<1x80x128xf32, #tpu.memory_space<hbm>> -> memref<80x128xf32, #tpu.memory_space<hbm>>
      tpu.wait_dma2 semaphore(%arg18 : memref<!tpu.dma_semaphore, #tpu.memory_space<semaphore_mem>>) src(%dma_wait3A_189 : memref<80x128xf32, #tpu.memory_space<hbm>>) dst(%arg12 : memref<80x128xf32, #tpu.memory_space<vmem>>)
      %jit3A = arith.constant 25 : i32
      %eq3A_190 = arith.constant 0 : i32
      %eq3A_191 = arith.cmpi eq, %jit3A, %eq3A_190 : i32
      %jit3A_192 = arith.constant 1 : i32
      %select_n3A = arith.select %eq3A_191, %jit3A_192, %jit3A : i32
      %rem3A = arith.remsi %mul3A_167, %select_n3A : i32
      %ne3A = arith.constant 0 : i32
      %ne3A_193 = arith.cmpi ne, %rem3A, %ne3A : i32
      %lt3A_194 = arith.constant 0 : i32
      %lt3A_195 = arith.cmpi slt, %rem3A, %lt3A_194 : i32
      %lt3A_196 = arith.constant 0 : i32
      %lt3A_197 = arith.cmpi slt, %select_n3A, %lt3A_196 : i32
      %ne3A_198 = arith.xori %lt3A_195, %lt3A_197 : i1
      %and3A = arith.andi %ne3A_198, %ne3A_193 : i1
      %add3A_199 = arith.addi %rem3A, %select_n3A : i32
      %select_n3A_200 = arith.select %and3A, %add3A_199, %rem3A : i32
      %get3A_201 = arith.index_cast %select_n3A_200 : i32 to index
      %get3A_202 = arith.constant 0 : index
      %get3A_203 = tpu.vector_load %arg9[%get3A_201, %get3A_202] {strides = array<i32>} : memref<25x80xi32, #tpu.memory_space<vmem>>, vector<1x16xi32>,
      %get3A_204 = vector.shape_cast %get3A_203 : vector<1x16xi32> to vector<16xi32>
      %swap3A_205 = arith.constant 0 : index
      %swap3A_206 = tpu.vector_load %arg14[%swap3A_205] {strides = array<i32>} : memref<80xi32, #tpu.memory_space<vmem>>, vector<16xi32>,
      %swap3A_207 = vector.shape_cast %swap3A_206 : vector<16xi32> to vector<16xi32>
      %swap3A_208 = vector.shape_cast %get3A_204 : vector<16xi32> to vector<16xi32>
      tpu.vector_store %arg14[%swap3A_205], %swap3A_208 {strides = array<i32>} : memref<80xi32, #tpu.memory_space<vmem>>, vector<16xi32>,
      %get3A_209 = arith.index_cast %select_n3A_200 : i32 to index
      %get3A_210 = arith.constant 16 : index
      %get3A_211 = tpu.vector_load %arg9[%get3A_209, %get3A_210] {strides = array<i32>} : memref<25x80xi32, #tpu.memory_space<vmem>>, vector<1x16xi32>,
      %get3A_212 = vector.shape_cast %get3A_211 : vector<1x16xi32> to vector<16xi32>
      %swap3A_213 = arith.constant 16 : index
      %swap3A_214 = tpu.vector_load %arg14[%swap3A_213] {strides = array<i32>} : memref<80xi32, #tpu.memory_space<vmem>>, vector<16xi32>,
      %swap3A_215 = vector.shape_cast %swap3A_214 : vector<16xi32> to vector<16xi32>
      %swap3A_216 = vector.shape_cast %get3A_212 : vector<16xi32> to vector<16xi32>
      tpu.vector_store %arg14[%swap3A_213], %swap3A_216 {strides = array<i32>} : memref<80xi32, #tpu.memory_space<vmem>>, vector<16xi32>,
      %get3A_217 = arith.index_cast %select_n3A_200 : i32 to index
      %get3A_218 = arith.constant 32 : index
      %get3A_219 = tpu.vector_load %arg9[%get3A_217, %get3A_218] {strides = array<i32>} : memref<25x80xi32, #tpu.memory_space<vmem>>, vector<1x16xi32>,
      %get3A_220 = vector.shape_cast %get3A_219 : vector<1x16xi32> to vector<16xi32>
      %swap3A_221 = arith.constant 32 : index
      %swap3A_222 = tpu.vector_load %arg14[%swap3A_221] {strides = array<i32>} : memref<80xi32, #tpu.memory_space<vmem>>, vector<16xi32>,
      %swap3A_223 = vector.shape_cast %swap3A_222 : vector<16xi32> to vector<16xi32>
      %swap3A_224 = vector.shape_cast %get3A_220 : vector<16xi32> to vector<16xi32>
      tpu.vector_store %arg14[%swap3A_221], %swap3A_224 {strides = array<i32>} : memref<80xi32, #tpu.memory_space<vmem>>, vector<16xi32>,
      %get3A_225 = arith.index_cast %select_n3A_200 : i32 to index
      %get3A_226 = arith.constant 48 : index
      %get3A_227 = tpu.vector_load %arg9[%get3A_225, %get3A_226] {strides = array<i32>} : memref<25x80xi32, #tpu.memory_space<vmem>>, vector<1x16xi32>,
      %get3A_228 = vector.shape_cast %get3A_227 : vector<1x16xi32> to vector<16xi32>
      %swap3A_229 = arith.constant 48 : index
      %swap3A_230 = tpu.vector_load %arg14[%swap3A_229] {strides = array<i32>} : memref<80xi32, #tpu.memory_space<vmem>>, vector<16xi32>,
      %swap3A_231 = vector.shape_cast %swap3A_230 : vector<16xi32> to vector<16xi32>
      %swap3A_232 = vector.shape_cast %get3A_228 : vector<16xi32> to vector<16xi32>
      tpu.vector_store %arg14[%swap3A_229], %swap3A_232 {strides = array<i32>} : memref<80xi32, #tpu.memory_space<vmem>>, vector<16xi32>,
      %get3A_233 = arith.index_cast %select_n3A_200 : i32 to index
      %get3A_234 = arith.constant 64 : index
      %get3A_235 = tpu.vector_load %arg9[%get3A_233, %get3A_234] {strides = array<i32>} : memref<25x80xi32, #tpu.memory_space<vmem>>, vector<1x16xi32>,
      %get3A_236 = vector.shape_cast %get3A_235 : vector<1x16xi32> to vector<16xi32>
      %swap3A_237 = arith.constant 64 : index
      %swap3A_238 = tpu.vector_load %arg14[%swap3A_237] {strides = array<i32>} : memref<80xi32, #tpu.memory_space<vmem>>, vector<16xi32>,
      %swap3A_239 = vector.shape_cast %swap3A_238 : vector<16xi32> to vector<16xi32>
      %swap3A_240 = vector.shape_cast %get3A_236 : vector<16xi32> to vector<16xi32>
      tpu.vector_store %arg14[%swap3A_237], %swap3A_240 {strides = array<i32>} : memref<80xi32, #tpu.memory_space<vmem>>, vector<16xi32>,
      %jit3A_241 = arith.constant 25 : i32
      %eq3A_242 = arith.constant 0 : i32
      %eq3A_243 = arith.cmpi eq, %jit3A_241, %eq3A_242 : i32
      %jit3A_244 = arith.constant 1 : i32
      %select_n3A_245 = arith.select %eq3A_243, %jit3A_244, %jit3A_241 : i32
      %rem3A_246 = arith.remsi %add3A_169, %select_n3A_245 : i32
      %ne3A_247 = arith.constant 0 : i32
      %ne3A_248 = arith.cmpi ne, %rem3A_246, %ne3A_247 : i32
      %lt3A_249 = arith.constant 0 : i32
      %lt3A_250 = arith.cmpi slt, %rem3A_246, %lt3A_249 : i32
      %lt3A_251 = arith.constant 0 : i32
      %lt3A_252 = arith.cmpi slt, %select_n3A_245, %lt3A_251 : i32
      %ne3A_253 = arith.xori %lt3A_250, %lt3A_252 : i1
      %and3A_254 = arith.andi %ne3A_253, %ne3A_248 : i1
      %add3A_255 = arith.addi %rem3A_246, %select_n3A_245 : i32
      %select_n3A_256 = arith.select %and3A_254, %add3A_255, %rem3A_246 : i32
      %eq3A_257 = arith.constant 0 : i32
      %eq3A_258 = arith.cmpi eq, %select_n3A_256, %eq3A_257 : i32
      %convert_element_type3A_259 = arith.extui %eq3A_258 : i1 to i32
      %cond3A_260 = arith.constant 0 : i32
      %cond3A_261 = arith.cmpi ne, %convert_element_type3A_259, %cond3A_260 : i32
      scf.if %cond3A_261 {
        %jit3A_456 = arith.constant 25 : i32
        %div3A = arith.divsi %add3A_169, %jit3A_456 : i32
        %sign3A = arith.constant 0 : i32
        %sign3A_457 = arith.cmpi sgt, %add3A_169, %sign3A : i32
        %sign3A_458 = arith.extui %sign3A_457 : i1 to i32
        %sign3A_459 = arith.constant 0 : i32
        %sign3A_460 = arith.cmpi slt, %add3A_169, %sign3A_459 : i32
        %sign3A_461 = arith.extui %sign3A_460 : i1 to i32
        %sign3A_462 = arith.subi %sign3A_458, %sign3A_461 : i32
        %sign3A_463 = arith.constant 0 : i32
        %sign3A_464 = arith.cmpi sgt, %jit3A_456, %sign3A_463 : i32
        %sign3A_465 = arith.extui %sign3A_464 : i1 to i32
        %sign3A_466 = arith.constant 0 : i32
        %sign3A_467 = arith.cmpi slt, %jit3A_456, %sign3A_466 : i32
        %sign3A_468 = arith.extui %sign3A_467 : i1 to i32
        %sign3A_469 = arith.subi %sign3A_465, %sign3A_468 : i32
        %ne3A_470 = arith.cmpi ne, %sign3A_462, %sign3A_469 : i32
        %rem3A_471 = arith.remsi %add3A_169, %jit3A_456 : i32
        %ne3A_472 = arith.constant 0 : i32
        %ne3A_473 = arith.cmpi ne, %rem3A_471, %ne3A_472 : i32
        %and3A_474 = arith.andi %ne3A_470, %ne3A_473 : i1
        %sub3A = arith.constant 1 : i32
        %sub3A_475 = arith.subi %div3A, %sub3A : i32
        %select_n3A_476 = arith.select %and3A_474, %sub3A_475, %div3A : i32
        "tpu.region"() ({
          %run_scoped3A_477 = tpu.sem_alloc : memref<!tpu.dma_semaphore, #tpu.memory_space<semaphore_mem>>
          %dma_start3A_478 = arith.constant 0 : i32
          %dma_start3A_479 = arith.constant 0 : i32
          %dma_start3A_480 = tpu.memref_slice %arg5[%arg1, %select_n3A_476, %dma_start3A_478, %dma_start3A_479] : memref<16x5x25x80xi32, #tpu.memory_space<hbm>> -> memref<1x1x25x80xi32, #tpu.memory_space<hbm>>
          %dma_start3A_481 = tpu.memref_squeeze %dma_start3A_480 : memref<1x1x25x80xi32, #tpu.memory_space<hbm>> -> memref<25x80xi32, #tpu.memory_space<hbm>>
          %dma_start3A_482 = arith.constant 0 : i32
          %dma_start3A_483 = arith.constant 0 : i32
          %dma_start3A_484 = tpu.memref_slice %arg5[%arg1, %select_n3A_476, %dma_start3A_482, %dma_start3A_483] : memref<16x5x25x80xi32, #tpu.memory_space<hbm>> -> memref<1x1x25x80xi32, #tpu.memory_space<hbm>>
          %dma_start3A_485 = tpu.memref_squeeze %dma_start3A_484 : memref<1x1x25x80xi32, #tpu.memory_space<hbm>> -> memref<25x80xi32, #tpu.memory_space<hbm>>
          tpu.enqueue_dma source(%dma_start3A_485 : memref<25x80xi32, #tpu.memory_space<hbm>>) target(%arg8 : memref<25x80xi32, #tpu.memory_space<vmem>>) target_semaphore(%run_scoped3A_477 : memref<!tpu.dma_semaphore, #tpu.memory_space<semaphore_mem>>)
          %dma_wait3A_486 = arith.constant 0 : i32
          %dma_wait3A_487 = arith.constant 0 : i32
          %dma_wait3A_488 = tpu.memref_slice %arg5[%arg1, %select_n3A_476, %dma_wait3A_486, %dma_wait3A_487] : memref<16x5x25x80xi32, #tpu.memory_space<hbm>> -> memref<1x1x25x80xi32, #tpu.memory_space<hbm>>
          %dma_wait3A_489 = tpu.memref_squeeze %dma_wait3A_488 : memref<1x1x25x80xi32, #tpu.memory_space<hbm>> -> memref<25x80xi32, #tpu.memory_space<hbm>>
          %dma_wait3A_490 = arith.constant 0 : i32
          %dma_wait3A_491 = arith.constant 0 : i32
          %dma_wait3A_492 = tpu.memref_slice %arg5[%arg1, %select_n3A_476, %dma_wait3A_490, %dma_wait3A_491] : memref<16x5x25x80xi32, #tpu.memory_space<hbm>> -> memref<1x1x25x80xi32, #tpu.memory_space<hbm>>
          %dma_wait3A_493 = tpu.memref_squeeze %dma_wait3A_492 : memref<1x1x25x80xi32, #tpu.memory_space<hbm>> -> memref<25x80xi32, #tpu.memory_space<hbm>>
          tpu.wait_dma2 semaphore(%run_scoped3A_477 : memref<!tpu.dma_semaphore, #tpu.memory_space<semaphore_mem>>) src(%dma_wait3A_493 : memref<25x80xi32, #tpu.memory_space<hbm>>) dst(%arg8 : memref<25x80xi32, #tpu.memory_space<vmem>>)
          tpu.yield
        }) : () -> ()
        "tpu.region"() ({
          %run_scoped3A_477 = tpu.sem_alloc : memref<!tpu.dma_semaphore, #tpu.memory_space<semaphore_mem>>
          %dma_start3A_478 = arith.constant 0 : i32
          %dma_start3A_479 = arith.constant 0 : i32
          %dma_start3A_480 = tpu.memref_slice %arg6[%arg1, %select_n3A_476, %dma_start3A_478, %dma_start3A_479] : memref<16x5x25x80xi32, #tpu.memory_space<hbm>> -> memref<1x1x25x80xi32, #tpu.memory_space<hbm>>
          %dma_start3A_481 = tpu.memref_squeeze %dma_start3A_480 : memref<1x1x25x80xi32, #tpu.memory_space<hbm>> -> memref<25x80xi32, #tpu.memory_space<hbm>>
          %dma_start3A_482 = arith.constant 0 : i32
          %dma_start3A_483 = arith.constant 0 : i32
          %dma_start3A_484 = tpu.memref_slice %arg6[%arg1, %select_n3A_476, %dma_start3A_482, %dma_start3A_483] : memref<16x5x25x80xi32, #tpu.memory_space<hbm>> -> memref<1x1x25x80xi32, #tpu.memory_space<hbm>>
          %dma_start3A_485 = tpu.memref_squeeze %dma_start3A_484 : memref<1x1x25x80xi32, #tpu.memory_space<hbm>> -> memref<25x80xi32, #tpu.memory_space<hbm>>
          tpu.enqueue_dma source(%dma_start3A_485 : memref<25x80xi32, #tpu.memory_space<hbm>>) target(%arg9 : memref<25x80xi32, #tpu.memory_space<vmem>>) target_semaphore(%run_scoped3A_477 : memref<!tpu.dma_semaphore, #tpu.memory_space<semaphore_mem>>)
          %dma_wait3A_486 = arith.constant 0 : i32
          %dma_wait3A_487 = arith.constant 0 : i32
          %dma_wait3A_488 = tpu.memref_slice %arg6[%arg1, %select_n3A_476, %dma_wait3A_486, %dma_wait3A_487] : memref<16x5x25x80xi32, #tpu.memory_space<hbm>> -> memref<1x1x25x80xi32, #tpu.memory_space<hbm>>
          %dma_wait3A_489 = tpu.memref_squeeze %dma_wait3A_488 : memref<1x1x25x80xi32, #tpu.memory_space<hbm>> -> memref<25x80xi32, #tpu.memory_space<hbm>>
          %dma_wait3A_490 = arith.constant 0 : i32
          %dma_wait3A_491 = arith.constant 0 : i32
          %dma_wait3A_492 = tpu.memref_slice %arg6[%arg1, %select_n3A_476, %dma_wait3A_490, %dma_wait3A_491] : memref<16x5x25x80xi32, #tpu.memory_space<hbm>> -> memref<1x1x25x80xi32, #tpu.memory_space<hbm>>
          %dma_wait3A_493 = tpu.memref_squeeze %dma_wait3A_492 : memref<1x1x25x80xi32, #tpu.memory_space<hbm>> -> memref<25x80xi32, #tpu.memory_space<hbm>>
          tpu.wait_dma2 semaphore(%run_scoped3A_477 : memref<!tpu.dma_semaphore, #tpu.memory_space<semaphore_mem>>) src(%dma_wait3A_493 : memref<25x80xi32, #tpu.memory_space<hbm>>) dst(%arg9 : memref<25x80xi32, #tpu.memory_space<vmem>>)
          tpu.yield
        }) : () -> ()
      } else {
      }
      %gt3A = arith.constant 0 : i32
      %gt3A_262 = arith.cmpi sgt, %scan3A_165, %gt3A : i32
      %convert_element_type3A_263 = arith.extui %gt3A_262 : i1 to i32
      %cond3A_264 = arith.constant 0 : i32
      %cond3A_265 = arith.cmpi ne, %convert_element_type3A_263, %cond3A_264 : i32
      scf.if %cond3A_265 {
        %dma_wait3A_456 = arith.constant 0 : i32
        %dma_wait3A_457 = arith.constant 0 : i32
        %dma_wait3A_458 = tpu.memref_slice %arg16[%dma_wait3A_456, %dma_wait3A_457] : memref<10000x128xf32, #tpu.memory_space<vmem_shared>> -> memref<10000x128xf32, #tpu.memory_space<vmem_shared>>
        tpu.wait_indirect_dma semaphore(%arg22 : memref<!tpu.dma_semaphore, #tpu.memory_space<semaphore_mem>>) src(%arg11 : memref<80x128xf32, #tpu.memory_space<vmem>>) dst(%dma_wait3A_458 : memref<10000x128xf32, #tpu.memory_space<vmem_shared>>)
      } else {
      }
      %jit3A_266 = arith.constant 25 : i32
      %eq3A_267 = arith.constant 0 : i32
      %eq3A_268 = arith.cmpi eq, %jit3A_266, %eq3A_267 : i32
      %jit3A_269 = arith.constant 1 : i32
      %select_n3A_270 = arith.select %eq3A_268, %jit3A_269, %jit3A_266 : i32
      %rem3A_271 = arith.remsi %add3A_169, %select_n3A_270 : i32
      %ne3A_272 = arith.constant 0 : i32
      %ne3A_273 = arith.cmpi ne, %rem3A_271, %ne3A_272 : i32
      %lt3A_274 = arith.constant 0 : i32
      %lt3A_275 = arith.cmpi slt, %rem3A_271, %lt3A_274 : i32
      %lt3A_276 = arith.constant 0 : i32
      %lt3A_277 = arith.cmpi slt, %select_n3A_270, %lt3A_276 : i32
      %ne3A_278 = arith.xori %lt3A_275, %lt3A_277 : i1
      %and3A_279 = arith.andi %ne3A_278, %ne3A_273 : i1
      %add3A_280 = arith.addi %rem3A_271, %select_n3A_270 : i32
      %select_n3A_281 = arith.select %and3A_279, %add3A_280, %rem3A_271 : i32
      %eq3A_282 = arith.constant 0 : i32
      %eq3A_283 = arith.cmpi eq, %arg0, %eq3A_282 : i32
      %convert_element_type3A_284 = arith.extui %eq3A_283 : i1 to i32
      %cond3A_285 = arith.constant 0 : i32
      %cond3A_286 = arith.cmpi ne, %convert_element_type3A_284, %cond3A_285 : i32
      scf.if %cond3A_286 {
        %dma_start3A_456 = arith.constant 0 : i32
        %dma_start3A_457 = tpu.memref_slice %arg8[%select_n3A_281, %dma_start3A_456] : memref<25x80xi32, #tpu.memory_space<vmem>> -> memref<1x80xi32, #tpu.memory_space<vmem>>
        %dma_start3A_458 = tpu.memref_squeeze %dma_start3A_457 : memref<1x80xi32, #tpu.memory_space<vmem>> -> memref<80xi32, #tpu.memory_space<vmem>>
        %dma_start3A_459 = arith.constant 0 : i32
        %dma_start3A_460 = arith.constant 0 : i32
        %dma_start3A_461 = tpu.memref_slice %arg2[%dma_start3A_459, %dma_start3A_460] : memref<10000x128xf32, #tpu.memory_space<hbm>> -> memref<10000x128xf32, #tpu.memory_space<hbm>>
        tpu.enqueue_indirect_dma source(%dma_start3A_461 : memref<10000x128xf32, #tpu.memory_space<hbm>>) target(%arg11 : memref<80x128xf32, #tpu.memory_space<vmem>>) offsets(%dma_start3A_458 : memref<80xi32, #tpu.memory_space<vmem>>) semaphore(%arg19 : memref<!tpu.dma_semaphore, #tpu.memory_space<semaphore_mem>>)
      } else {
      }
      %eq3A_287 = arith.constant 1 : i32
      %eq3A_288 = arith.cmpi eq, %arg0, %eq3A_287 : i32
      %convert_element_type3A_289 = arith.extui %eq3A_288 : i1 to i32
      %cond3A_290 = arith.constant 0 : i32
      %cond3A_291 = arith.cmpi ne, %convert_element_type3A_289, %cond3A_290 : i32
      scf.if %cond3A_291 {
        %dma_start3A_456 = arith.constant 0 : i32
        %dma_start3A_457 = tpu.memref_slice %arg8[%select_n3A_281, %dma_start3A_456] : memref<25x80xi32, #tpu.memory_space<vmem>> -> memref<1x80xi32, #tpu.memory_space<vmem>>
        %dma_start3A_458 = tpu.memref_squeeze %dma_start3A_457 : memref<1x80xi32, #tpu.memory_space<vmem>> -> memref<80xi32, #tpu.memory_space<vmem>>
        %dma_start3A_459 = arith.constant 0 : i32
        %dma_start3A_460 = arith.constant 0 : i32
        %dma_start3A_461 = tpu.memref_slice %arg3[%dma_start3A_459, %dma_start3A_460] : memref<10000x128xf32, #tpu.memory_space<hbm>> -> memref<10000x128xf32, #tpu.memory_space<hbm>>
        tpu.enqueue_indirect_dma source(%dma_start3A_461 : memref<10000x128xf32, #tpu.memory_space<hbm>>) target(%arg11 : memref<80x128xf32, #tpu.memory_space<vmem>>) offsets(%dma_start3A_458 : memref<80xi32, #tpu.memory_space<vmem>>) semaphore(%arg19 : memref<!tpu.dma_semaphore, #tpu.memory_space<semaphore_mem>>)
      } else {
      }
      %mul3A_292 = arith.constant 10000 : i32
      %mul3A_293 = arith.muli %arg1, %mul3A_292 : i32
      %mul3A_294 = arith.constant 80 : i32
      %mul3A_295 = arith.muli %add3A_169, %mul3A_294 : i32
      %add3A_296 = arith.addi %mul3A_293, %mul3A_295 : i32
      %dma_start3A_297 = arith.constant 0 : i32
      %dma_start3A_298 = tpu.memref_slice %arg4[%arg0, %add3A_296, %dma_start3A_297] : memref<2x160000x128xf32, #tpu.memory_space<hbm>> -> memref<1x80x128xf32, #tpu.memory_space<hbm>>
      %dma_start3A_299 = tpu.memref_squeeze %dma_start3A_298 : memref<1x80x128xf32, #tpu.memory_space<hbm>> -> memref<80x128xf32, #tpu.memory_space<hbm>>
      %dma_start3A_300 = arith.constant 0 : i32
      %dma_start3A_301 = tpu.memref_slice %arg4[%arg0, %add3A_296, %dma_start3A_300] : memref<2x160000x128xf32, #tpu.memory_space<hbm>> -> memref<1x80x128xf32, #tpu.memory_space<hbm>>
      %dma_start3A_302 = tpu.memref_squeeze %dma_start3A_301 : memref<1x80x128xf32, #tpu.memory_space<hbm>> -> memref<80x128xf32, #tpu.memory_space<hbm>>
      tpu.enqueue_dma source(%dma_start3A_302 : memref<80x128xf32, #tpu.memory_space<hbm>>) target(%arg13 : memref<80x128xf32, #tpu.memory_space<vmem>>) target_semaphore(%arg20 : memref<!tpu.dma_semaphore, #tpu.memory_space<semaphore_mem>>)
      %scan3A_303 = arith.constant 0 : i32
      %scan3A_304 = arith.constant 0 : i32
      %scan3A_305 = arith.constant 40 : i32
      %scan3A_306 = arith.addi %scan3A_304, %scan3A_305 : i32
      %scan3A_307 = arith.constant 1 : i32
      scf.for %scan3A_456 = %scan3A_304 to %scan3A_306 step %scan3A_307  : i32 {
        %mul3A_457 = arith.constant 2 : i32
        %mul3A_458 = arith.muli %mul3A_457, %scan3A_456 : i32
        %add3A_459 = arith.constant 0 : i32
        %add3A_460 = arith.addi %mul3A_458, %add3A_459 : i32
        %get3A_461 = arith.index_cast %add3A_460 : i32 to index
        %get3A_462 = arith.constant 0 : index
        %get3A_463 = tpu.vector_load %arg10[%get3A_461, %get3A_462] {strides = array<i32>} : memref<80x128xf32, #tpu.memory_space<vmem>>, vector<1x16xf32>,
        %get3A_464 = vector.shape_cast %get3A_463 : vector<1x16xf32> to vector<16xf32>
        %mul3A_465 = arith.constant 2 : i32
        %mul3A_466 = arith.muli %mul3A_465, %scan3A_456 : i32
        %add3A_467 = arith.constant 0 : i32
        %add3A_468 = arith.addi %mul3A_466, %add3A_467 : i32
        %get3A_469 = arith.index_cast %add3A_468 : i32 to index
        %get3A_470 = arith.constant 0 : index
        %get3A_471 = tpu.vector_load %arg12[%get3A_469, %get3A_470] {strides = array<i32>} : memref<80x128xf32, #tpu.memory_space<vmem>>, vector<1x16xf32>,
        %get3A_472 = vector.shape_cast %get3A_471 : vector<1x16xf32> to vector<16xf32>
        %add3A_473 = arith.addf %get3A_464, %get3A_472 : vector<16xf32>
        %max3A = arith.constant 0.000000e+00 : f32
        %max3A_474 = vector.broadcast %max3A : f32 to vector<16xf32>
        %max3A_475 = arith.maximumf %add3A_473, %max3A_474 : vector<16xf32>
        %mul3A_476 = arith.constant 2 : i32
        %mul3A_477 = arith.muli %mul3A_476, %scan3A_456 : i32
        %add3A_478 = arith.constant 0 : i32
        %add3A_479 = arith.addi %mul3A_477, %add3A_478 : i32
        %swap3A_480 = arith.index_cast %add3A_479 : i32 to index
        %swap3A_481 = arith.constant 0 : index
        %swap3A_482 = tpu.vector_load %arg10[%swap3A_480, %swap3A_481] {strides = array<i32>} : memref<80x128xf32, #tpu.memory_space<vmem>>, vector<1x16xf32>,
        %swap3A_483 = vector.shape_cast %swap3A_482 : vector<1x16xf32> to vector<16xf32>
        %swap3A_484 = vector.shape_cast %max3A_475 : vector<16xf32> to vector<1x16xf32>
        tpu.vector_store %arg10[%swap3A_480, %swap3A_481], %swap3A_484 {strides = array<i32>} : memref<80x128xf32, #tpu.memory_space<vmem>>, vector<1x16xf32>,
        %mul3A_485 = arith.constant 2 : i32
        %mul3A_486 = arith.muli %mul3A_485, %scan3A_456 : i32
        %add3A_487 = arith.constant 0 : i32
        %add3A_488 = arith.addi %mul3A_486, %add3A_487 : i32
        %get3A_489 = arith.index_cast %add3A_488 : i32 to index
        %get3A_490 = arith.constant 16 : index
        %get3A_491 = tpu.vector_load %arg10[%get3A_489, %get3A_490] {strides = array<i32>} : memref<80x128xf32, #tpu.memory_space<vmem>>, vector<1x16xf32>,
        %get3A_492 = vector.shape_cast %get3A_491 : vector<1x16xf32> to vector<16xf32>
        %mul3A_493 = arith.constant 2 : i32
        %mul3A_494 = arith.muli %mul3A_493, %scan3A_456 : i32
        %add3A_495 = arith.constant 0 : i32
        %add3A_496 = arith.addi %mul3A_494, %add3A_495 : i32
        %get3A_497 = arith.index_cast %add3A_496 : i32 to index
        %get3A_498 = arith.constant 16 : index
        %get3A_499 = tpu.vector_load %arg12[%get3A_497, %get3A_498] {strides = array<i32>} : memref<80x128xf32, #tpu.memory_space<vmem>>, vector<1x16xf32>,
        %get3A_500 = vector.shape_cast %get3A_499 : vector<1x16xf32> to vector<16xf32>
        %add3A_501 = arith.addf %get3A_492, %get3A_500 : vector<16xf32>
        %max3A_502 = arith.constant 0.000000e+00 : f32
        %max3A_503 = vector.broadcast %max3A_502 : f32 to vector<16xf32>
        %max3A_504 = arith.maximumf %add3A_501, %max3A_503 : vector<16xf32>
        %mul3A_505 = arith.constant 2 : i32
        %mul3A_506 = arith.muli %mul3A_505, %scan3A_456 : i32
        %add3A_507 = arith.constant 0 : i32
        %add3A_508 = arith.addi %mul3A_506, %add3A_507 : i32
        %swap3A_509 = arith.index_cast %add3A_508 : i32 to index
        %swap3A_510 = arith.constant 16 : index
        %swap3A_511 = tpu.vector_load %arg10[%swap3A_509, %swap3A_510] {strides = array<i32>} : memref<80x128xf32, #tpu.memory_space<vmem>>, vector<1x16xf32>,
        %swap3A_512 = vector.shape_cast %swap3A_511 : vector<1x16xf32> to vector<16xf32>
        %swap3A_513 = vector.shape_cast %max3A_504 : vector<16xf32> to vector<1x16xf32>
        tpu.vector_store %arg10[%swap3A_509, %swap3A_510], %swap3A_513 {strides = array<i32>} : memref<80x128xf32, #tpu.memory_space<vmem>>, vector<1x16xf32>,
        %mul3A_514 = arith.constant 2 : i32
        %mul3A_515 = arith.muli %mul3A_514, %scan3A_456 : i32
        %add3A_516 = arith.constant 0 : i32
        %add3A_517 = arith.addi %mul3A_515, %add3A_516 : i32
        %get3A_518 = arith.index_cast %add3A_517 : i32 to index
        %get3A_519 = arith.constant 32 : index
        %get3A_520 = tpu.vector_load %arg10[%get3A_518, %get3A_519] {strides = array<i32>} : memref<80x128xf32, #tpu.memory_space<vmem>>, vector<1x16xf32>,
        %get3A_521 = vector.shape_cast %get3A_520 : vector<1x16xf32> to vector<16xf32>
        %mul3A_522 = arith.constant 2 : i32
        %mul3A_523 = arith.muli %mul3A_522, %scan3A_456 : i32
        %add3A_524 = arith.constant 0 : i32
        %add3A_525 = arith.addi %mul3A_523, %add3A_524 : i32
        %get3A_526 = arith.index_cast %add3A_525 : i32 to index
        %get3A_527 = arith.constant 32 : index
        %get3A_528 = tpu.vector_load %arg12[%get3A_526, %get3A_527] {strides = array<i32>} : memref<80x128xf32, #tpu.memory_space<vmem>>, vector<1x16xf32>,
        %get3A_529 = vector.shape_cast %get3A_528 : vector<1x16xf32> to vector<16xf32>
        %add3A_530 = arith.addf %get3A_521, %get3A_529 : vector<16xf32>
        %max3A_531 = arith.constant 0.000000e+00 : f32
        %max3A_532 = vector.broadcast %max3A_531 : f32 to vector<16xf32>
        %max3A_533 = arith.maximumf %add3A_530, %max3A_532 : vector<16xf32>
        %mul3A_534 = arith.constant 2 : i32
        %mul3A_535 = arith.muli %mul3A_534, %scan3A_456 : i32
        %add3A_536 = arith.constant 0 : i32
        %add3A_537 = arith.addi %mul3A_535, %add3A_536 : i32
        %swap3A_538 = arith.index_cast %add3A_537 : i32 to index
        %swap3A_539 = arith.constant 32 : index
        %swap3A_540 = tpu.vector_load %arg10[%swap3A_538, %swap3A_539] {strides = array<i32>} : memref<80x128xf32, #tpu.memory_space<vmem>>, vector<1x16xf32>,
        %swap3A_541 = vector.shape_cast %swap3A_540 : vector<1x16xf32> to vector<16xf32>
        %swap3A_542 = vector.shape_cast %max3A_533 : vector<16xf32> to vector<1x16xf32>
        tpu.vector_store %arg10[%swap3A_538, %swap3A_539], %swap3A_542 {strides = array<i32>} : memref<80x128xf32, #tpu.memory_space<vmem>>, vector<1x16xf32>,
        %mul3A_543 = arith.constant 2 : i32
        %mul3A_544 = arith.muli %mul3A_543, %scan3A_456 : i32
        %add3A_545 = arith.constant 0 : i32
        %add3A_546 = arith.addi %mul3A_544, %add3A_545 : i32
        %get3A_547 = arith.index_cast %add3A_546 : i32 to index
        %get3A_548 = arith.constant 48 : index
        %get3A_549 = tpu.vector_load %arg10[%get3A_547, %get3A_548] {strides = array<i32>} : memref<80x128xf32, #tpu.memory_space<vmem>>, vector<1x16xf32>,
        %get3A_550 = vector.shape_cast %get3A_549 : vector<1x16xf32> to vector<16xf32>
        %mul3A_551 = arith.constant 2 : i32
        %mul3A_552 = arith.muli %mul3A_551, %scan3A_456 : i32
        %add3A_553 = arith.constant 0 : i32
        %add3A_554 = arith.addi %mul3A_552, %add3A_553 : i32
        %get3A_555 = arith.index_cast %add3A_554 : i32 to index
        %get3A_556 = arith.constant 48 : index
        %get3A_557 = tpu.vector_load %arg12[%get3A_555, %get3A_556] {strides = array<i32>} : memref<80x128xf32, #tpu.memory_space<vmem>>, vector<1x16xf32>,
        %get3A_558 = vector.shape_cast %get3A_557 : vector<1x16xf32> to vector<16xf32>
        %add3A_559 = arith.addf %get3A_550, %get3A_558 : vector<16xf32>
        %max3A_560 = arith.constant 0.000000e+00 : f32
        %max3A_561 = vector.broadcast %max3A_560 : f32 to vector<16xf32>
        %max3A_562 = arith.maximumf %add3A_559, %max3A_561 : vector<16xf32>
        %mul3A_563 = arith.constant 2 : i32
        %mul3A_564 = arith.muli %mul3A_563, %scan3A_456 : i32
        %add3A_565 = arith.constant 0 : i32
        %add3A_566 = arith.addi %mul3A_564, %add3A_565 : i32
        %swap3A_567 = arith.index_cast %add3A_566 : i32 to index
        %swap3A_568 = arith.constant 48 : index
        %swap3A_569 = tpu.vector_load %arg10[%swap3A_567, %swap3A_568] {strides = array<i32>} : memref<80x128xf32, #tpu.memory_space<vmem>>, vector<1x16xf32>,
        %swap3A_570 = vector.shape_cast %swap3A_569 : vector<1x16xf32> to vector<16xf32>
        %swap3A_571 = vector.shape_cast %max3A_562 : vector<16xf32> to vector<1x16xf32>
        tpu.vector_store %arg10[%swap3A_567, %swap3A_568], %swap3A_571 {strides = array<i32>} : memref<80x128xf32, #tpu.memory_space<vmem>>, vector<1x16xf32>,
        %mul3A_572 = arith.constant 2 : i32
        %mul3A_573 = arith.muli %mul3A_572, %scan3A_456 : i32
        %add3A_574 = arith.constant 0 : i32
        %add3A_575 = arith.addi %mul3A_573, %add3A_574 : i32
        %get3A_576 = arith.index_cast %add3A_575 : i32 to index
        %get3A_577 = arith.constant 64 : index
        %get3A_578 = tpu.vector_load %arg10[%get3A_576, %get3A_577] {strides = array<i32>} : memref<80x128xf32, #tpu.memory_space<vmem>>, vector<1x16xf32>,
        %get3A_579 = vector.shape_cast %get3A_578 : vector<1x16xf32> to vector<16xf32>
        %mul3A_580 = arith.constant 2 : i32
        %mul3A_581 = arith.muli %mul3A_580, %scan3A_456 : i32
        %add3A_582 = arith.constant 0 : i32
        %add3A_583 = arith.addi %mul3A_581, %add3A_582 : i32
        %get3A_584 = arith.index_cast %add3A_583 : i32 to index
        %get3A_585 = arith.constant 64 : index
        %get3A_586 = tpu.vector_load %arg12[%get3A_584, %get3A_585] {strides = array<i32>} : memref<80x128xf32, #tpu.memory_space<vmem>>, vector<1x16xf32>,
        %get3A_587 = vector.shape_cast %get3A_586 : vector<1x16xf32> to vector<16xf32>
        %add3A_588 = arith.addf %get3A_579, %get3A_587 : vector<16xf32>
        %max3A_589 = arith.constant 0.000000e+00 : f32
        %max3A_590 = vector.broadcast %max3A_589 : f32 to vector<16xf32>
        %max3A_591 = arith.maximumf %add3A_588, %max3A_590 : vector<16xf32>
        %mul3A_592 = arith.constant 2 : i32
        %mul3A_593 = arith.muli %mul3A_592, %scan3A_456 : i32
        %add3A_594 = arith.constant 0 : i32
        %add3A_595 = arith.addi %mul3A_593, %add3A_594 : i32
        %swap3A_596 = arith.index_cast %add3A_595 : i32 to index
        %swap3A_597 = arith.constant 64 : index
        %swap3A_598 = tpu.vector_load %arg10[%swap3A_596, %swap3A_597] {strides = array<i32>} : memref<80x128xf32, #tpu.memory_space<vmem>>, vector<1x16xf32>,
        %swap3A_599 = vector.shape_cast %swap3A_598 : vector<1x16xf32> to vector<16xf32>
        %swap3A_600 = vector.shape_cast %max3A_591 : vector<16xf32> to vector<1x16xf32>
        tpu.vector_store %arg10[%swap3A_596, %swap3A_597], %swap3A_600 {strides = array<i32>} : memref<80x128xf32, #tpu.memory_space<vmem>>, vector<1x16xf32>,
        %mul3A_601 = arith.constant 2 : i32
        %mul3A_602 = arith.muli %mul3A_601, %scan3A_456 : i32
        %add3A_603 = arith.constant 0 : i32
        %add3A_604 = arith.addi %mul3A_602, %add3A_603 : i32
        %get3A_605 = arith.index_cast %add3A_604 : i32 to index
        %get3A_606 = arith.constant 80 : index
        %get3A_607 = tpu.vector_load %arg10[%get3A_605, %get3A_606] {strides = array<i32>} : memref<80x128xf32, #tpu.memory_space<vmem>>, vector<1x16xf32>,
        %get3A_608 = vector.shape_cast %get3A_607 : vector<1x16xf32> to vector<16xf32>
        %mul3A_609 = arith.constant 2 : i32
        %mul3A_610 = arith.muli %mul3A_609, %scan3A_456 : i32
        %add3A_611 = arith.constant 0 : i32
        %add3A_612 = arith.addi %mul3A_610, %add3A_611 : i32
        %get3A_613 = arith.index_cast %add3A_612 : i32 to index
        %get3A_614 = arith.constant 80 : index
        %get3A_615 = tpu.vector_load %arg12[%get3A_613, %get3A_614] {strides = array<i32>} : memref<80x128xf32, #tpu.memory_space<vmem>>, vector<1x16xf32>,
        %get3A_616 = vector.shape_cast %get3A_615 : vector<1x16xf32> to vector<16xf32>
        %add3A_617 = arith.addf %get3A_608, %get3A_616 : vector<16xf32>
        %max3A_618 = arith.constant 0.000000e+00 : f32
        %max3A_619 = vector.broadcast %max3A_618 : f32 to vector<16xf32>
        %max3A_620 = arith.maximumf %add3A_617, %max3A_619 : vector<16xf32>
        %mul3A_621 = arith.constant 2 : i32
        %mul3A_622 = arith.muli %mul3A_621, %scan3A_456 : i32
        %add3A_623 = arith.constant 0 : i32
        %add3A_624 = arith.addi %mul3A_622, %add3A_623 : i32
        %swap3A_625 = arith.index_cast %add3A_624 : i32 to index
        %swap3A_626 = arith.constant 80 : index
        %swap3A_627 = tpu.vector_load %arg10[%swap3A_625, %swap3A_626] {strides = array<i32>} : memref<80x128xf32, #tpu.memory_space<vmem>>, vector<1x16xf32>,
        %swap3A_628 = vector.shape_cast %swap3A_627 : vector<1x16xf32> to vector<16xf32>
        %swap3A_629 = vector.shape_cast %max3A_620 : vector<16xf32> to vector<1x16xf32>
        tpu.vector_store %arg10[%swap3A_625, %swap3A_626], %swap3A_629 {strides = array<i32>} : memref<80x128xf32, #tpu.memory_space<vmem>>, vector<1x16xf32>,
        %mul3A_630 = arith.constant 2 : i32
        %mul3A_631 = arith.muli %mul3A_630, %scan3A_456 : i32
        %add3A_632 = arith.constant 0 : i32
        %add3A_633 = arith.addi %mul3A_631, %add3A_632 : i32
        %get3A_634 = arith.index_cast %add3A_633 : i32 to index
        %get3A_635 = arith.constant 96 : index
        %get3A_636 = tpu.vector_load %arg10[%get3A_634, %get3A_635] {strides = array<i32>} : memref<80x128xf32, #tpu.memory_space<vmem>>, vector<1x16xf32>,
        %get3A_637 = vector.shape_cast %get3A_636 : vector<1x16xf32> to vector<16xf32>
        %mul3A_638 = arith.constant 2 : i32
        %mul3A_639 = arith.muli %mul3A_638, %scan3A_456 : i32
        %add3A_640 = arith.constant 0 : i32
        %add3A_641 = arith.addi %mul3A_639, %add3A_640 : i32
        %get3A_642 = arith.index_cast %add3A_641 : i32 to index
        %get3A_643 = arith.constant 96 : index
        %get3A_644 = tpu.vector_load %arg12[%get3A_642, %get3A_643] {strides = array<i32>} : memref<80x128xf32, #tpu.memory_space<vmem>>, vector<1x16xf32>,
        %get3A_645 = vector.shape_cast %get3A_644 : vector<1x16xf32> to vector<16xf32>
        %add3A_646 = arith.addf %get3A_637, %get3A_645 : vector<16xf32>
        %max3A_647 = arith.constant 0.000000e+00 : f32
        %max3A_648 = vector.broadcast %max3A_647 : f32 to vector<16xf32>
        %max3A_649 = arith.maximumf %add3A_646, %max3A_648 : vector<16xf32>
        %mul3A_650 = arith.constant 2 : i32
        %mul3A_651 = arith.muli %mul3A_650, %scan3A_456 : i32
        %add3A_652 = arith.constant 0 : i32
        %add3A_653 = arith.addi %mul3A_651, %add3A_652 : i32
        %swap3A_654 = arith.index_cast %add3A_653 : i32 to index
        %swap3A_655 = arith.constant 96 : index
        %swap3A_656 = tpu.vector_load %arg10[%swap3A_654, %swap3A_655] {strides = array<i32>} : memref<80x128xf32, #tpu.memory_space<vmem>>, vector<1x16xf32>,
        %swap3A_657 = vector.shape_cast %swap3A_656 : vector<1x16xf32> to vector<16xf32>
        %swap3A_658 = vector.shape_cast %max3A_649 : vector<16xf32> to vector<1x16xf32>
        tpu.vector_store %arg10[%swap3A_654, %swap3A_655], %swap3A_658 {strides = array<i32>} : memref<80x128xf32, #tpu.memory_space<vmem>>, vector<1x16xf32>,
        %mul3A_659 = arith.constant 2 : i32
        %mul3A_660 = arith.muli %mul3A_659, %scan3A_456 : i32
        %add3A_661 = arith.constant 0 : i32
        %add3A_662 = arith.addi %mul3A_660, %add3A_661 : i32
        %get3A_663 = arith.index_cast %add3A_662 : i32 to index
        %get3A_664 = arith.constant 112 : index
        %get3A_665 = tpu.vector_load %arg10[%get3A_663, %get3A_664] {strides = array<i32>} : memref<80x128xf32, #tpu.memory_space<vmem>>, vector<1x16xf32>,
        %get3A_666 = vector.shape_cast %get3A_665 : vector<1x16xf32> to vector<16xf32>
        %mul3A_667 = arith.constant 2 : i32
        %mul3A_668 = arith.muli %mul3A_667, %scan3A_456 : i32
        %add3A_669 = arith.constant 0 : i32
        %add3A_670 = arith.addi %mul3A_668, %add3A_669 : i32
        %get3A_671 = arith.index_cast %add3A_670 : i32 to index
        %get3A_672 = arith.constant 112 : index
        %get3A_673 = tpu.vector_load %arg12[%get3A_671, %get3A_672] {strides = array<i32>} : memref<80x128xf32, #tpu.memory_space<vmem>>, vector<1x16xf32>,
        %get3A_674 = vector.shape_cast %get3A_673 : vector<1x16xf32> to vector<16xf32>
        %add3A_675 = arith.addf %get3A_666, %get3A_674 : vector<16xf32>
        %max3A_676 = arith.constant 0.000000e+00 : f32
        %max3A_677 = vector.broadcast %max3A_676 : f32 to vector<16xf32>
        %max3A_678 = arith.maximumf %add3A_675, %max3A_677 : vector<16xf32>
        %mul3A_679 = arith.constant 2 : i32
        %mul3A_680 = arith.muli %mul3A_679, %scan3A_456 : i32
        %add3A_681 = arith.constant 0 : i32
        %add3A_682 = arith.addi %mul3A_680, %add3A_681 : i32
        %swap3A_683 = arith.index_cast %add3A_682 : i32 to index
        %swap3A_684 = arith.constant 112 : index
        %swap3A_685 = tpu.vector_load %arg10[%swap3A_683, %swap3A_684] {strides = array<i32>} : memref<80x128xf32, #tpu.memory_space<vmem>>, vector<1x16xf32>,
        %swap3A_686 = vector.shape_cast %swap3A_685 : vector<1x16xf32> to vector<16xf32>
        %swap3A_687 = vector.shape_cast %max3A_678 : vector<16xf32> to vector<1x16xf32>
        tpu.vector_store %arg10[%swap3A_683, %swap3A_684], %swap3A_687 {strides = array<i32>} : memref<80x128xf32, #tpu.memory_space<vmem>>, vector<1x16xf32>,
        %mul3A_688 = arith.constant 2 : i32
        %mul3A_689 = arith.muli %mul3A_688, %scan3A_456 : i32
        %add3A_690 = arith.constant 1 : i32
        %add3A_691 = arith.addi %mul3A_689, %add3A_690 : i32
        %get3A_692 = arith.index_cast %add3A_691 : i32 to index
        %get3A_693 = arith.constant 0 : index
        %get3A_694 = tpu.vector_load %arg10[%get3A_692, %get3A_693] {strides = array<i32>} : memref<80x128xf32, #tpu.memory_space<vmem>>, vector<1x16xf32>,
        %get3A_695 = vector.shape_cast %get3A_694 : vector<1x16xf32> to vector<16xf32>
        %mul3A_696 = arith.constant 2 : i32
        %mul3A_697 = arith.muli %mul3A_696, %scan3A_456 : i32
        %add3A_698 = arith.constant 1 : i32
        %add3A_699 = arith.addi %mul3A_697, %add3A_698 : i32
        %get3A_700 = arith.index_cast %add3A_699 : i32 to index
        %get3A_701 = arith.constant 0 : index
        %get3A_702 = tpu.vector_load %arg12[%get3A_700, %get3A_701] {strides = array<i32>} : memref<80x128xf32, #tpu.memory_space<vmem>>, vector<1x16xf32>,
        %get3A_703 = vector.shape_cast %get3A_702 : vector<1x16xf32> to vector<16xf32>
        %add3A_704 = arith.addf %get3A_695, %get3A_703 : vector<16xf32>
        %max3A_705 = arith.constant 0.000000e+00 : f32
        %max3A_706 = vector.broadcast %max3A_705 : f32 to vector<16xf32>
        %max3A_707 = arith.maximumf %add3A_704, %max3A_706 : vector<16xf32>
        %mul3A_708 = arith.constant 2 : i32
        %mul3A_709 = arith.muli %mul3A_708, %scan3A_456 : i32
        %add3A_710 = arith.constant 1 : i32
        %add3A_711 = arith.addi %mul3A_709, %add3A_710 : i32
        %swap3A_712 = arith.index_cast %add3A_711 : i32 to index
        %swap3A_713 = arith.constant 0 : index
        %swap3A_714 = tpu.vector_load %arg10[%swap3A_712, %swap3A_713] {strides = array<i32>} : memref<80x128xf32, #tpu.memory_space<vmem>>, vector<1x16xf32>,
        %swap3A_715 = vector.shape_cast %swap3A_714 : vector<1x16xf32> to vector<16xf32>
        %swap3A_716 = vector.shape_cast %max3A_707 : vector<16xf32> to vector<1x16xf32>
        tpu.vector_store %arg10[%swap3A_712, %swap3A_713], %swap3A_716 {strides = array<i32>} : memref<80x128xf32, #tpu.memory_space<vmem>>, vector<1x16xf32>,
        %mul3A_717 = arith.constant 2 : i32
        %mul3A_718 = arith.muli %mul3A_717, %scan3A_456 : i32
        %add3A_719 = arith.constant 1 : i32
        %add3A_720 = arith.addi %mul3A_718, %add3A_719 : i32
        %get3A_721 = arith.index_cast %add3A_720 : i32 to index
        %get3A_722 = arith.constant 16 : index
        %get3A_723 = tpu.vector_load %arg10[%get3A_721, %get3A_722] {strides = array<i32>} : memref<80x128xf32, #tpu.memory_space<vmem>>, vector<1x16xf32>,
        %get3A_724 = vector.shape_cast %get3A_723 : vector<1x16xf32> to vector<16xf32>
        %mul3A_725 = arith.constant 2 : i32
        %mul3A_726 = arith.muli %mul3A_725, %scan3A_456 : i32
        %add3A_727 = arith.constant 1 : i32
        %add3A_728 = arith.addi %mul3A_726, %add3A_727 : i32
        %get3A_729 = arith.index_cast %add3A_728 : i32 to index
        %get3A_730 = arith.constant 16 : index
        %get3A_731 = tpu.vector_load %arg12[%get3A_729, %get3A_730] {strides = array<i32>} : memref<80x128xf32, #tpu.memory_space<vmem>>, vector<1x16xf32>,
        %get3A_732 = vector.shape_cast %get3A_731 : vector<1x16xf32> to vector<16xf32>
        %add3A_733 = arith.addf %get3A_724, %get3A_732 : vector<16xf32>
        %max3A_734 = arith.constant 0.000000e+00 : f32
        %max3A_735 = vector.broadcast %max3A_734 : f32 to vector<16xf32>
        %max3A_736 = arith.maximumf %add3A_733, %max3A_735 : vector<16xf32>
        %mul3A_737 = arith.constant 2 : i32
        %mul3A_738 = arith.muli %mul3A_737, %scan3A_456 : i32
        %add3A_739 = arith.constant 1 : i32
        %add3A_740 = arith.addi %mul3A_738, %add3A_739 : i32
        %swap3A_741 = arith.index_cast %add3A_740 : i32 to index
        %swap3A_742 = arith.constant 16 : index
        %swap3A_743 = tpu.vector_load %arg10[%swap3A_741, %swap3A_742] {strides = array<i32>} : memref<80x128xf32, #tpu.memory_space<vmem>>, vector<1x16xf32>,
        %swap3A_744 = vector.shape_cast %swap3A_743 : vector<1x16xf32> to vector<16xf32>
        %swap3A_745 = vector.shape_cast %max3A_736 : vector<16xf32> to vector<1x16xf32>
        tpu.vector_store %arg10[%swap3A_741, %swap3A_742], %swap3A_745 {strides = array<i32>} : memref<80x128xf32, #tpu.memory_space<vmem>>, vector<1x16xf32>,
        %mul3A_746 = arith.constant 2 : i32
        %mul3A_747 = arith.muli %mul3A_746, %scan3A_456 : i32
        %add3A_748 = arith.constant 1 : i32
        %add3A_749 = arith.addi %mul3A_747, %add3A_748 : i32
        %get3A_750 = arith.index_cast %add3A_749 : i32 to index
        %get3A_751 = arith.constant 32 : index
        %get3A_752 = tpu.vector_load %arg10[%get3A_750, %get3A_751] {strides = array<i32>} : memref<80x128xf32, #tpu.memory_space<vmem>>, vector<1x16xf32>,
        %get3A_753 = vector.shape_cast %get3A_752 : vector<1x16xf32> to vector<16xf32>
        %mul3A_754 = arith.constant 2 : i32
        %mul3A_755 = arith.muli %mul3A_754, %scan3A_456 : i32
        %add3A_756 = arith.constant 1 : i32
        %add3A_757 = arith.addi %mul3A_755, %add3A_756 : i32
        %get3A_758 = arith.index_cast %add3A_757 : i32 to index
        %get3A_759 = arith.constant 32 : index
        %get3A_760 = tpu.vector_load %arg12[%get3A_758, %get3A_759] {strides = array<i32>} : memref<80x128xf32, #tpu.memory_space<vmem>>, vector<1x16xf32>,
        %get3A_761 = vector.shape_cast %get3A_760 : vector<1x16xf32> to vector<16xf32>
        %add3A_762 = arith.addf %get3A_753, %get3A_761 : vector<16xf32>
        %max3A_763 = arith.constant 0.000000e+00 : f32
        %max3A_764 = vector.broadcast %max3A_763 : f32 to vector<16xf32>
        %max3A_765 = arith.maximumf %add3A_762, %max3A_764 : vector<16xf32>
        %mul3A_766 = arith.constant 2 : i32
        %mul3A_767 = arith.muli %mul3A_766, %scan3A_456 : i32
        %add3A_768 = arith.constant 1 : i32
        %add3A_769 = arith.addi %mul3A_767, %add3A_768 : i32
        %swap3A_770 = arith.index_cast %add3A_769 : i32 to index
        %swap3A_771 = arith.constant 32 : index
        %swap3A_772 = tpu.vector_load %arg10[%swap3A_770, %swap3A_771] {strides = array<i32>} : memref<80x128xf32, #tpu.memory_space<vmem>>, vector<1x16xf32>,
        %swap3A_773 = vector.shape_cast %swap3A_772 : vector<1x16xf32> to vector<16xf32>
        %swap3A_774 = vector.shape_cast %max3A_765 : vector<16xf32> to vector<1x16xf32>
        tpu.vector_store %arg10[%swap3A_770, %swap3A_771], %swap3A_774 {strides = array<i32>} : memref<80x128xf32, #tpu.memory_space<vmem>>, vector<1x16xf32>,
        %mul3A_775 = arith.constant 2 : i32
        %mul3A_776 = arith.muli %mul3A_775, %scan3A_456 : i32
        %add3A_777 = arith.constant 1 : i32
        %add3A_778 = arith.addi %mul3A_776, %add3A_777 : i32
        %get3A_779 = arith.index_cast %add3A_778 : i32 to index
        %get3A_780 = arith.constant 48 : index
        %get3A_781 = tpu.vector_load %arg10[%get3A_779, %get3A_780] {strides = array<i32>} : memref<80x128xf32, #tpu.memory_space<vmem>>, vector<1x16xf32>,
        %get3A_782 = vector.shape_cast %get3A_781 : vector<1x16xf32> to vector<16xf32>
        %mul3A_783 = arith.constant 2 : i32
        %mul3A_784 = arith.muli %mul3A_783, %scan3A_456 : i32
        %add3A_785 = arith.constant 1 : i32
        %add3A_786 = arith.addi %mul3A_784, %add3A_785 : i32
        %get3A_787 = arith.index_cast %add3A_786 : i32 to index
        %get3A_788 = arith.constant 48 : index
        %get3A_789 = tpu.vector_load %arg12[%get3A_787, %get3A_788] {strides = array<i32>} : memref<80x128xf32, #tpu.memory_space<vmem>>, vector<1x16xf32>,
        %get3A_790 = vector.shape_cast %get3A_789 : vector<1x16xf32> to vector<16xf32>
        %add3A_791 = arith.addf %get3A_782, %get3A_790 : vector<16xf32>
        %max3A_792 = arith.constant 0.000000e+00 : f32
        %max3A_793 = vector.broadcast %max3A_792 : f32 to vector<16xf32>
        %max3A_794 = arith.maximumf %add3A_791, %max3A_793 : vector<16xf32>
        %mul3A_795 = arith.constant 2 : i32
        %mul3A_796 = arith.muli %mul3A_795, %scan3A_456 : i32
        %add3A_797 = arith.constant 1 : i32
        %add3A_798 = arith.addi %mul3A_796, %add3A_797 : i32
        %swap3A_799 = arith.index_cast %add3A_798 : i32 to index
        %swap3A_800 = arith.constant 48 : index
        %swap3A_801 = tpu.vector_load %arg10[%swap3A_799, %swap3A_800] {strides = array<i32>} : memref<80x128xf32, #tpu.memory_space<vmem>>, vector<1x16xf32>,
        %swap3A_802 = vector.shape_cast %swap3A_801 : vector<1x16xf32> to vector<16xf32>
        %swap3A_803 = vector.shape_cast %max3A_794 : vector<16xf32> to vector<1x16xf32>
        tpu.vector_store %arg10[%swap3A_799, %swap3A_800], %swap3A_803 {strides = array<i32>} : memref<80x128xf32, #tpu.memory_space<vmem>>, vector<1x16xf32>,
        %mul3A_804 = arith.constant 2 : i32
        %mul3A_805 = arith.muli %mul3A_804, %scan3A_456 : i32
        %add3A_806 = arith.constant 1 : i32
        %add3A_807 = arith.addi %mul3A_805, %add3A_806 : i32
        %get3A_808 = arith.index_cast %add3A_807 : i32 to index
        %get3A_809 = arith.constant 64 : index
        %get3A_810 = tpu.vector_load %arg10[%get3A_808, %get3A_809] {strides = array<i32>} : memref<80x128xf32, #tpu.memory_space<vmem>>, vector<1x16xf32>,
        %get3A_811 = vector.shape_cast %get3A_810 : vector<1x16xf32> to vector<16xf32>
        %mul3A_812 = arith.constant 2 : i32
        %mul3A_813 = arith.muli %mul3A_812, %scan3A_456 : i32
        %add3A_814 = arith.constant 1 : i32
        %add3A_815 = arith.addi %mul3A_813, %add3A_814 : i32
        %get3A_816 = arith.index_cast %add3A_815 : i32 to index
        %get3A_817 = arith.constant 64 : index
        %get3A_818 = tpu.vector_load %arg12[%get3A_816, %get3A_817] {strides = array<i32>} : memref<80x128xf32, #tpu.memory_space<vmem>>, vector<1x16xf32>,
        %get3A_819 = vector.shape_cast %get3A_818 : vector<1x16xf32> to vector<16xf32>
        %add3A_820 = arith.addf %get3A_811, %get3A_819 : vector<16xf32>
        %max3A_821 = arith.constant 0.000000e+00 : f32
        %max3A_822 = vector.broadcast %max3A_821 : f32 to vector<16xf32>
        %max3A_823 = arith.maximumf %add3A_820, %max3A_822 : vector<16xf32>
        %mul3A_824 = arith.constant 2 : i32
        %mul3A_825 = arith.muli %mul3A_824, %scan3A_456 : i32
        %add3A_826 = arith.constant 1 : i32
        %add3A_827 = arith.addi %mul3A_825, %add3A_826 : i32
        %swap3A_828 = arith.index_cast %add3A_827 : i32 to index
        %swap3A_829 = arith.constant 64 : index
        %swap3A_830 = tpu.vector_load %arg10[%swap3A_828, %swap3A_829] {strides = array<i32>} : memref<80x128xf32, #tpu.memory_space<vmem>>, vector<1x16xf32>,
        %swap3A_831 = vector.shape_cast %swap3A_830 : vector<1x16xf32> to vector<16xf32>
        %swap3A_832 = vector.shape_cast %max3A_823 : vector<16xf32> to vector<1x16xf32>
        tpu.vector_store %arg10[%swap3A_828, %swap3A_829], %swap3A_832 {strides = array<i32>} : memref<80x128xf32, #tpu.memory_space<vmem>>, vector<1x16xf32>,
        %mul3A_833 = arith.constant 2 : i32
        %mul3A_834 = arith.muli %mul3A_833, %scan3A_456 : i32
        %add3A_835 = arith.constant 1 : i32
        %add3A_836 = arith.addi %mul3A_834, %add3A_835 : i32
        %get3A_837 = arith.index_cast %add3A_836 : i32 to index
        %get3A_838 = arith.constant 80 : index
        %get3A_839 = tpu.vector_load %arg10[%get3A_837, %get3A_838] {strides = array<i32>} : memref<80x128xf32, #tpu.memory_space<vmem>>, vector<1x16xf32>,
        %get3A_840 = vector.shape_cast %get3A_839 : vector<1x16xf32> to vector<16xf32>
        %mul3A_841 = arith.constant 2 : i32
        %mul3A_842 = arith.muli %mul3A_841, %scan3A_456 : i32
        %add3A_843 = arith.constant 1 : i32
        %add3A_844 = arith.addi %mul3A_842, %add3A_843 : i32
        %get3A_845 = arith.index_cast %add3A_844 : i32 to index
        %get3A_846 = arith.constant 80 : index
        %get3A_847 = tpu.vector_load %arg12[%get3A_845, %get3A_846] {strides = array<i32>} : memref<80x128xf32, #tpu.memory_space<vmem>>, vector<1x16xf32>,
        %get3A_848 = vector.shape_cast %get3A_847 : vector<1x16xf32> to vector<16xf32>
        %add3A_849 = arith.addf %get3A_840, %get3A_848 : vector<16xf32>
        %max3A_850 = arith.constant 0.000000e+00 : f32
        %max3A_851 = vector.broadcast %max3A_850 : f32 to vector<16xf32>
        %max3A_852 = arith.maximumf %add3A_849, %max3A_851 : vector<16xf32>
        %mul3A_853 = arith.constant 2 : i32
        %mul3A_854 = arith.muli %mul3A_853, %scan3A_456 : i32
        %add3A_855 = arith.constant 1 : i32
        %add3A_856 = arith.addi %mul3A_854, %add3A_855 : i32
        %swap3A_857 = arith.index_cast %add3A_856 : i32 to index
        %swap3A_858 = arith.constant 80 : index
        %swap3A_859 = tpu.vector_load %arg10[%swap3A_857, %swap3A_858] {strides = array<i32>} : memref<80x128xf32, #tpu.memory_space<vmem>>, vector<1x16xf32>,
        %swap3A_860 = vector.shape_cast %swap3A_859 : vector<1x16xf32> to vector<16xf32>
        %swap3A_861 = vector.shape_cast %max3A_852 : vector<16xf32> to vector<1x16xf32>
        tpu.vector_store %arg10[%swap3A_857, %swap3A_858], %swap3A_861 {strides = array<i32>} : memref<80x128xf32, #tpu.memory_space<vmem>>, vector<1x16xf32>,
        %mul3A_862 = arith.constant 2 : i32
        %mul3A_863 = arith.muli %mul3A_862, %scan3A_456 : i32
        %add3A_864 = arith.constant 1 : i32
        %add3A_865 = arith.addi %mul3A_863, %add3A_864 : i32
        %get3A_866 = arith.index_cast %add3A_865 : i32 to index
        %get3A_867 = arith.constant 96 : index
        %get3A_868 = tpu.vector_load %arg10[%get3A_866, %get3A_867] {strides = array<i32>} : memref<80x128xf32, #tpu.memory_space<vmem>>, vector<1x16xf32>,
        %get3A_869 = vector.shape_cast %get3A_868 : vector<1x16xf32> to vector<16xf32>
        %mul3A_870 = arith.constant 2 : i32
        %mul3A_871 = arith.muli %mul3A_870, %scan3A_456 : i32
        %add3A_872 = arith.constant 1 : i32
        %add3A_873 = arith.addi %mul3A_871, %add3A_872 : i32
        %get3A_874 = arith.index_cast %add3A_873 : i32 to index
        %get3A_875 = arith.constant 96 : index
        %get3A_876 = tpu.vector_load %arg12[%get3A_874, %get3A_875] {strides = array<i32>} : memref<80x128xf32, #tpu.memory_space<vmem>>, vector<1x16xf32>,
        %get3A_877 = vector.shape_cast %get3A_876 : vector<1x16xf32> to vector<16xf32>
        %add3A_878 = arith.addf %get3A_869, %get3A_877 : vector<16xf32>
        %max3A_879 = arith.constant 0.000000e+00 : f32
        %max3A_880 = vector.broadcast %max3A_879 : f32 to vector<16xf32>
        %max3A_881 = arith.maximumf %add3A_878, %max3A_880 : vector<16xf32>
        %mul3A_882 = arith.constant 2 : i32
        %mul3A_883 = arith.muli %mul3A_882, %scan3A_456 : i32
        %add3A_884 = arith.constant 1 : i32
        %add3A_885 = arith.addi %mul3A_883, %add3A_884 : i32
        %swap3A_886 = arith.index_cast %add3A_885 : i32 to index
        %swap3A_887 = arith.constant 96 : index
        %swap3A_888 = tpu.vector_load %arg10[%swap3A_886, %swap3A_887] {strides = array<i32>} : memref<80x128xf32, #tpu.memory_space<vmem>>, vector<1x16xf32>,
        %swap3A_889 = vector.shape_cast %swap3A_888 : vector<1x16xf32> to vector<16xf32>
        %swap3A_890 = vector.shape_cast %max3A_881 : vector<16xf32> to vector<1x16xf32>
        tpu.vector_store %arg10[%swap3A_886, %swap3A_887], %swap3A_890 {strides = array<i32>} : memref<80x128xf32, #tpu.memory_space<vmem>>, vector<1x16xf32>,
        %mul3A_891 = arith.constant 2 : i32
        %mul3A_892 = arith.muli %mul3A_891, %scan3A_456 : i32
        %add3A_893 = arith.constant 1 : i32
        %add3A_894 = arith.addi %mul3A_892, %add3A_893 : i32
        %get3A_895 = arith.index_cast %add3A_894 : i32 to index
        %get3A_896 = arith.constant 112 : index
        %get3A_897 = tpu.vector_load %arg10[%get3A_895, %get3A_896] {strides = array<i32>} : memref<80x128xf32, #tpu.memory_space<vmem>>, vector<1x16xf32>,
        %get3A_898 = vector.shape_cast %get3A_897 : vector<1x16xf32> to vector<16xf32>
        %mul3A_899 = arith.constant 2 : i32
        %mul3A_900 = arith.muli %mul3A_899, %scan3A_456 : i32
        %add3A_901 = arith.constant 1 : i32
        %add3A_902 = arith.addi %mul3A_900, %add3A_901 : i32
        %get3A_903 = arith.index_cast %add3A_902 : i32 to index
        %get3A_904 = arith.constant 112 : index
        %get3A_905 = tpu.vector_load %arg12[%get3A_903, %get3A_904] {strides = array<i32>} : memref<80x128xf32, #tpu.memory_space<vmem>>, vector<1x16xf32>,
        %get3A_906 = vector.shape_cast %get3A_905 : vector<1x16xf32> to vector<16xf32>
        %add3A_907 = arith.addf %get3A_898, %get3A_906 : vector<16xf32>
        %max3A_908 = arith.constant 0.000000e+00 : f32
        %max3A_909 = vector.broadcast %max3A_908 : f32 to vector<16xf32>
        %max3A_910 = arith.maximumf %add3A_907, %max3A_909 : vector<16xf32>
        %mul3A_911 = arith.constant 2 : i32
        %mul3A_912 = arith.muli %mul3A_911, %scan3A_456 : i32
        %add3A_913 = arith.constant 1 : i32
        %add3A_914 = arith.addi %mul3A_912, %add3A_913 : i32
        %swap3A_915 = arith.index_cast %add3A_914 : i32 to index
        %swap3A_916 = arith.constant 112 : index
        %swap3A_917 = tpu.vector_load %arg10[%swap3A_915, %swap3A_916] {strides = array<i32>} : memref<80x128xf32, #tpu.memory_space<vmem>>, vector<1x16xf32>,
        %swap3A_918 = vector.shape_cast %swap3A_917 : vector<1x16xf32> to vector<16xf32>
        %swap3A_919 = vector.shape_cast %max3A_910 : vector<16xf32> to vector<1x16xf32>
        tpu.vector_store %arg10[%swap3A_915, %swap3A_916], %swap3A_919 {strides = array<i32>} : memref<80x128xf32, #tpu.memory_space<vmem>>, vector<1x16xf32>,
      }
      %scan3A_308 = arith.constant 40 : i32
      %dma_start3A_309 = arith.constant 0 : i32
      %dma_start3A_310 = arith.constant 0 : i32
      %dma_start3A_311 = tpu.memref_slice %arg16[%dma_start3A_309, %dma_start3A_310] : memref<10000x128xf32, #tpu.memory_space<vmem_shared>> -> memref<10000x128xf32, #tpu.memory_space<vmem_shared>>
      tpu.enqueue_indirect_dma source(%arg10 : memref<80x128xf32, #tpu.memory_space<vmem>>) target(%dma_start3A_311 : memref<10000x128xf32, #tpu.memory_space<vmem_shared>>) offsets(%arg14 : memref<80xi32, #tpu.memory_space<vmem>>) semaphore(%arg21 : memref<!tpu.dma_semaphore, #tpu.memory_space<semaphore_mem>>) {add = true}
      %eq3A_312 = arith.constant 0 : i32
      %eq3A_313 = arith.cmpi eq, %arg0, %eq3A_312 : i32
      %convert_element_type3A_314 = arith.extui %eq3A_313 : i1 to i32
      %cond3A_315 = arith.constant 0 : i32
      %cond3A_316 = arith.cmpi ne, %convert_element_type3A_314, %cond3A_315 : i32
      scf.if %cond3A_316 {
        %dma_wait3A_456 = arith.constant 0 : i32
        %dma_wait3A_457 = arith.constant 0 : i32
        %dma_wait3A_458 = tpu.memref_slice %arg8[%dma_wait3A_456, %dma_wait3A_457] : memref<25x80xi32, #tpu.memory_space<vmem>> -> memref<1x80xi32, #tpu.memory_space<vmem>>
        %dma_wait3A_459 = tpu.memref_squeeze %dma_wait3A_458 : memref<1x80xi32, #tpu.memory_space<vmem>> -> memref<80xi32, #tpu.memory_space<vmem>>
        %dma_wait3A_460 = arith.constant 0 : i32
        %dma_wait3A_461 = arith.constant 0 : i32
        %dma_wait3A_462 = tpu.memref_slice %arg2[%dma_wait3A_460, %dma_wait3A_461] : memref<10000x128xf32, #tpu.memory_space<hbm>> -> memref<10000x128xf32, #tpu.memory_space<hbm>>
        tpu.wait_indirect_dma semaphore(%arg19 : memref<!tpu.dma_semaphore, #tpu.memory_space<semaphore_mem>>) src(%dma_wait3A_462 : memref<10000x128xf32, #tpu.memory_space<hbm>>) dst(%arg11 : memref<80x128xf32, #tpu.memory_space<vmem>>)
      } else {
      }
      %eq3A_317 = arith.constant 1 : i32
      %eq3A_318 = arith.cmpi eq, %arg0, %eq3A_317 : i32
      %convert_element_type3A_319 = arith.extui %eq3A_318 : i1 to i32
      %cond3A_320 = arith.constant 0 : i32
      %cond3A_321 = arith.cmpi ne, %convert_element_type3A_319, %cond3A_320 : i32
      scf.if %cond3A_321 {
        %dma_wait3A_456 = arith.constant 0 : i32
        %dma_wait3A_457 = arith.constant 0 : i32
        %dma_wait3A_458 = tpu.memref_slice %arg8[%dma_wait3A_456, %dma_wait3A_457] : memref<25x80xi32, #tpu.memory_space<vmem>> -> memref<1x80xi32, #tpu.memory_space<vmem>>
        %dma_wait3A_459 = tpu.memref_squeeze %dma_wait3A_458 : memref<1x80xi32, #tpu.memory_space<vmem>> -> memref<80xi32, #tpu.memory_space<vmem>>
        %dma_wait3A_460 = arith.constant 0 : i32
        %dma_wait3A_461 = arith.constant 0 : i32
        %dma_wait3A_462 = tpu.memref_slice %arg3[%dma_wait3A_460, %dma_wait3A_461] : memref<10000x128xf32, #tpu.memory_space<hbm>> -> memref<10000x128xf32, #tpu.memory_space<hbm>>
        tpu.wait_indirect_dma semaphore(%arg19 : memref<!tpu.dma_semaphore, #tpu.memory_space<semaphore_mem>>) src(%dma_wait3A_462 : memref<10000x128xf32, #tpu.memory_space<hbm>>) dst(%arg11 : memref<80x128xf32, #tpu.memory_space<vmem>>)
      } else {
      }
      %dma_wait3A_322 = arith.constant 0 : i32
      %dma_wait3A_323 = arith.constant 0 : i32
      %dma_wait3A_324 = tpu.memref_slice %arg4[%arg0, %dma_wait3A_322, %dma_wait3A_323] : memref<2x160000x128xf32, #tpu.memory_space<hbm>> -> memref<1x80x128xf32, #tpu.memory_space<hbm>>
      %dma_wait3A_325 = tpu.memref_squeeze %dma_wait3A_324 : memref<1x80x128xf32, #tpu.memory_space<hbm>> -> memref<80x128xf32, #tpu.memory_space<hbm>>
      %dma_wait3A_326 = arith.constant 0 : i32
      %dma_wait3A_327 = arith.constant 0 : i32
      %dma_wait3A_328 = tpu.memref_slice %arg4[%arg0, %dma_wait3A_326, %dma_wait3A_327] : memref<2x160000x128xf32, #tpu.memory_space<hbm>> -> memref<1x80x128xf32, #tpu.memory_space<hbm>>
      %dma_wait3A_329 = tpu.memref_squeeze %dma_wait3A_328 : memref<1x80x128xf32, #tpu.memory_space<hbm>> -> memref<80x128xf32, #tpu.memory_space<hbm>>
      tpu.wait_dma2 semaphore(%arg20 : memref<!tpu.dma_semaphore, #tpu.memory_space<semaphore_mem>>) src(%dma_wait3A_329 : memref<80x128xf32, #tpu.memory_space<hbm>>) dst(%arg13 : memref<80x128xf32, #tpu.memory_space<vmem>>)
      %jit3A_330 = arith.constant 25 : i32
      %eq3A_331 = arith.constant 0 : i32
      %eq3A_332 = arith.cmpi eq, %jit3A_330, %eq3A_331 : i32
      %jit3A_333 = arith.constant 1 : i32
      %select_n3A_334 = arith.select %eq3A_332, %jit3A_333, %jit3A_330 : i32
      %rem3A_335 = arith.remsi %add3A_169, %select_n3A_334 : i32
      %ne3A_336 = arith.constant 0 : i32
      %ne3A_337 = arith.cmpi ne, %rem3A_335, %ne3A_336 : i32
      %lt3A_338 = arith.constant 0 : i32
      %lt3A_339 = arith.cmpi slt, %rem3A_335, %lt3A_338 : i32
      %lt3A_340 = arith.constant 0 : i32
      %lt3A_341 = arith.cmpi slt, %select_n3A_334, %lt3A_340 : i32
      %ne3A_342 = arith.xori %lt3A_339, %lt3A_341 : i1
      %and3A_343 = arith.andi %ne3A_342, %ne3A_337 : i1
      %add3A_344 = arith.addi %rem3A_335, %select_n3A_334 : i32
      %select_n3A_345 = arith.select %and3A_343, %add3A_344, %rem3A_335 : i32
      %get3A_346 = arith.index_cast %select_n3A_345 : i32 to index
      %get3A_347 = arith.constant 0 : index
      %get3A_348 = tpu.vector_load %arg9[%get3A_346, %get3A_347] {strides = array<i32>} : memref<25x80xi32, #tpu.memory_space<vmem>>, vector<1x16xi32>,
      %get3A_349 = vector.shape_cast %get3A_348 : vector<1x16xi32> to vector<16xi32>
      %swap3A_350 = arith.constant 0 : index
      %swap3A_351 = tpu.vector_load %arg15[%swap3A_350] {strides = array<i32>} : memref<80xi32, #tpu.memory_space<vmem>>, vector<16xi32>,
      %swap3A_352 = vector.shape_cast %swap3A_351 : vector<16xi32> to vector<16xi32>
      %swap3A_353 = vector.shape_cast %get3A_349 : vector<16xi32> to vector<16xi32>
      tpu.vector_store %arg15[%swap3A_350], %swap3A_353 {strides = array<i32>} : memref<80xi32, #tpu.memory_space<vmem>>, vector<16xi32>,
      %get3A_354 = arith.index_cast %select_n3A_345 : i32 to index
      %get3A_355 = arith.constant 16 : index
      %get3A_356 = tpu.vector_load %arg9[%get3A_354, %get3A_355] {strides = array<i32>} : memref<25x80xi32, #tpu.memory_space<vmem>>, vector<1x16xi32>,
      %get3A_357 = vector.shape_cast %get3A_356 : vector<1x16xi32> to vector<16xi32>
      %swap3A_358 = arith.constant 16 : index
      %swap3A_359 = tpu.vector_load %arg15[%swap3A_358] {strides = array<i32>} : memref<80xi32, #tpu.memory_space<vmem>>, vector<16xi32>,
      %swap3A_360 = vector.shape_cast %swap3A_359 : vector<16xi32> to vector<16xi32>
      %swap3A_361 = vector.shape_cast %get3A_357 : vector<16xi32> to vector<16xi32>
      tpu.vector_store %arg15[%swap3A_358], %swap3A_361 {strides = array<i32>} : memref<80xi32, #tpu.memory_space<vmem>>, vector<16xi32>,
      %get3A_362 = arith.index_cast %select_n3A_345 : i32 to index
      %get3A_363 = arith.constant 32 : index
      %get3A_364 = tpu.vector_load %arg9[%get3A_362, %get3A_363] {strides = array<i32>} : memref<25x80xi32, #tpu.memory_space<vmem>>, vector<1x16xi32>,
      %get3A_365 = vector.shape_cast %get3A_364 : vector<1x16xi32> to vector<16xi32>
      %swap3A_366 = arith.constant 32 : index
      %swap3A_367 = tpu.vector_load %arg15[%swap3A_366] {strides = array<i32>} : memref<80xi32, #tpu.memory_space<vmem>>, vector<16xi32>,
      %swap3A_368 = vector.shape_cast %swap3A_367 : vector<16xi32> to vector<16xi32>
      %swap3A_369 = vector.shape_cast %get3A_365 : vector<16xi32> to vector<16xi32>
      tpu.vector_store %arg15[%swap3A_366], %swap3A_369 {strides = array<i32>} : memref<80xi32, #tpu.memory_space<vmem>>, vector<16xi32>,
      %get3A_370 = arith.index_cast %select_n3A_345 : i32 to index
      %get3A_371 = arith.constant 48 : index
      %get3A_372 = tpu.vector_load %arg9[%get3A_370, %get3A_371] {strides = array<i32>} : memref<25x80xi32, #tpu.memory_space<vmem>>, vector<1x16xi32>,
      %get3A_373 = vector.shape_cast %get3A_372 : vector<1x16xi32> to vector<16xi32>
      %swap3A_374 = arith.constant 48 : index
      %swap3A_375 = tpu.vector_load %arg15[%swap3A_374] {strides = array<i32>} : memref<80xi32, #tpu.memory_space<vmem>>, vector<16xi32>,
      %swap3A_376 = vector.shape_cast %swap3A_375 : vector<16xi32> to vector<16xi32>
      %swap3A_377 = vector.shape_cast %get3A_373 : vector<16xi32> to vector<16xi32>
      tpu.vector_store %arg15[%swap3A_374], %swap3A_377 {strides = array<i32>} : memref<80xi32, #tpu.memory_space<vmem>>, vector<16xi32>,
      %get3A_378 = arith.index_cast %select_n3A_345 : i32 to index
      %get3A_379 = arith.constant 64 : index
      %get3A_380 = tpu.vector_load %arg9[%get3A_378, %get3A_379] {strides = array<i32>} : memref<25x80xi32, #tpu.memory_space<vmem>>, vector<1x16xi32>,
      %get3A_381 = vector.shape_cast %get3A_380 : vector<1x16xi32> to vector<16xi32>
      %swap3A_382 = arith.constant 64 : index
      %swap3A_383 = tpu.vector_load %arg15[%swap3A_382] {strides = array<i32>} : memref<80xi32, #tpu.memory_space<vmem>>, vector<16xi32>,
      %swap3A_384 = vector.shape_cast %swap3A_383 : vector<16xi32> to vector<16xi32>
      %swap3A_385 = vector.shape_cast %get3A_381 : vector<16xi32> to vector<16xi32>
      tpu.vector_store %arg15[%swap3A_382], %swap3A_385 {strides = array<i32>} : memref<80xi32, #tpu.memory_space<vmem>>, vector<16xi32>,
      %jit3A_386 = arith.constant 25 : i32
      %eq3A_387 = arith.constant 0 : i32
      %eq3A_388 = arith.cmpi eq, %jit3A_386, %eq3A_387 : i32
      %jit3A_389 = arith.constant 1 : i32
      %select_n3A_390 = arith.select %eq3A_388, %jit3A_389, %jit3A_386 : i32
      %rem3A_391 = arith.remsi %add3A_171, %select_n3A_390 : i32
      %ne3A_392 = arith.constant 0 : i32
      %ne3A_393 = arith.cmpi ne, %rem3A_391, %ne3A_392 : i32
      %lt3A_394 = arith.constant 0 : i32
      %lt3A_395 = arith.cmpi slt, %rem3A_391, %lt3A_394 : i32
      %lt3A_396 = arith.constant 0 : i32
      %lt3A_397 = arith.cmpi slt, %select_n3A_390, %lt3A_396 : i32
      %ne3A_398 = arith.xori %lt3A_395, %lt3A_397 : i1
      %and3A_399 = arith.andi %ne3A_398, %ne3A_393 : i1
      %add3A_400 = arith.addi %rem3A_391, %select_n3A_390 : i32
      %select_n3A_401 = arith.select %and3A_399, %add3A_400, %rem3A_391 : i32
      %eq3A_402 = arith.constant 0 : i32
      %eq3A_403 = arith.cmpi eq, %select_n3A_401, %eq3A_402 : i32
      %convert_element_type3A_404 = arith.extui %eq3A_403 : i1 to i32
      %cond3A_405 = arith.constant 0 : i32
      %cond3A_406 = arith.cmpi ne, %convert_element_type3A_404, %cond3A_405 : i32
      scf.if %cond3A_406 {
        %jit3A_456 = arith.constant 25 : i32
        %div3A = arith.divsi %add3A_171, %jit3A_456 : i32
        %sign3A = arith.constant 0 : i32
        %sign3A_457 = arith.cmpi sgt, %add3A_171, %sign3A : i32
        %sign3A_458 = arith.extui %sign3A_457 : i1 to i32
        %sign3A_459 = arith.constant 0 : i32
        %sign3A_460 = arith.cmpi slt, %add3A_171, %sign3A_459 : i32
        %sign3A_461 = arith.extui %sign3A_460 : i1 to i32
        %sign3A_462 = arith.subi %sign3A_458, %sign3A_461 : i32
        %sign3A_463 = arith.constant 0 : i32
        %sign3A_464 = arith.cmpi sgt, %jit3A_456, %sign3A_463 : i32
        %sign3A_465 = arith.extui %sign3A_464 : i1 to i32
        %sign3A_466 = arith.constant 0 : i32
        %sign3A_467 = arith.cmpi slt, %jit3A_456, %sign3A_466 : i32
        %sign3A_468 = arith.extui %sign3A_467 : i1 to i32
        %sign3A_469 = arith.subi %sign3A_465, %sign3A_468 : i32
        %ne3A_470 = arith.cmpi ne, %sign3A_462, %sign3A_469 : i32
        %rem3A_471 = arith.remsi %add3A_171, %jit3A_456 : i32
        %ne3A_472 = arith.constant 0 : i32
        %ne3A_473 = arith.cmpi ne, %rem3A_471, %ne3A_472 : i32
        %and3A_474 = arith.andi %ne3A_470, %ne3A_473 : i1
        %sub3A = arith.constant 1 : i32
        %sub3A_475 = arith.subi %div3A, %sub3A : i32
        %select_n3A_476 = arith.select %and3A_474, %sub3A_475, %div3A : i32
        "tpu.region"() ({
          %run_scoped3A_477 = tpu.sem_alloc : memref<!tpu.dma_semaphore, #tpu.memory_space<semaphore_mem>>
          %dma_start3A_478 = arith.constant 0 : i32
          %dma_start3A_479 = arith.constant 0 : i32
          %dma_start3A_480 = tpu.memref_slice %arg5[%arg1, %select_n3A_476, %dma_start3A_478, %dma_start3A_479] : memref<16x5x25x80xi32, #tpu.memory_space<hbm>> -> memref<1x1x25x80xi32, #tpu.memory_space<hbm>>
          %dma_start3A_481 = tpu.memref_squeeze %dma_start3A_480 : memref<1x1x25x80xi32, #tpu.memory_space<hbm>> -> memref<25x80xi32, #tpu.memory_space<hbm>>
          %dma_start3A_482 = arith.constant 0 : i32
          %dma_start3A_483 = arith.constant 0 : i32
          %dma_start3A_484 = tpu.memref_slice %arg5[%arg1, %select_n3A_476, %dma_start3A_482, %dma_start3A_483] : memref<16x5x25x80xi32, #tpu.memory_space<hbm>> -> memref<1x1x25x80xi32, #tpu.memory_space<hbm>>
          %dma_start3A_485 = tpu.memref_squeeze %dma_start3A_484 : memref<1x1x25x80xi32, #tpu.memory_space<hbm>> -> memref<25x80xi32, #tpu.memory_space<hbm>>
          tpu.enqueue_dma source(%dma_start3A_485 : memref<25x80xi32, #tpu.memory_space<hbm>>) target(%arg8 : memref<25x80xi32, #tpu.memory_space<vmem>>) target_semaphore(%run_scoped3A_477 : memref<!tpu.dma_semaphore, #tpu.memory_space<semaphore_mem>>)
          %dma_wait3A_486 = arith.constant 0 : i32
          %dma_wait3A_487 = arith.constant 0 : i32
          %dma_wait3A_488 = tpu.memref_slice %arg5[%arg1, %select_n3A_476, %dma_wait3A_486, %dma_wait3A_487] : memref<16x5x25x80xi32, #tpu.memory_space<hbm>> -> memref<1x1x25x80xi32, #tpu.memory_space<hbm>>
          %dma_wait3A_489 = tpu.memref_squeeze %dma_wait3A_488 : memref<1x1x25x80xi32, #tpu.memory_space<hbm>> -> memref<25x80xi32, #tpu.memory_space<hbm>>
          %dma_wait3A_490 = arith.constant 0 : i32
          %dma_wait3A_491 = arith.constant 0 : i32
          %dma_wait3A_492 = tpu.memref_slice %arg5[%arg1, %select_n3A_476, %dma_wait3A_490, %dma_wait3A_491] : memref<16x5x25x80xi32, #tpu.memory_space<hbm>> -> memref<1x1x25x80xi32, #tpu.memory_space<hbm>>
          %dma_wait3A_493 = tpu.memref_squeeze %dma_wait3A_492 : memref<1x1x25x80xi32, #tpu.memory_space<hbm>> -> memref<25x80xi32, #tpu.memory_space<hbm>>
          tpu.wait_dma2 semaphore(%run_scoped3A_477 : memref<!tpu.dma_semaphore, #tpu.memory_space<semaphore_mem>>) src(%dma_wait3A_493 : memref<25x80xi32, #tpu.memory_space<hbm>>) dst(%arg8 : memref<25x80xi32, #tpu.memory_space<vmem>>)
          tpu.yield
        }) : () -> ()
        "tpu.region"() ({
          %run_scoped3A_477 = tpu.sem_alloc : memref<!tpu.dma_semaphore, #tpu.memory_space<semaphore_mem>>
          %dma_start3A_478 = arith.constant 0 : i32
          %dma_start3A_479 = arith.constant 0 : i32
          %dma_start3A_480 = tpu.memref_slice %arg6[%arg1, %select_n3A_476, %dma_start3A_478, %dma_start3A_479] : memref<16x5x25x80xi32, #tpu.memory_space<hbm>> -> memref<1x1x25x80xi32, #tpu.memory_space<hbm>>
          %dma_start3A_481 = tpu.memref_squeeze %dma_start3A_480 : memref<1x1x25x80xi32, #tpu.memory_space<hbm>> -> memref<25x80xi32, #tpu.memory_space<hbm>>
          %dma_start3A_482 = arith.constant 0 : i32
          %dma_start3A_483 = arith.constant 0 : i32
          %dma_start3A_484 = tpu.memref_slice %arg6[%arg1, %select_n3A_476, %dma_start3A_482, %dma_start3A_483] : memref<16x5x25x80xi32, #tpu.memory_space<hbm>> -> memref<1x1x25x80xi32, #tpu.memory_space<hbm>>
          %dma_start3A_485 = tpu.memref_squeeze %dma_start3A_484 : memref<1x1x25x80xi32, #tpu.memory_space<hbm>> -> memref<25x80xi32, #tpu.memory_space<hbm>>
          tpu.enqueue_dma source(%dma_start3A_485 : memref<25x80xi32, #tpu.memory_space<hbm>>) target(%arg9 : memref<25x80xi32, #tpu.memory_space<vmem>>) target_semaphore(%run_scoped3A_477 : memref<!tpu.dma_semaphore, #tpu.memory_space<semaphore_mem>>)
          %dma_wait3A_486 = arith.constant 0 : i32
          %dma_wait3A_487 = arith.constant 0 : i32
          %dma_wait3A_488 = tpu.memref_slice %arg6[%arg1, %select_n3A_476, %dma_wait3A_486, %dma_wait3A_487] : memref<16x5x25x80xi32, #tpu.memory_space<hbm>> -> memref<1x1x25x80xi32, #tpu.memory_space<hbm>>
          %dma_wait3A_489 = tpu.memref_squeeze %dma_wait3A_488 : memref<1x1x25x80xi32, #tpu.memory_space<hbm>> -> memref<25x80xi32, #tpu.memory_space<hbm>>
          %dma_wait3A_490 = arith.constant 0 : i32
          %dma_wait3A_491 = arith.constant 0 : i32
          %dma_wait3A_492 = tpu.memref_slice %arg6[%arg1, %select_n3A_476, %dma_wait3A_490, %dma_wait3A_491] : memref<16x5x25x80xi32, #tpu.memory_space<hbm>> -> memref<1x1x25x80xi32, #tpu.memory_space<hbm>>
          %dma_wait3A_493 = tpu.memref_squeeze %dma_wait3A_492 : memref<1x1x25x80xi32, #tpu.memory_space<hbm>> -> memref<25x80xi32, #tpu.memory_space<hbm>>
          tpu.wait_dma2 semaphore(%run_scoped3A_477 : memref<!tpu.dma_semaphore, #tpu.memory_space<semaphore_mem>>) src(%dma_wait3A_493 : memref<25x80xi32, #tpu.memory_space<hbm>>) dst(%arg9 : memref<25x80xi32, #tpu.memory_space<vmem>>)
          tpu.yield
        }) : () -> ()
      } else {
      }
      %dma_wait3A_407 = arith.constant 0 : i32
      %dma_wait3A_408 = arith.constant 0 : i32
      %dma_wait3A_409 = tpu.memref_slice %arg16[%dma_wait3A_407, %dma_wait3A_408] : memref<10000x128xf32, #tpu.memory_space<vmem_shared>> -> memref<10000x128xf32, #tpu.memory_space<vmem_shared>>
      tpu.wait_indirect_dma semaphore(%arg21 : memref<!tpu.dma_semaphore, #tpu.memory_space<semaphore_mem>>) src(%arg10 : memref<80x128xf32, #tpu.memory_space<vmem>>) dst(%dma_wait3A_409 : memref<10000x128xf32, #tpu.memory_space<vmem_shared>>)
      %jit3A_410 = arith.constant 25 : i32
      %eq3A_411 = arith.constant 0 : i32
      %eq3A_412 = arith.cmpi eq, %jit3A_410, %eq3A_411 : i32
      %jit3A_413 = arith.constant 1 : i32
      %select_n3A_414 = arith.select %eq3A_412, %jit3A_413, %jit3A_410 : i32
      %rem3A_415 = arith.remsi %add3A_171, %select_n3A_414 : i32
      %ne3A_416 = arith.constant 0 : i32
      %ne3A_417 = arith.cmpi ne, %rem3A_415, %ne3A_416 : i32
      %lt3A_418 = arith.constant 0 : i32
      %lt3A_419 = arith.cmpi slt, %rem3A_415, %lt3A_418 : i32
      %lt3A_420 = arith.constant 0 : i32
      %lt3A_421 = arith.cmpi slt, %select_n3A_414, %lt3A_420 : i32
      %ne3A_422 = arith.xori %lt3A_419, %lt3A_421 : i1
      %and3A_423 = arith.andi %ne3A_422, %ne3A_417 : i1
      %add3A_424 = arith.addi %rem3A_415, %select_n3A_414 : i32
      %select_n3A_425 = arith.select %and3A_423, %add3A_424, %rem3A_415 : i32
      %eq3A_426 = arith.constant 0 : i32
      %eq3A_427 = arith.cmpi eq, %arg0, %eq3A_426 : i32
      %convert_element_type3A_428 = arith.extui %eq3A_427 : i1 to i32
      %cond3A_429 = arith.constant 0 : i32
      %cond3A_430 = arith.cmpi ne, %convert_element_type3A_428, %cond3A_429 : i32
      scf.if %cond3A_430 {
        %dma_start3A_456 = arith.constant 0 : i32
        %dma_start3A_457 = tpu.memref_slice %arg8[%select_n3A_425, %dma_start3A_456] : memref<25x80xi32, #tpu.memory_space<vmem>> -> memref<1x80xi32, #tpu.memory_space<vmem>>
        %dma_start3A_458 = tpu.memref_squeeze %dma_start3A_457 : memref<1x80xi32, #tpu.memory_space<vmem>> -> memref<80xi32, #tpu.memory_space<vmem>>
        %dma_start3A_459 = arith.constant 0 : i32
        %dma_start3A_460 = arith.constant 0 : i32
        %dma_start3A_461 = tpu.memref_slice %arg2[%dma_start3A_459, %dma_start3A_460] : memref<10000x128xf32, #tpu.memory_space<hbm>> -> memref<10000x128xf32, #tpu.memory_space<hbm>>
        tpu.enqueue_indirect_dma source(%dma_start3A_461 : memref<10000x128xf32, #tpu.memory_space<hbm>>) target(%arg10 : memref<80x128xf32, #tpu.memory_space<vmem>>) offsets(%dma_start3A_458 : memref<80xi32, #tpu.memory_space<vmem>>) semaphore(%arg17 : memref<!tpu.dma_semaphore, #tpu.memory_space<semaphore_mem>>)
      } else {
      }
      %eq3A_431 = arith.constant 1 : i32
      %eq3A_432 = arith.cmpi eq, %arg0, %eq3A_431 : i32
      %convert_element_type3A_433 = arith.extui %eq3A_432 : i1 to i32
      %cond3A_434 = arith.constant 0 : i32
      %cond3A_435 = arith.cmpi ne, %convert_element_type3A_433, %cond3A_434 : i32
      scf.if %cond3A_435 {
        %dma_start3A_456 = arith.constant 0 : i32
        %dma_start3A_457 = tpu.memref_slice %arg8[%select_n3A_425, %dma_start3A_456] : memref<25x80xi32, #tpu.memory_space<vmem>> -> memref<1x80xi32, #tpu.memory_space<vmem>>
        %dma_start3A_458 = tpu.memref_squeeze %dma_start3A_457 : memref<1x80xi32, #tpu.memory_space<vmem>> -> memref<80xi32, #tpu.memory_space<vmem>>
        %dma_start3A_459 = arith.constant 0 : i32
        %dma_start3A_460 = arith.constant 0 : i32
        %dma_start3A_461 = tpu.memref_slice %arg3[%dma_start3A_459, %dma_start3A_460] : memref<10000x128xf32, #tpu.memory_space<hbm>> -> memref<10000x128xf32, #tpu.memory_space<hbm>>
        tpu.enqueue_indirect_dma source(%dma_start3A_461 : memref<10000x128xf32, #tpu.memory_space<hbm>>) target(%arg10 : memref<80x128xf32, #tpu.memory_space<vmem>>) offsets(%dma_start3A_458 : memref<80xi32, #tpu.memory_space<vmem>>) semaphore(%arg17 : memref<!tpu.dma_semaphore, #tpu.memory_space<semaphore_mem>>)
      } else {
      }
      %mul3A_436 = arith.constant 10000 : i32
      %mul3A_437 = arith.muli %arg1, %mul3A_436 : i32
      %mul3A_438 = arith.constant 80 : i32
      %mul3A_439 = arith.muli %add3A_171, %mul3A_438 : i32
      %add3A_440 = arith.addi %mul3A_437, %mul3A_439 : i32
      %dma_start3A_441 = arith.constant 0 : i32
      %dma_start3A_442 = tpu.memref_slice %arg4[%arg0, %add3A_440, %dma_start3A_441] : memref<2x160000x128xf32, #tpu.memory_space<hbm>> -> memref<1x80x128xf32, #tpu.memory_space<hbm>>
      %dma_start3A_443 = tpu.memref_squeeze %dma_start3A_442 : memref<1x80x128xf32, #tpu.memory_space<hbm>> -> memref<80x128xf32, #tpu.memory_space<hbm>>
      %dma_start3A_444 = arith.constant 0 : i32
      %dma_start3A_445 = tpu.memref_slice %arg4[%arg0, %add3A_440, %dma_start3A_444] : memref<2x160000x128xf32, #tpu.memory_space<hbm>> -> memref<1x80x128xf32, #tpu.memory_space<hbm>>
      %dma_start3A_446 = tpu.memref_squeeze %dma_start3A_445 : memref<1x80x128xf32, #tpu.memory_space<hbm>> -> memref<80x128xf32, #tpu.memory_space<hbm>>
      tpu.enqueue_dma source(%dma_start3A_446 : memref<80x128xf32, #tpu.memory_space<hbm>>) target(%arg12 : memref<80x128xf32, #tpu.memory_space<vmem>>) target_semaphore(%arg18 : memref<!tpu.dma_semaphore, #tpu.memory_space<semaphore_mem>>)
      %scan3A_447 = arith.constant 0 : i32
      %scan3A_448 = arith.constant 0 : i32
      %scan3A_449 = arith.constant 40 : i32
      %scan3A_450 = arith.addi %scan3A_448, %scan3A_449 : i32
      %scan3A_451 = arith.constant 1 : i32
      scf.for %scan3A_456 = %scan3A_448 to %scan3A_450 step %scan3A_451  : i32 {
        %mul3A_457 = arith.constant 2 : i32
        %mul3A_458 = arith.muli %mul3A_457, %scan3A_456 : i32
        %add3A_459 = arith.constant 0 : i32
        %add3A_460 = arith.addi %mul3A_458, %add3A_459 : i32
        %get3A_461 = arith.index_cast %add3A_460 : i32 to index
        %get3A_462 = arith.constant 0 : index
        %get3A_463 = tpu.vector_load %arg11[%get3A_461, %get3A_462] {strides = array<i32>} : memref<80x128xf32, #tpu.memory_space<vmem>>, vector<1x16xf32>,
        %get3A_464 = vector.shape_cast %get3A_463 : vector<1x16xf32> to vector<16xf32>
        %mul3A_465 = arith.constant 2 : i32
        %mul3A_466 = arith.muli %mul3A_465, %scan3A_456 : i32
        %add3A_467 = arith.constant 0 : i32
        %add3A_468 = arith.addi %mul3A_466, %add3A_467 : i32
        %get3A_469 = arith.index_cast %add3A_468 : i32 to index
        %get3A_470 = arith.constant 0 : index
        %get3A_471 = tpu.vector_load %arg13[%get3A_469, %get3A_470] {strides = array<i32>} : memref<80x128xf32, #tpu.memory_space<vmem>>, vector<1x16xf32>,
        %get3A_472 = vector.shape_cast %get3A_471 : vector<1x16xf32> to vector<16xf32>
        %add3A_473 = arith.addf %get3A_464, %get3A_472 : vector<16xf32>
        %max3A = arith.constant 0.000000e+00 : f32
        %max3A_474 = vector.broadcast %max3A : f32 to vector<16xf32>
        %max3A_475 = arith.maximumf %add3A_473, %max3A_474 : vector<16xf32>
        %mul3A_476 = arith.constant 2 : i32
        %mul3A_477 = arith.muli %mul3A_476, %scan3A_456 : i32
        %add3A_478 = arith.constant 0 : i32
        %add3A_479 = arith.addi %mul3A_477, %add3A_478 : i32
        %swap3A_480 = arith.index_cast %add3A_479 : i32 to index
        %swap3A_481 = arith.constant 0 : index
        %swap3A_482 = tpu.vector_load %arg11[%swap3A_480, %swap3A_481] {strides = array<i32>} : memref<80x128xf32, #tpu.memory_space<vmem>>, vector<1x16xf32>,
        %swap3A_483 = vector.shape_cast %swap3A_482 : vector<1x16xf32> to vector<16xf32>
        %swap3A_484 = vector.shape_cast %max3A_475 : vector<16xf32> to vector<1x16xf32>
        tpu.vector_store %arg11[%swap3A_480, %swap3A_481], %swap3A_484 {strides = array<i32>} : memref<80x128xf32, #tpu.memory_space<vmem>>, vector<1x16xf32>,
        %mul3A_485 = arith.constant 2 : i32
        %mul3A_486 = arith.muli %mul3A_485, %scan3A_456 : i32
        %add3A_487 = arith.constant 0 : i32
        %add3A_488 = arith.addi %mul3A_486, %add3A_487 : i32
        %get3A_489 = arith.index_cast %add3A_488 : i32 to index
        %get3A_490 = arith.constant 16 : index
        %get3A_491 = tpu.vector_load %arg11[%get3A_489, %get3A_490] {strides = array<i32>} : memref<80x128xf32, #tpu.memory_space<vmem>>, vector<1x16xf32>,
        %get3A_492 = vector.shape_cast %get3A_491 : vector<1x16xf32> to vector<16xf32>
        %mul3A_493 = arith.constant 2 : i32
        %mul3A_494 = arith.muli %mul3A_493, %scan3A_456 : i32
        %add3A_495 = arith.constant 0 : i32
        %add3A_496 = arith.addi %mul3A_494, %add3A_495 : i32
        %get3A_497 = arith.index_cast %add3A_496 : i32 to index
        %get3A_498 = arith.constant 16 : index
        %get3A_499 = tpu.vector_load %arg13[%get3A_497, %get3A_498] {strides = array<i32>} : memref<80x128xf32, #tpu.memory_space<vmem>>, vector<1x16xf32>,
        %get3A_500 = vector.shape_cast %get3A_499 : vector<1x16xf32> to vector<16xf32>
        %add3A_501 = arith.addf %get3A_492, %get3A_500 : vector<16xf32>
        %max3A_502 = arith.constant 0.000000e+00 : f32
        %max3A_503 = vector.broadcast %max3A_502 : f32 to vector<16xf32>
        %max3A_504 = arith.maximumf %add3A_501, %max3A_503 : vector<16xf32>
        %mul3A_505 = arith.constant 2 : i32
        %mul3A_506 = arith.muli %mul3A_505, %scan3A_456 : i32
        %add3A_507 = arith.constant 0 : i32
        %add3A_508 = arith.addi %mul3A_506, %add3A_507 : i32
        %swap3A_509 = arith.index_cast %add3A_508 : i32 to index
        %swap3A_510 = arith.constant 16 : index
        %swap3A_511 = tpu.vector_load %arg11[%swap3A_509, %swap3A_510] {strides = array<i32>} : memref<80x128xf32, #tpu.memory_space<vmem>>, vector<1x16xf32>,
        %swap3A_512 = vector.shape_cast %swap3A_511 : vector<1x16xf32> to vector<16xf32>
        %swap3A_513 = vector.shape_cast %max3A_504 : vector<16xf32> to vector<1x16xf32>
        tpu.vector_store %arg11[%swap3A_509, %swap3A_510], %swap3A_513 {strides = array<i32>} : memref<80x128xf32, #tpu.memory_space<vmem>>, vector<1x16xf32>,
        %mul3A_514 = arith.constant 2 : i32
        %mul3A_515 = arith.muli %mul3A_514, %scan3A_456 : i32
        %add3A_516 = arith.constant 0 : i32
        %add3A_517 = arith.addi %mul3A_515, %add3A_516 : i32
        %get3A_518 = arith.index_cast %add3A_517 : i32 to index
        %get3A_519 = arith.constant 32 : index
        %get3A_520 = tpu.vector_load %arg11[%get3A_518, %get3A_519] {strides = array<i32>} : memref<80x128xf32, #tpu.memory_space<vmem>>, vector<1x16xf32>,
        %get3A_521 = vector.shape_cast %get3A_520 : vector<1x16xf32> to vector<16xf32>
        %mul3A_522 = arith.constant 2 : i32
        %mul3A_523 = arith.muli %mul3A_522, %scan3A_456 : i32
        %add3A_524 = arith.constant 0 : i32
        %add3A_525 = arith.addi %mul3A_523, %add3A_524 : i32
        %get3A_526 = arith.index_cast %add3A_525 : i32 to index
        %get3A_527 = arith.constant 32 : index
        %get3A_528 = tpu.vector_load %arg13[%get3A_526, %get3A_527] {strides = array<i32>} : memref<80x128xf32, #tpu.memory_space<vmem>>, vector<1x16xf32>,
        %get3A_529 = vector.shape_cast %get3A_528 : vector<1x16xf32> to vector<16xf32>
        %add3A_530 = arith.addf %get3A_521, %get3A_529 : vector<16xf32>
        %max3A_531 = arith.constant 0.000000e+00 : f32
        %max3A_532 = vector.broadcast %max3A_531 : f32 to vector<16xf32>
        %max3A_533 = arith.maximumf %add3A_530, %max3A_532 : vector<16xf32>
        %mul3A_534 = arith.constant 2 : i32
        %mul3A_535 = arith.muli %mul3A_534, %scan3A_456 : i32
        %add3A_536 = arith.constant 0 : i32
        %add3A_537 = arith.addi %mul3A_535, %add3A_536 : i32
        %swap3A_538 = arith.index_cast %add3A_537 : i32 to index
        %swap3A_539 = arith.constant 32 : index
        %swap3A_540 = tpu.vector_load %arg11[%swap3A_538, %swap3A_539] {strides = array<i32>} : memref<80x128xf32, #tpu.memory_space<vmem>>, vector<1x16xf32>,
        %swap3A_541 = vector.shape_cast %swap3A_540 : vector<1x16xf32> to vector<16xf32>
        %swap3A_542 = vector.shape_cast %max3A_533 : vector<16xf32> to vector<1x16xf32>
        tpu.vector_store %arg11[%swap3A_538, %swap3A_539], %swap3A_542 {strides = array<i32>} : memref<80x128xf32, #tpu.memory_space<vmem>>, vector<1x16xf32>,
        %mul3A_543 = arith.constant 2 : i32
        %mul3A_544 = arith.muli %mul3A_543, %scan3A_456 : i32
        %add3A_545 = arith.constant 0 : i32
        %add3A_546 = arith.addi %mul3A_544, %add3A_545 : i32
        %get3A_547 = arith.index_cast %add3A_546 : i32 to index
        %get3A_548 = arith.constant 48 : index
        %get3A_549 = tpu.vector_load %arg11[%get3A_547, %get3A_548] {strides = array<i32>} : memref<80x128xf32, #tpu.memory_space<vmem>>, vector<1x16xf32>,
        %get3A_550 = vector.shape_cast %get3A_549 : vector<1x16xf32> to vector<16xf32>
        %mul3A_551 = arith.constant 2 : i32
        %mul3A_552 = arith.muli %mul3A_551, %scan3A_456 : i32
        %add3A_553 = arith.constant 0 : i32
        %add3A_554 = arith.addi %mul3A_552, %add3A_553 : i32
        %get3A_555 = arith.index_cast %add3A_554 : i32 to index
        %get3A_556 = arith.constant 48 : index
        %get3A_557 = tpu.vector_load %arg13[%get3A_555, %get3A_556] {strides = array<i32>} : memref<80x128xf32, #tpu.memory_space<vmem>>, vector<1x16xf32>,
        %get3A_558 = vector.shape_cast %get3A_557 : vector<1x16xf32> to vector<16xf32>
        %add3A_559 = arith.addf %get3A_550, %get3A_558 : vector<16xf32>
        %max3A_560 = arith.constant 0.000000e+00 : f32
        %max3A_561 = vector.broadcast %max3A_560 : f32 to vector<16xf32>
        %max3A_562 = arith.maximumf %add3A_559, %max3A_561 : vector<16xf32>
        %mul3A_563 = arith.constant 2 : i32
        %mul3A_564 = arith.muli %mul3A_563, %scan3A_456 : i32
        %add3A_565 = arith.constant 0 : i32
        %add3A_566 = arith.addi %mul3A_564, %add3A_565 : i32
        %swap3A_567 = arith.index_cast %add3A_566 : i32 to index
        %swap3A_568 = arith.constant 48 : index
        %swap3A_569 = tpu.vector_load %arg11[%swap3A_567, %swap3A_568] {strides = array<i32>} : memref<80x128xf32, #tpu.memory_space<vmem>>, vector<1x16xf32>,
        %swap3A_570 = vector.shape_cast %swap3A_569 : vector<1x16xf32> to vector<16xf32>
        %swap3A_571 = vector.shape_cast %max3A_562 : vector<16xf32> to vector<1x16xf32>
        tpu.vector_store %arg11[%swap3A_567, %swap3A_568], %swap3A_571 {strides = array<i32>} : memref<80x128xf32, #tpu.memory_space<vmem>>, vector<1x16xf32>,
        %mul3A_572 = arith.constant 2 : i32
        %mul3A_573 = arith.muli %mul3A_572, %scan3A_456 : i32
        %add3A_574 = arith.constant 0 : i32
        %add3A_575 = arith.addi %mul3A_573, %add3A_574 : i32
        %get3A_576 = arith.index_cast %add3A_575 : i32 to index
        %get3A_577 = arith.constant 64 : index
        %get3A_578 = tpu.vector_load %arg11[%get3A_576, %get3A_577] {strides = array<i32>} : memref<80x128xf32, #tpu.memory_space<vmem>>, vector<1x16xf32>,
        %get3A_579 = vector.shape_cast %get3A_578 : vector<1x16xf32> to vector<16xf32>
        %mul3A_580 = arith.constant 2 : i32
        %mul3A_581 = arith.muli %mul3A_580, %scan3A_456 : i32
        %add3A_582 = arith.constant 0 : i32
        %add3A_583 = arith.addi %mul3A_581, %add3A_582 : i32
        %get3A_584 = arith.index_cast %add3A_583 : i32 to index
        %get3A_585 = arith.constant 64 : index
        %get3A_586 = tpu.vector_load %arg13[%get3A_584, %get3A_585] {strides = array<i32>} : memref<80x128xf32, #tpu.memory_space<vmem>>, vector<1x16xf32>,
        %get3A_587 = vector.shape_cast %get3A_586 : vector<1x16xf32> to vector<16xf32>
        %add3A_588 = arith.addf %get3A_579, %get3A_587 : vector<16xf32>
        %max3A_589 = arith.constant 0.000000e+00 : f32
        %max3A_590 = vector.broadcast %max3A_589 : f32 to vector<16xf32>
        %max3A_591 = arith.maximumf %add3A_588, %max3A_590 : vector<16xf32>
        %mul3A_592 = arith.constant 2 : i32
        %mul3A_593 = arith.muli %mul3A_592, %scan3A_456 : i32
        %add3A_594 = arith.constant 0 : i32
        %add3A_595 = arith.addi %mul3A_593, %add3A_594 : i32
        %swap3A_596 = arith.index_cast %add3A_595 : i32 to index
        %swap3A_597 = arith.constant 64 : index
        %swap3A_598 = tpu.vector_load %arg11[%swap3A_596, %swap3A_597] {strides = array<i32>} : memref<80x128xf32, #tpu.memory_space<vmem>>, vector<1x16xf32>,
        %swap3A_599 = vector.shape_cast %swap3A_598 : vector<1x16xf32> to vector<16xf32>
        %swap3A_600 = vector.shape_cast %max3A_591 : vector<16xf32> to vector<1x16xf32>
        tpu.vector_store %arg11[%swap3A_596, %swap3A_597], %swap3A_600 {strides = array<i32>} : memref<80x128xf32, #tpu.memory_space<vmem>>, vector<1x16xf32>,
        %mul3A_601 = arith.constant 2 : i32
        %mul3A_602 = arith.muli %mul3A_601, %scan3A_456 : i32
        %add3A_603 = arith.constant 0 : i32
        %add3A_604 = arith.addi %mul3A_602, %add3A_603 : i32
        %get3A_605 = arith.index_cast %add3A_604 : i32 to index
        %get3A_606 = arith.constant 80 : index
        %get3A_607 = tpu.vector_load %arg11[%get3A_605, %get3A_606] {strides = array<i32>} : memref<80x128xf32, #tpu.memory_space<vmem>>, vector<1x16xf32>,
        %get3A_608 = vector.shape_cast %get3A_607 : vector<1x16xf32> to vector<16xf32>
        %mul3A_609 = arith.constant 2 : i32
        %mul3A_610 = arith.muli %mul3A_609, %scan3A_456 : i32
        %add3A_611 = arith.constant 0 : i32
        %add3A_612 = arith.addi %mul3A_610, %add3A_611 : i32
        %get3A_613 = arith.index_cast %add3A_612 : i32 to index
        %get3A_614 = arith.constant 80 : index
        %get3A_615 = tpu.vector_load %arg13[%get3A_613, %get3A_614] {strides = array<i32>} : memref<80x128xf32, #tpu.memory_space<vmem>>, vector<1x16xf32>,
        %get3A_616 = vector.shape_cast %get3A_615 : vector<1x16xf32> to vector<16xf32>
        %add3A_617 = arith.addf %get3A_608, %get3A_616 : vector<16xf32>
        %max3A_618 = arith.constant 0.000000e+00 : f32
        %max3A_619 = vector.broadcast %max3A_618 : f32 to vector<16xf32>
        %max3A_620 = arith.maximumf %add3A_617, %max3A_619 : vector<16xf32>
        %mul3A_621 = arith.constant 2 : i32
        %mul3A_622 = arith.muli %mul3A_621, %scan3A_456 : i32
        %add3A_623 = arith.constant 0 : i32
        %add3A_624 = arith.addi %mul3A_622, %add3A_623 : i32
        %swap3A_625 = arith.index_cast %add3A_624 : i32 to index
        %swap3A_626 = arith.constant 80 : index
        %swap3A_627 = tpu.vector_load %arg11[%swap3A_625, %swap3A_626] {strides = array<i32>} : memref<80x128xf32, #tpu.memory_space<vmem>>, vector<1x16xf32>,
        %swap3A_628 = vector.shape_cast %swap3A_627 : vector<1x16xf32> to vector<16xf32>
        %swap3A_629 = vector.shape_cast %max3A_620 : vector<16xf32> to vector<1x16xf32>
        tpu.vector_store %arg11[%swap3A_625, %swap3A_626], %swap3A_629 {strides = array<i32>} : memref<80x128xf32, #tpu.memory_space<vmem>>, vector<1x16xf32>,
        %mul3A_630 = arith.constant 2 : i32
        %mul3A_631 = arith.muli %mul3A_630, %scan3A_456 : i32
        %add3A_632 = arith.constant 0 : i32
        %add3A_633 = arith.addi %mul3A_631, %add3A_632 : i32
        %get3A_634 = arith.index_cast %add3A_633 : i32 to index
        %get3A_635 = arith.constant 96 : index
        %get3A_636 = tpu.vector_load %arg11[%get3A_634, %get3A_635] {strides = array<i32>} : memref<80x128xf32, #tpu.memory_space<vmem>>, vector<1x16xf32>,
        %get3A_637 = vector.shape_cast %get3A_636 : vector<1x16xf32> to vector<16xf32>
        %mul3A_638 = arith.constant 2 : i32
        %mul3A_639 = arith.muli %mul3A_638, %scan3A_456 : i32
        %add3A_640 = arith.constant 0 : i32
        %add3A_641 = arith.addi %mul3A_639, %add3A_640 : i32
        %get3A_642 = arith.index_cast %add3A_641 : i32 to index
        %get3A_643 = arith.constant 96 : index
        %get3A_644 = tpu.vector_load %arg13[%get3A_642, %get3A_643] {strides = array<i32>} : memref<80x128xf32, #tpu.memory_space<vmem>>, vector<1x16xf32>,
        %get3A_645 = vector.shape_cast %get3A_644 : vector<1x16xf32> to vector<16xf32>
        %add3A_646 = arith.addf %get3A_637, %get3A_645 : vector<16xf32>
        %max3A_647 = arith.constant 0.000000e+00 : f32
        %max3A_648 = vector.broadcast %max3A_647 : f32 to vector<16xf32>
        %max3A_649 = arith.maximumf %add3A_646, %max3A_648 : vector<16xf32>
        %mul3A_650 = arith.constant 2 : i32
        %mul3A_651 = arith.muli %mul3A_650, %scan3A_456 : i32
        %add3A_652 = arith.constant 0 : i32
        %add3A_653 = arith.addi %mul3A_651, %add3A_652 : i32
        %swap3A_654 = arith.index_cast %add3A_653 : i32 to index
        %swap3A_655 = arith.constant 96 : index
        %swap3A_656 = tpu.vector_load %arg11[%swap3A_654, %swap3A_655] {strides = array<i32>} : memref<80x128xf32, #tpu.memory_space<vmem>>, vector<1x16xf32>,
        %swap3A_657 = vector.shape_cast %swap3A_656 : vector<1x16xf32> to vector<16xf32>
        %swap3A_658 = vector.shape_cast %max3A_649 : vector<16xf32> to vector<1x16xf32>
        tpu.vector_store %arg11[%swap3A_654, %swap3A_655], %swap3A_658 {strides = array<i32>} : memref<80x128xf32, #tpu.memory_space<vmem>>, vector<1x16xf32>,
        %mul3A_659 = arith.constant 2 : i32
        %mul3A_660 = arith.muli %mul3A_659, %scan3A_456 : i32
        %add3A_661 = arith.constant 0 : i32
        %add3A_662 = arith.addi %mul3A_660, %add3A_661 : i32
        %get3A_663 = arith.index_cast %add3A_662 : i32 to index
        %get3A_664 = arith.constant 112 : index
        %get3A_665 = tpu.vector_load %arg11[%get3A_663, %get3A_664] {strides = array<i32>} : memref<80x128xf32, #tpu.memory_space<vmem>>, vector<1x16xf32>,
        %get3A_666 = vector.shape_cast %get3A_665 : vector<1x16xf32> to vector<16xf32>
        %mul3A_667 = arith.constant 2 : i32
        %mul3A_668 = arith.muli %mul3A_667, %scan3A_456 : i32
        %add3A_669 = arith.constant 0 : i32
        %add3A_670 = arith.addi %mul3A_668, %add3A_669 : i32
        %get3A_671 = arith.index_cast %add3A_670 : i32 to index
        %get3A_672 = arith.constant 112 : index
        %get3A_673 = tpu.vector_load %arg13[%get3A_671, %get3A_672] {strides = array<i32>} : memref<80x128xf32, #tpu.memory_space<vmem>>, vector<1x16xf32>,
        %get3A_674 = vector.shape_cast %get3A_673 : vector<1x16xf32> to vector<16xf32>
        %add3A_675 = arith.addf %get3A_666, %get3A_674 : vector<16xf32>
        %max3A_676 = arith.constant 0.000000e+00 : f32
        %max3A_677 = vector.broadcast %max3A_676 : f32 to vector<16xf32>
        %max3A_678 = arith.maximumf %add3A_675, %max3A_677 : vector<16xf32>
        %mul3A_679 = arith.constant 2 : i32
        %mul3A_680 = arith.muli %mul3A_679, %scan3A_456 : i32
        %add3A_681 = arith.constant 0 : i32
        %add3A_682 = arith.addi %mul3A_680, %add3A_681 : i32
        %swap3A_683 = arith.index_cast %add3A_682 : i32 to index
        %swap3A_684 = arith.constant 112 : index
        %swap3A_685 = tpu.vector_load %arg11[%swap3A_683, %swap3A_684] {strides = array<i32>} : memref<80x128xf32, #tpu.memory_space<vmem>>, vector<1x16xf32>,
        %swap3A_686 = vector.shape_cast %swap3A_685 : vector<1x16xf32> to vector<16xf32>
        %swap3A_687 = vector.shape_cast %max3A_678 : vector<16xf32> to vector<1x16xf32>
        tpu.vector_store %arg11[%swap3A_683, %swap3A_684], %swap3A_687 {strides = array<i32>} : memref<80x128xf32, #tpu.memory_space<vmem>>, vector<1x16xf32>,
        %mul3A_688 = arith.constant 2 : i32
        %mul3A_689 = arith.muli %mul3A_688, %scan3A_456 : i32
        %add3A_690 = arith.constant 1 : i32
        %add3A_691 = arith.addi %mul3A_689, %add3A_690 : i32
        %get3A_692 = arith.index_cast %add3A_691 : i32 to index
        %get3A_693 = arith.constant 0 : index
        %get3A_694 = tpu.vector_load %arg11[%get3A_692, %get3A_693] {strides = array<i32>} : memref<80x128xf32, #tpu.memory_space<vmem>>, vector<1x16xf32>,
        %get3A_695 = vector.shape_cast %get3A_694 : vector<1x16xf32> to vector<16xf32>
        %mul3A_696 = arith.constant 2 : i32
        %mul3A_697 = arith.muli %mul3A_696, %scan3A_456 : i32
        %add3A_698 = arith.constant 1 : i32
        %add3A_699 = arith.addi %mul3A_697, %add3A_698 : i32
        %get3A_700 = arith.index_cast %add3A_699 : i32 to index
        %get3A_701 = arith.constant 0 : index
        %get3A_702 = tpu.vector_load %arg13[%get3A_700, %get3A_701] {strides = array<i32>} : memref<80x128xf32, #tpu.memory_space<vmem>>, vector<1x16xf32>,
        %get3A_703 = vector.shape_cast %get3A_702 : vector<1x16xf32> to vector<16xf32>
        %add3A_704 = arith.addf %get3A_695, %get3A_703 : vector<16xf32>
        %max3A_705 = arith.constant 0.000000e+00 : f32
        %max3A_706 = vector.broadcast %max3A_705 : f32 to vector<16xf32>
        %max3A_707 = arith.maximumf %add3A_704, %max3A_706 : vector<16xf32>
        %mul3A_708 = arith.constant 2 : i32
        %mul3A_709 = arith.muli %mul3A_708, %scan3A_456 : i32
        %add3A_710 = arith.constant 1 : i32
        %add3A_711 = arith.addi %mul3A_709, %add3A_710 : i32
        %swap3A_712 = arith.index_cast %add3A_711 : i32 to index
        %swap3A_713 = arith.constant 0 : index
        %swap3A_714 = tpu.vector_load %arg11[%swap3A_712, %swap3A_713] {strides = array<i32>} : memref<80x128xf32, #tpu.memory_space<vmem>>, vector<1x16xf32>,
        %swap3A_715 = vector.shape_cast %swap3A_714 : vector<1x16xf32> to vector<16xf32>
        %swap3A_716 = vector.shape_cast %max3A_707 : vector<16xf32> to vector<1x16xf32>
        tpu.vector_store %arg11[%swap3A_712, %swap3A_713], %swap3A_716 {strides = array<i32>} : memref<80x128xf32, #tpu.memory_space<vmem>>, vector<1x16xf32>,
        %mul3A_717 = arith.constant 2 : i32
        %mul3A_718 = arith.muli %mul3A_717, %scan3A_456 : i32
        %add3A_719 = arith.constant 1 : i32
        %add3A_720 = arith.addi %mul3A_718, %add3A_719 : i32
        %get3A_721 = arith.index_cast %add3A_720 : i32 to index
        %get3A_722 = arith.constant 16 : index
        %get3A_723 = tpu.vector_load %arg11[%get3A_721, %get3A_722] {strides = array<i32>} : memref<80x128xf32, #tpu.memory_space<vmem>>, vector<1x16xf32>,
        %get3A_724 = vector.shape_cast %get3A_723 : vector<1x16xf32> to vector<16xf32>
        %mul3A_725 = arith.constant 2 : i32
        %mul3A_726 = arith.muli %mul3A_725, %scan3A_456 : i32
        %add3A_727 = arith.constant 1 : i32
        %add3A_728 = arith.addi %mul3A_726, %add3A_727 : i32
        %get3A_729 = arith.index_cast %add3A_728 : i32 to index
        %get3A_730 = arith.constant 16 : index
        %get3A_731 = tpu.vector_load %arg13[%get3A_729, %get3A_730] {strides = array<i32>} : memref<80x128xf32, #tpu.memory_space<vmem>>, vector<1x16xf32>,
        %get3A_732 = vector.shape_cast %get3A_731 : vector<1x16xf32> to vector<16xf32>
        %add3A_733 = arith.addf %get3A_724, %get3A_732 : vector<16xf32>
        %max3A_734 = arith.constant 0.000000e+00 : f32
        %max3A_735 = vector.broadcast %max3A_734 : f32 to vector<16xf32>
        %max3A_736 = arith.maximumf %add3A_733, %max3A_735 : vector<16xf32>
        %mul3A_737 = arith.constant 2 : i32
        %mul3A_738 = arith.muli %mul3A_737, %scan3A_456 : i32
        %add3A_739 = arith.constant 1 : i32
        %add3A_740 = arith.addi %mul3A_738, %add3A_739 : i32
        %swap3A_741 = arith.index_cast %add3A_740 : i32 to index
        %swap3A_742 = arith.constant 16 : index
        %swap3A_743 = tpu.vector_load %arg11[%swap3A_741, %swap3A_742] {strides = array<i32>} : memref<80x128xf32, #tpu.memory_space<vmem>>, vector<1x16xf32>,
        %swap3A_744 = vector.shape_cast %swap3A_743 : vector<1x16xf32> to vector<16xf32>
        %swap3A_745 = vector.shape_cast %max3A_736 : vector<16xf32> to vector<1x16xf32>
        tpu.vector_store %arg11[%swap3A_741, %swap3A_742], %swap3A_745 {strides = array<i32>} : memref<80x128xf32, #tpu.memory_space<vmem>>, vector<1x16xf32>,
        %mul3A_746 = arith.constant 2 : i32
        %mul3A_747 = arith.muli %mul3A_746, %scan3A_456 : i32
        %add3A_748 = arith.constant 1 : i32
        %add3A_749 = arith.addi %mul3A_747, %add3A_748 : i32
        %get3A_750 = arith.index_cast %add3A_749 : i32 to index
        %get3A_751 = arith.constant 32 : index
        %get3A_752 = tpu.vector_load %arg11[%get3A_750, %get3A_751] {strides = array<i32>} : memref<80x128xf32, #tpu.memory_space<vmem>>, vector<1x16xf32>,
        %get3A_753 = vector.shape_cast %get3A_752 : vector<1x16xf32> to vector<16xf32>
        %mul3A_754 = arith.constant 2 : i32
        %mul3A_755 = arith.muli %mul3A_754, %scan3A_456 : i32
        %add3A_756 = arith.constant 1 : i32
        %add3A_757 = arith.addi %mul3A_755, %add3A_756 : i32
        %get3A_758 = arith.index_cast %add3A_757 : i32 to index
        %get3A_759 = arith.constant 32 : index
        %get3A_760 = tpu.vector_load %arg13[%get3A_758, %get3A_759] {strides = array<i32>} : memref<80x128xf32, #tpu.memory_space<vmem>>, vector<1x16xf32>,
        %get3A_761 = vector.shape_cast %get3A_760 : vector<1x16xf32> to vector<16xf32>
        %add3A_762 = arith.addf %get3A_753, %get3A_761 : vector<16xf32>
        %max3A_763 = arith.constant 0.000000e+00 : f32
        %max3A_764 = vector.broadcast %max3A_763 : f32 to vector<16xf32>
        %max3A_765 = arith.maximumf %add3A_762, %max3A_764 : vector<16xf32>
        %mul3A_766 = arith.constant 2 : i32
        %mul3A_767 = arith.muli %mul3A_766, %scan3A_456 : i32
        %add3A_768 = arith.constant 1 : i32
        %add3A_769 = arith.addi %mul3A_767, %add3A_768 : i32
        %swap3A_770 = arith.index_cast %add3A_769 : i32 to index
        %swap3A_771 = arith.constant 32 : index
        %swap3A_772 = tpu.vector_load %arg11[%swap3A_770, %swap3A_771] {strides = array<i32>} : memref<80x128xf32, #tpu.memory_space<vmem>>, vector<1x16xf32>,
        %swap3A_773 = vector.shape_cast %swap3A_772 : vector<1x16xf32> to vector<16xf32>
        %swap3A_774 = vector.shape_cast %max3A_765 : vector<16xf32> to vector<1x16xf32>
        tpu.vector_store %arg11[%swap3A_770, %swap3A_771], %swap3A_774 {strides = array<i32>} : memref<80x128xf32, #tpu.memory_space<vmem>>, vector<1x16xf32>,
        %mul3A_775 = arith.constant 2 : i32
        %mul3A_776 = arith.muli %mul3A_775, %scan3A_456 : i32
        %add3A_777 = arith.constant 1 : i32
        %add3A_778 = arith.addi %mul3A_776, %add3A_777 : i32
        %get3A_779 = arith.index_cast %add3A_778 : i32 to index
        %get3A_780 = arith.constant 48 : index
        %get3A_781 = tpu.vector_load %arg11[%get3A_779, %get3A_780] {strides = array<i32>} : memref<80x128xf32, #tpu.memory_space<vmem>>, vector<1x16xf32>,
        %get3A_782 = vector.shape_cast %get3A_781 : vector<1x16xf32> to vector<16xf32>
        %mul3A_783 = arith.constant 2 : i32
        %mul3A_784 = arith.muli %mul3A_783, %scan3A_456 : i32
        %add3A_785 = arith.constant 1 : i32
        %add3A_786 = arith.addi %mul3A_784, %add3A_785 : i32
        %get3A_787 = arith.index_cast %add3A_786 : i32 to index
        %get3A_788 = arith.constant 48 : index
        %get3A_789 = tpu.vector_load %arg13[%get3A_787, %get3A_788] {strides = array<i32>} : memref<80x128xf32, #tpu.memory_space<vmem>>, vector<1x16xf32>,
        %get3A_790 = vector.shape_cast %get3A_789 : vector<1x16xf32> to vector<16xf32>
        %add3A_791 = arith.addf %get3A_782, %get3A_790 : vector<16xf32>
        %max3A_792 = arith.constant 0.000000e+00 : f32
        %max3A_793 = vector.broadcast %max3A_792 : f32 to vector<16xf32>
        %max3A_794 = arith.maximumf %add3A_791, %max3A_793 : vector<16xf32>
        %mul3A_795 = arith.constant 2 : i32
        %mul3A_796 = arith.muli %mul3A_795, %scan3A_456 : i32
        %add3A_797 = arith.constant 1 : i32
        %add3A_798 = arith.addi %mul3A_796, %add3A_797 : i32
        %swap3A_799 = arith.index_cast %add3A_798 : i32 to index
        %swap3A_800 = arith.constant 48 : index
        %swap3A_801 = tpu.vector_load %arg11[%swap3A_799, %swap3A_800] {strides = array<i32>} : memref<80x128xf32, #tpu.memory_space<vmem>>, vector<1x16xf32>,
        %swap3A_802 = vector.shape_cast %swap3A_801 : vector<1x16xf32> to vector<16xf32>
        %swap3A_803 = vector.shape_cast %max3A_794 : vector<16xf32> to vector<1x16xf32>
        tpu.vector_store %arg11[%swap3A_799, %swap3A_800], %swap3A_803 {strides = array<i32>} : memref<80x128xf32, #tpu.memory_space<vmem>>, vector<1x16xf32>,
        %mul3A_804 = arith.constant 2 : i32
        %mul3A_805 = arith.muli %mul3A_804, %scan3A_456 : i32
        %add3A_806 = arith.constant 1 : i32
        %add3A_807 = arith.addi %mul3A_805, %add3A_806 : i32
        %get3A_808 = arith.index_cast %add3A_807 : i32 to index
        %get3A_809 = arith.constant 64 : index
        %get3A_810 = tpu.vector_load %arg11[%get3A_808, %get3A_809] {strides = array<i32>} : memref<80x128xf32, #tpu.memory_space<vmem>>, vector<1x16xf32>,
        %get3A_811 = vector.shape_cast %get3A_810 : vector<1x16xf32> to vector<16xf32>
        %mul3A_812 = arith.constant 2 : i32
        %mul3A_813 = arith.muli %mul3A_812, %scan3A_456 : i32
        %add3A_814 = arith.constant 1 : i32
        %add3A_815 = arith.addi %mul3A_813, %add3A_814 : i32
        %get3A_816 = arith.index_cast %add3A_815 : i32 to index
        %get3A_817 = arith.constant 64 : index
        %get3A_818 = tpu.vector_load %arg13[%get3A_816, %get3A_817] {strides = array<i32>} : memref<80x128xf32, #tpu.memory_space<vmem>>, vector<1x16xf32>,
        %get3A_819 = vector.shape_cast %get3A_818 : vector<1x16xf32> to vector<16xf32>
        %add3A_820 = arith.addf %get3A_811, %get3A_819 : vector<16xf32>
        %max3A_821 = arith.constant 0.000000e+00 : f32
        %max3A_822 = vector.broadcast %max3A_821 : f32 to vector<16xf32>
        %max3A_823 = arith.maximumf %add3A_820, %max3A_822 : vector<16xf32>
        %mul3A_824 = arith.constant 2 : i32
        %mul3A_825 = arith.muli %mul3A_824, %scan3A_456 : i32
        %add3A_826 = arith.constant 1 : i32
        %add3A_827 = arith.addi %mul3A_825, %add3A_826 : i32
        %swap3A_828 = arith.index_cast %add3A_827 : i32 to index
        %swap3A_829 = arith.constant 64 : index
        %swap3A_830 = tpu.vector_load %arg11[%swap3A_828, %swap3A_829] {strides = array<i32>} : memref<80x128xf32, #tpu.memory_space<vmem>>, vector<1x16xf32>,
        %swap3A_831 = vector.shape_cast %swap3A_830 : vector<1x16xf32> to vector<16xf32>
        %swap3A_832 = vector.shape_cast %max3A_823 : vector<16xf32> to vector<1x16xf32>
        tpu.vector_store %arg11[%swap3A_828, %swap3A_829], %swap3A_832 {strides = array<i32>} : memref<80x128xf32, #tpu.memory_space<vmem>>, vector<1x16xf32>,
        %mul3A_833 = arith.constant 2 : i32
        %mul3A_834 = arith.muli %mul3A_833, %scan3A_456 : i32
        %add3A_835 = arith.constant 1 : i32
        %add3A_836 = arith.addi %mul3A_834, %add3A_835 : i32
        %get3A_837 = arith.index_cast %add3A_836 : i32 to index
        %get3A_838 = arith.constant 80 : index
        %get3A_839 = tpu.vector_load %arg11[%get3A_837, %get3A_838] {strides = array<i32>} : memref<80x128xf32, #tpu.memory_space<vmem>>, vector<1x16xf32>,
        %get3A_840 = vector.shape_cast %get3A_839 : vector<1x16xf32> to vector<16xf32>
        %mul3A_841 = arith.constant 2 : i32
        %mul3A_842 = arith.muli %mul3A_841, %scan3A_456 : i32
        %add3A_843 = arith.constant 1 : i32
        %add3A_844 = arith.addi %mul3A_842, %add3A_843 : i32
        %get3A_845 = arith.index_cast %add3A_844 : i32 to index
        %get3A_846 = arith.constant 80 : index
        %get3A_847 = tpu.vector_load %arg13[%get3A_845, %get3A_846] {strides = array<i32>} : memref<80x128xf32, #tpu.memory_space<vmem>>, vector<1x16xf32>,
        %get3A_848 = vector.shape_cast %get3A_847 : vector<1x16xf32> to vector<16xf32>
        %add3A_849 = arith.addf %get3A_840, %get3A_848 : vector<16xf32>
        %max3A_850 = arith.constant 0.000000e+00 : f32
        %max3A_851 = vector.broadcast %max3A_850 : f32 to vector<16xf32>
        %max3A_852 = arith.maximumf %add3A_849, %max3A_851 : vector<16xf32>
        %mul3A_853 = arith.constant 2 : i32
        %mul3A_854 = arith.muli %mul3A_853, %scan3A_456 : i32
        %add3A_855 = arith.constant 1 : i32
        %add3A_856 = arith.addi %mul3A_854, %add3A_855 : i32
        %swap3A_857 = arith.index_cast %add3A_856 : i32 to index
        %swap3A_858 = arith.constant 80 : index
        %swap3A_859 = tpu.vector_load %arg11[%swap3A_857, %swap3A_858] {strides = array<i32>} : memref<80x128xf32, #tpu.memory_space<vmem>>, vector<1x16xf32>,
        %swap3A_860 = vector.shape_cast %swap3A_859 : vector<1x16xf32> to vector<16xf32>
        %swap3A_861 = vector.shape_cast %max3A_852 : vector<16xf32> to vector<1x16xf32>
        tpu.vector_store %arg11[%swap3A_857, %swap3A_858], %swap3A_861 {strides = array<i32>} : memref<80x128xf32, #tpu.memory_space<vmem>>, vector<1x16xf32>,
        %mul3A_862 = arith.constant 2 : i32
        %mul3A_863 = arith.muli %mul3A_862, %scan3A_456 : i32
        %add3A_864 = arith.constant 1 : i32
        %add3A_865 = arith.addi %mul3A_863, %add3A_864 : i32
        %get3A_866 = arith.index_cast %add3A_865 : i32 to index
        %get3A_867 = arith.constant 96 : index
        %get3A_868 = tpu.vector_load %arg11[%get3A_866, %get3A_867] {strides = array<i32>} : memref<80x128xf32, #tpu.memory_space<vmem>>, vector<1x16xf32>,
        %get3A_869 = vector.shape_cast %get3A_868 : vector<1x16xf32> to vector<16xf32>
        %mul3A_870 = arith.constant 2 : i32
        %mul3A_871 = arith.muli %mul3A_870, %scan3A_456 : i32
        %add3A_872 = arith.constant 1 : i32
        %add3A_873 = arith.addi %mul3A_871, %add3A_872 : i32
        %get3A_874 = arith.index_cast %add3A_873 : i32 to index
        %get3A_875 = arith.constant 96 : index
        %get3A_876 = tpu.vector_load %arg13[%get3A_874, %get3A_875] {strides = array<i32>} : memref<80x128xf32, #tpu.memory_space<vmem>>, vector<1x16xf32>,
        %get3A_877 = vector.shape_cast %get3A_876 : vector<1x16xf32> to vector<16xf32>
        %add3A_878 = arith.addf %get3A_869, %get3A_877 : vector<16xf32>
        %max3A_879 = arith.constant 0.000000e+00 : f32
        %max3A_880 = vector.broadcast %max3A_879 : f32 to vector<16xf32>
        %max3A_881 = arith.maximumf %add3A_878, %max3A_880 : vector<16xf32>
        %mul3A_882 = arith.constant 2 : i32
        %mul3A_883 = arith.muli %mul3A_882, %scan3A_456 : i32
        %add3A_884 = arith.constant 1 : i32
        %add3A_885 = arith.addi %mul3A_883, %add3A_884 : i32
        %swap3A_886 = arith.index_cast %add3A_885 : i32 to index
        %swap3A_887 = arith.constant 96 : index
        %swap3A_888 = tpu.vector_load %arg11[%swap3A_886, %swap3A_887] {strides = array<i32>} : memref<80x128xf32, #tpu.memory_space<vmem>>, vector<1x16xf32>,
        %swap3A_889 = vector.shape_cast %swap3A_888 : vector<1x16xf32> to vector<16xf32>
        %swap3A_890 = vector.shape_cast %max3A_881 : vector<16xf32> to vector<1x16xf32>
        tpu.vector_store %arg11[%swap3A_886, %swap3A_887], %swap3A_890 {strides = array<i32>} : memref<80x128xf32, #tpu.memory_space<vmem>>, vector<1x16xf32>,
        %mul3A_891 = arith.constant 2 : i32
        %mul3A_892 = arith.muli %mul3A_891, %scan3A_456 : i32
        %add3A_893 = arith.constant 1 : i32
        %add3A_894 = arith.addi %mul3A_892, %add3A_893 : i32
        %get3A_895 = arith.index_cast %add3A_894 : i32 to index
        %get3A_896 = arith.constant 112 : index
        %get3A_897 = tpu.vector_load %arg11[%get3A_895, %get3A_896] {strides = array<i32>} : memref<80x128xf32, #tpu.memory_space<vmem>>, vector<1x16xf32>,
        %get3A_898 = vector.shape_cast %get3A_897 : vector<1x16xf32> to vector<16xf32>
        %mul3A_899 = arith.constant 2 : i32
        %mul3A_900 = arith.muli %mul3A_899, %scan3A_456 : i32
        %add3A_901 = arith.constant 1 : i32
        %add3A_902 = arith.addi %mul3A_900, %add3A_901 : i32
        %get3A_903 = arith.index_cast %add3A_902 : i32 to index
        %get3A_904 = arith.constant 112 : index
        %get3A_905 = tpu.vector_load %arg13[%get3A_903, %get3A_904] {strides = array<i32>} : memref<80x128xf32, #tpu.memory_space<vmem>>, vector<1x16xf32>,
        %get3A_906 = vector.shape_cast %get3A_905 : vector<1x16xf32> to vector<16xf32>
        %add3A_907 = arith.addf %get3A_898, %get3A_906 : vector<16xf32>
        %max3A_908 = arith.constant 0.000000e+00 : f32
        %max3A_909 = vector.broadcast %max3A_908 : f32 to vector<16xf32>
        %max3A_910 = arith.maximumf %add3A_907, %max3A_909 : vector<16xf32>
        %mul3A_911 = arith.constant 2 : i32
        %mul3A_912 = arith.muli %mul3A_911, %scan3A_456 : i32
        %add3A_913 = arith.constant 1 : i32
        %add3A_914 = arith.addi %mul3A_912, %add3A_913 : i32
        %swap3A_915 = arith.index_cast %add3A_914 : i32 to index
        %swap3A_916 = arith.constant 112 : index
        %swap3A_917 = tpu.vector_load %arg11[%swap3A_915, %swap3A_916] {strides = array<i32>} : memref<80x128xf32, #tpu.memory_space<vmem>>, vector<1x16xf32>,
        %swap3A_918 = vector.shape_cast %swap3A_917 : vector<1x16xf32> to vector<16xf32>
        %swap3A_919 = vector.shape_cast %max3A_910 : vector<16xf32> to vector<1x16xf32>
        tpu.vector_store %arg11[%swap3A_915, %swap3A_916], %swap3A_919 {strides = array<i32>} : memref<80x128xf32, #tpu.memory_space<vmem>>, vector<1x16xf32>,
      }
      %scan3A_452 = arith.constant 40 : i32
      %dma_start3A_453 = arith.constant 0 : i32
      %dma_start3A_454 = arith.constant 0 : i32
      %dma_start3A_455 = tpu.memref_slice %arg16[%dma_start3A_453, %dma_start3A_454] : memref<10000x128xf32, #tpu.memory_space<vmem_shared>> -> memref<10000x128xf32, #tpu.memory_space<vmem_shared>>
      tpu.enqueue_indirect_dma source(%arg11 : memref<80x128xf32, #tpu.memory_space<vmem>>) target(%dma_start3A_455 : memref<10000x128xf32, #tpu.memory_space<vmem_shared>>) offsets(%arg15 : memref<80xi32, #tpu.memory_space<vmem>>) semaphore(%arg22 : memref<!tpu.dma_semaphore, #tpu.memory_space<semaphore_mem>>) {add = true}
    }
    %scan3A_83 = arith.constant 62 : i32
    %eq3A_84 = arith.constant 0 : i32
    %eq3A_85 = arith.cmpi eq, %arg0, %eq3A_84 : i32
    %convert_element_type3A_86 = arith.extui %eq3A_85 : i1 to i32
    %cond3A_87 = arith.constant 0 : i32
    %cond3A_88 = arith.cmpi ne, %convert_element_type3A_86, %cond3A_87 : i32
    scf.if %cond3A_88 {
      %dma_wait3A_165 = arith.constant 0 : i32
      %dma_wait3A_166 = arith.constant 0 : i32
      %dma_wait3A_167 = tpu.memref_slice %arg8[%dma_wait3A_165, %dma_wait3A_166] : memref<25x80xi32, #tpu.memory_space<vmem>> -> memref<1x80xi32, #tpu.memory_space<vmem>>
      %dma_wait3A_168 = tpu.memref_squeeze %dma_wait3A_167 : memref<1x80xi32, #tpu.memory_space<vmem>> -> memref<80xi32, #tpu.memory_space<vmem>>
      %dma_wait3A_169 = arith.constant 0 : i32
      %dma_wait3A_170 = arith.constant 0 : i32
      %dma_wait3A_171 = tpu.memref_slice %arg2[%dma_wait3A_169, %dma_wait3A_170] : memref<10000x128xf32, #tpu.memory_space<hbm>> -> memref<10000x128xf32, #tpu.memory_space<hbm>>
      tpu.wait_indirect_dma semaphore(%arg17 : memref<!tpu.dma_semaphore, #tpu.memory_space<semaphore_mem>>) src(%dma_wait3A_171 : memref<10000x128xf32, #tpu.memory_space<hbm>>) dst(%arg10 : memref<80x128xf32, #tpu.memory_space<vmem>>)
    } else {
    }
    %eq3A_89 = arith.constant 1 : i32
    %eq3A_90 = arith.cmpi eq, %arg0, %eq3A_89 : i32
    %convert_element_type3A_91 = arith.extui %eq3A_90 : i1 to i32
    %cond3A_92 = arith.constant 0 : i32
    %cond3A_93 = arith.cmpi ne, %convert_element_type3A_91, %cond3A_92 : i32
    scf.if %cond3A_93 {
      %dma_wait3A_165 = arith.constant 0 : i32
      %dma_wait3A_166 = arith.constant 0 : i32
      %dma_wait3A_167 = tpu.memref_slice %arg8[%dma_wait3A_165, %dma_wait3A_166] : memref<25x80xi32, #tpu.memory_space<vmem>> -> memref<1x80xi32, #tpu.memory_space<vmem>>
      %dma_wait3A_168 = tpu.memref_squeeze %dma_wait3A_167 : memref<1x80xi32, #tpu.memory_space<vmem>> -> memref<80xi32, #tpu.memory_space<vmem>>
      %dma_wait3A_169 = arith.constant 0 : i32
      %dma_wait3A_170 = arith.constant 0 : i32
      %dma_wait3A_171 = tpu.memref_slice %arg3[%dma_wait3A_169, %dma_wait3A_170] : memref<10000x128xf32, #tpu.memory_space<hbm>> -> memref<10000x128xf32, #tpu.memory_space<hbm>>
      tpu.wait_indirect_dma semaphore(%arg17 : memref<!tpu.dma_semaphore, #tpu.memory_space<semaphore_mem>>) src(%dma_wait3A_171 : memref<10000x128xf32, #tpu.memory_space<hbm>>) dst(%arg10 : memref<80x128xf32, #tpu.memory_space<vmem>>)
    } else {
    }
    %dma_wait3A = arith.constant 0 : i32
    %dma_wait3A_94 = arith.constant 0 : i32
    %dma_wait3A_95 = tpu.memref_slice %arg4[%arg0, %dma_wait3A, %dma_wait3A_94] : memref<2x160000x128xf32, #tpu.memory_space<hbm>> -> memref<1x80x128xf32, #tpu.memory_space<hbm>>
    %dma_wait3A_96 = tpu.memref_squeeze %dma_wait3A_95 : memref<1x80x128xf32, #tpu.memory_space<hbm>> -> memref<80x128xf32, #tpu.memory_space<hbm>>
    %dma_wait3A_97 = arith.constant 0 : i32
    %dma_wait3A_98 = arith.constant 0 : i32
    %dma_wait3A_99 = tpu.memref_slice %arg4[%arg0, %dma_wait3A_97, %dma_wait3A_98] : memref<2x160000x128xf32, #tpu.memory_space<hbm>> -> memref<1x80x128xf32, #tpu.memory_space<hbm>>
    %dma_wait3A_100 = tpu.memref_squeeze %dma_wait3A_99 : memref<1x80x128xf32, #tpu.memory_space<hbm>> -> memref<80x128xf32, #tpu.memory_space<hbm>>
    tpu.wait_dma2 semaphore(%arg18 : memref<!tpu.dma_semaphore, #tpu.memory_space<semaphore_mem>>) src(%dma_wait3A_100 : memref<80x128xf32, #tpu.memory_space<hbm>>) dst(%arg12 : memref<80x128xf32, #tpu.memory_space<vmem>>)
    %get3A = arith.constant 24 : i32
    %get3A_101 = arith.index_cast %get3A : i32 to index
    %get3A_102 = arith.constant 0 : index
    %get3A_103 = tpu.vector_load %arg9[%get3A_101, %get3A_102] {strides = array<i32>} : memref<25x80xi32, #tpu.memory_space<vmem>>, vector<1x16xi32>,
    %get3A_104 = vector.shape_cast %get3A_103 : vector<1x16xi32> to vector<16xi32>
    %swap3A = arith.constant 0 : index
    %swap3A_105 = tpu.vector_load %arg14[%swap3A] {strides = array<i32>} : memref<80xi32, #tpu.memory_space<vmem>>, vector<16xi32>,
    %swap3A_106 = vector.shape_cast %swap3A_105 : vector<16xi32> to vector<16xi32>
    %swap3A_107 = vector.shape_cast %get3A_104 : vector<16xi32> to vector<16xi32>
    tpu.vector_store %arg14[%swap3A], %swap3A_107 {strides = array<i32>} : memref<80xi32, #tpu.memory_space<vmem>>, vector<16xi32>,
    %get3A_108 = arith.constant 24 : i32
    %get3A_109 = arith.index_cast %get3A_108 : i32 to index
    %get3A_110 = arith.constant 16 : index
    %get3A_111 = tpu.vector_load %arg9[%get3A_109, %get3A_110] {strides = array<i32>} : memref<25x80xi32, #tpu.memory_space<vmem>>, vector<1x16xi32>,
    %get3A_112 = vector.shape_cast %get3A_111 : vector<1x16xi32> to vector<16xi32>
    %swap3A_113 = arith.constant 16 : index
    %swap3A_114 = tpu.vector_load %arg14[%swap3A_113] {strides = array<i32>} : memref<80xi32, #tpu.memory_space<vmem>>, vector<16xi32>,
    %swap3A_115 = vector.shape_cast %swap3A_114 : vector<16xi32> to vector<16xi32>
    %swap3A_116 = vector.shape_cast %get3A_112 : vector<16xi32> to vector<16xi32>
    tpu.vector_store %arg14[%swap3A_113], %swap3A_116 {strides = array<i32>} : memref<80xi32, #tpu.memory_space<vmem>>, vector<16xi32>,
    %get3A_117 = arith.constant 24 : i32
    %get3A_118 = arith.index_cast %get3A_117 : i32 to index
    %get3A_119 = arith.constant 32 : index
    %get3A_120 = tpu.vector_load %arg9[%get3A_118, %get3A_119] {strides = array<i32>} : memref<25x80xi32, #tpu.memory_space<vmem>>, vector<1x16xi32>,
    %get3A_121 = vector.shape_cast %get3A_120 : vector<1x16xi32> to vector<16xi32>
    %swap3A_122 = arith.constant 32 : index
    %swap3A_123 = tpu.vector_load %arg14[%swap3A_122] {strides = array<i32>} : memref<80xi32, #tpu.memory_space<vmem>>, vector<16xi32>,
    %swap3A_124 = vector.shape_cast %swap3A_123 : vector<16xi32> to vector<16xi32>
    %swap3A_125 = vector.shape_cast %get3A_121 : vector<16xi32> to vector<16xi32>
    tpu.vector_store %arg14[%swap3A_122], %swap3A_125 {strides = array<i32>} : memref<80xi32, #tpu.memory_space<vmem>>, vector<16xi32>,
    %get3A_126 = arith.constant 24 : i32
    %get3A_127 = arith.index_cast %get3A_126 : i32 to index
    %get3A_128 = arith.constant 48 : index
    %get3A_129 = tpu.vector_load %arg9[%get3A_127, %get3A_128] {strides = array<i32>} : memref<25x80xi32, #tpu.memory_space<vmem>>, vector<1x16xi32>,
    %get3A_130 = vector.shape_cast %get3A_129 : vector<1x16xi32> to vector<16xi32>
    %swap3A_131 = arith.constant 48 : index
    %swap3A_132 = tpu.vector_load %arg14[%swap3A_131] {strides = array<i32>} : memref<80xi32, #tpu.memory_space<vmem>>, vector<16xi32>,
    %swap3A_133 = vector.shape_cast %swap3A_132 : vector<16xi32> to vector<16xi32>
    %swap3A_134 = vector.shape_cast %get3A_130 : vector<16xi32> to vector<16xi32>
    tpu.vector_store %arg14[%swap3A_131], %swap3A_134 {strides = array<i32>} : memref<80xi32, #tpu.memory_space<vmem>>, vector<16xi32>,
    %get3A_135 = arith.constant 24 : i32
    %get3A_136 = arith.index_cast %get3A_135 : i32 to index
    %get3A_137 = arith.constant 64 : index
    %get3A_138 = tpu.vector_load %arg9[%get3A_136, %get3A_137] {strides = array<i32>} : memref<25x80xi32, #tpu.memory_space<vmem>>, vector<1x16xi32>,
    %get3A_139 = vector.shape_cast %get3A_138 : vector<1x16xi32> to vector<16xi32>
    %swap3A_140 = arith.constant 64 : index
    %swap3A_141 = tpu.vector_load %arg14[%swap3A_140] {strides = array<i32>} : memref<80xi32, #tpu.memory_space<vmem>>, vector<16xi32>,
    %swap3A_142 = vector.shape_cast %swap3A_141 : vector<16xi32> to vector<16xi32>
    %swap3A_143 = vector.shape_cast %get3A_139 : vector<16xi32> to vector<16xi32>
    tpu.vector_store %arg14[%swap3A_140], %swap3A_143 {strides = array<i32>} : memref<80xi32, #tpu.memory_space<vmem>>, vector<16xi32>,
    %scan3A_144 = arith.constant 0 : i32
    %scan3A_145 = arith.constant 0 : i32
    %scan3A_146 = arith.constant 40 : i32
    %scan3A_147 = arith.addi %scan3A_145, %scan3A_146 : i32
    %scan3A_148 = arith.constant 1 : i32
    scf.for %scan3A_165 = %scan3A_145 to %scan3A_147 step %scan3A_148  : i32 {
      %mul3A_166 = arith.constant 2 : i32
      %mul3A_167 = arith.muli %mul3A_166, %scan3A_165 : i32
      %add3A_168 = arith.constant 0 : i32
      %add3A_169 = arith.addi %mul3A_167, %add3A_168 : i32
      %get3A_170 = arith.index_cast %add3A_169 : i32 to index
      %get3A_171 = arith.constant 0 : index
      %get3A_172 = tpu.vector_load %arg10[%get3A_170, %get3A_171] {strides = array<i32>} : memref<80x128xf32, #tpu.memory_space<vmem>>, vector<1x16xf32>,
      %get3A_173 = vector.shape_cast %get3A_172 : vector<1x16xf32> to vector<16xf32>
      %mul3A_174 = arith.constant 2 : i32
      %mul3A_175 = arith.muli %mul3A_174, %scan3A_165 : i32
      %add3A_176 = arith.constant 0 : i32
      %add3A_177 = arith.addi %mul3A_175, %add3A_176 : i32
      %get3A_178 = arith.index_cast %add3A_177 : i32 to index
      %get3A_179 = arith.constant 0 : index
      %get3A_180 = tpu.vector_load %arg12[%get3A_178, %get3A_179] {strides = array<i32>} : memref<80x128xf32, #tpu.memory_space<vmem>>, vector<1x16xf32>,
      %get3A_181 = vector.shape_cast %get3A_180 : vector<1x16xf32> to vector<16xf32>
      %add3A_182 = arith.addf %get3A_173, %get3A_181 : vector<16xf32>
      %max3A = arith.constant 0.000000e+00 : f32
      %max3A_183 = vector.broadcast %max3A : f32 to vector<16xf32>
      %max3A_184 = arith.maximumf %add3A_182, %max3A_183 : vector<16xf32>
      %mul3A_185 = arith.constant 2 : i32
      %mul3A_186 = arith.muli %mul3A_185, %scan3A_165 : i32
      %add3A_187 = arith.constant 0 : i32
      %add3A_188 = arith.addi %mul3A_186, %add3A_187 : i32
      %swap3A_189 = arith.index_cast %add3A_188 : i32 to index
      %swap3A_190 = arith.constant 0 : index
      %swap3A_191 = tpu.vector_load %arg10[%swap3A_189, %swap3A_190] {strides = array<i32>} : memref<80x128xf32, #tpu.memory_space<vmem>>, vector<1x16xf32>,
      %swap3A_192 = vector.shape_cast %swap3A_191 : vector<1x16xf32> to vector<16xf32>
      %swap3A_193 = vector.shape_cast %max3A_184 : vector<16xf32> to vector<1x16xf32>
      tpu.vector_store %arg10[%swap3A_189, %swap3A_190], %swap3A_193 {strides = array<i32>} : memref<80x128xf32, #tpu.memory_space<vmem>>, vector<1x16xf32>,
      %mul3A_194 = arith.constant 2 : i32
      %mul3A_195 = arith.muli %mul3A_194, %scan3A_165 : i32
      %add3A_196 = arith.constant 0 : i32
      %add3A_197 = arith.addi %mul3A_195, %add3A_196 : i32
      %get3A_198 = arith.index_cast %add3A_197 : i32 to index
      %get3A_199 = arith.constant 16 : index
      %get3A_200 = tpu.vector_load %arg10[%get3A_198, %get3A_199] {strides = array<i32>} : memref<80x128xf32, #tpu.memory_space<vmem>>, vector<1x16xf32>,
      %get3A_201 = vector.shape_cast %get3A_200 : vector<1x16xf32> to vector<16xf32>
      %mul3A_202 = arith.constant 2 : i32
      %mul3A_203 = arith.muli %mul3A_202, %scan3A_165 : i32
      %add3A_204 = arith.constant 0 : i32
      %add3A_205 = arith.addi %mul3A_203, %add3A_204 : i32
      %get3A_206 = arith.index_cast %add3A_205 : i32 to index
      %get3A_207 = arith.constant 16 : index
      %get3A_208 = tpu.vector_load %arg12[%get3A_206, %get3A_207] {strides = array<i32>} : memref<80x128xf32, #tpu.memory_space<vmem>>, vector<1x16xf32>,
      %get3A_209 = vector.shape_cast %get3A_208 : vector<1x16xf32> to vector<16xf32>
      %add3A_210 = arith.addf %get3A_201, %get3A_209 : vector<16xf32>
      %max3A_211 = arith.constant 0.000000e+00 : f32
      %max3A_212 = vector.broadcast %max3A_211 : f32 to vector<16xf32>
      %max3A_213 = arith.maximumf %add3A_210, %max3A_212 : vector<16xf32>
      %mul3A_214 = arith.constant 2 : i32
      %mul3A_215 = arith.muli %mul3A_214, %scan3A_165 : i32
      %add3A_216 = arith.constant 0 : i32
      %add3A_217 = arith.addi %mul3A_215, %add3A_216 : i32
      %swap3A_218 = arith.index_cast %add3A_217 : i32 to index
      %swap3A_219 = arith.constant 16 : index
      %swap3A_220 = tpu.vector_load %arg10[%swap3A_218, %swap3A_219] {strides = array<i32>} : memref<80x128xf32, #tpu.memory_space<vmem>>, vector<1x16xf32>,
      %swap3A_221 = vector.shape_cast %swap3A_220 : vector<1x16xf32> to vector<16xf32>
      %swap3A_222 = vector.shape_cast %max3A_213 : vector<16xf32> to vector<1x16xf32>
      tpu.vector_store %arg10[%swap3A_218, %swap3A_219], %swap3A_222 {strides = array<i32>} : memref<80x128xf32, #tpu.memory_space<vmem>>, vector<1x16xf32>,
      %mul3A_223 = arith.constant 2 : i32
      %mul3A_224 = arith.muli %mul3A_223, %scan3A_165 : i32
      %add3A_225 = arith.constant 0 : i32
      %add3A_226 = arith.addi %mul3A_224, %add3A_225 : i32
      %get3A_227 = arith.index_cast %add3A_226 : i32 to index
      %get3A_228 = arith.constant 32 : index
      %get3A_229 = tpu.vector_load %arg10[%get3A_227, %get3A_228] {strides = array<i32>} : memref<80x128xf32, #tpu.memory_space<vmem>>, vector<1x16xf32>,
      %get3A_230 = vector.shape_cast %get3A_229 : vector<1x16xf32> to vector<16xf32>
      %mul3A_231 = arith.constant 2 : i32
      %mul3A_232 = arith.muli %mul3A_231, %scan3A_165 : i32
      %add3A_233 = arith.constant 0 : i32
      %add3A_234 = arith.addi %mul3A_232, %add3A_233 : i32
      %get3A_235 = arith.index_cast %add3A_234 : i32 to index
      %get3A_236 = arith.constant 32 : index
      %get3A_237 = tpu.vector_load %arg12[%get3A_235, %get3A_236] {strides = array<i32>} : memref<80x128xf32, #tpu.memory_space<vmem>>, vector<1x16xf32>,
      %get3A_238 = vector.shape_cast %get3A_237 : vector<1x16xf32> to vector<16xf32>
      %add3A_239 = arith.addf %get3A_230, %get3A_238 : vector<16xf32>
      %max3A_240 = arith.constant 0.000000e+00 : f32
      %max3A_241 = vector.broadcast %max3A_240 : f32 to vector<16xf32>
      %max3A_242 = arith.maximumf %add3A_239, %max3A_241 : vector<16xf32>
      %mul3A_243 = arith.constant 2 : i32
      %mul3A_244 = arith.muli %mul3A_243, %scan3A_165 : i32
      %add3A_245 = arith.constant 0 : i32
      %add3A_246 = arith.addi %mul3A_244, %add3A_245 : i32
      %swap3A_247 = arith.index_cast %add3A_246 : i32 to index
      %swap3A_248 = arith.constant 32 : index
      %swap3A_249 = tpu.vector_load %arg10[%swap3A_247, %swap3A_248] {strides = array<i32>} : memref<80x128xf32, #tpu.memory_space<vmem>>, vector<1x16xf32>,
      %swap3A_250 = vector.shape_cast %swap3A_249 : vector<1x16xf32> to vector<16xf32>
      %swap3A_251 = vector.shape_cast %max3A_242 : vector<16xf32> to vector<1x16xf32>
      tpu.vector_store %arg10[%swap3A_247, %swap3A_248], %swap3A_251 {strides = array<i32>} : memref<80x128xf32, #tpu.memory_space<vmem>>, vector<1x16xf32>,
      %mul3A_252 = arith.constant 2 : i32
      %mul3A_253 = arith.muli %mul3A_252, %scan3A_165 : i32
      %add3A_254 = arith.constant 0 : i32
      %add3A_255 = arith.addi %mul3A_253, %add3A_254 : i32
      %get3A_256 = arith.index_cast %add3A_255 : i32 to index
      %get3A_257 = arith.constant 48 : index
      %get3A_258 = tpu.vector_load %arg10[%get3A_256, %get3A_257] {strides = array<i32>} : memref<80x128xf32, #tpu.memory_space<vmem>>, vector<1x16xf32>,
      %get3A_259 = vector.shape_cast %get3A_258 : vector<1x16xf32> to vector<16xf32>
      %mul3A_260 = arith.constant 2 : i32
      %mul3A_261 = arith.muli %mul3A_260, %scan3A_165 : i32
      %add3A_262 = arith.constant 0 : i32
      %add3A_263 = arith.addi %mul3A_261, %add3A_262 : i32
      %get3A_264 = arith.index_cast %add3A_263 : i32 to index
      %get3A_265 = arith.constant 48 : index
      %get3A_266 = tpu.vector_load %arg12[%get3A_264, %get3A_265] {strides = array<i32>} : memref<80x128xf32, #tpu.memory_space<vmem>>, vector<1x16xf32>,
      %get3A_267 = vector.shape_cast %get3A_266 : vector<1x16xf32> to vector<16xf32>
      %add3A_268 = arith.addf %get3A_259, %get3A_267 : vector<16xf32>
      %max3A_269 = arith.constant 0.000000e+00 : f32
      %max3A_270 = vector.broadcast %max3A_269 : f32 to vector<16xf32>
      %max3A_271 = arith.maximumf %add3A_268, %max3A_270 : vector<16xf32>
      %mul3A_272 = arith.constant 2 : i32
      %mul3A_273 = arith.muli %mul3A_272, %scan3A_165 : i32
      %add3A_274 = arith.constant 0 : i32
      %add3A_275 = arith.addi %mul3A_273, %add3A_274 : i32
      %swap3A_276 = arith.index_cast %add3A_275 : i32 to index
      %swap3A_277 = arith.constant 48 : index
      %swap3A_278 = tpu.vector_load %arg10[%swap3A_276, %swap3A_277] {strides = array<i32>} : memref<80x128xf32, #tpu.memory_space<vmem>>, vector<1x16xf32>,
      %swap3A_279 = vector.shape_cast %swap3A_278 : vector<1x16xf32> to vector<16xf32>
      %swap3A_280 = vector.shape_cast %max3A_271 : vector<16xf32> to vector<1x16xf32>
      tpu.vector_store %arg10[%swap3A_276, %swap3A_277], %swap3A_280 {strides = array<i32>} : memref<80x128xf32, #tpu.memory_space<vmem>>, vector<1x16xf32>,
      %mul3A_281 = arith.constant 2 : i32
      %mul3A_282 = arith.muli %mul3A_281, %scan3A_165 : i32
      %add3A_283 = arith.constant 0 : i32
      %add3A_284 = arith.addi %mul3A_282, %add3A_283 : i32
      %get3A_285 = arith.index_cast %add3A_284 : i32 to index
      %get3A_286 = arith.constant 64 : index
      %get3A_287 = tpu.vector_load %arg10[%get3A_285, %get3A_286] {strides = array<i32>} : memref<80x128xf32, #tpu.memory_space<vmem>>, vector<1x16xf32>,
      %get3A_288 = vector.shape_cast %get3A_287 : vector<1x16xf32> to vector<16xf32>
      %mul3A_289 = arith.constant 2 : i32
      %mul3A_290 = arith.muli %mul3A_289, %scan3A_165 : i32
      %add3A_291 = arith.constant 0 : i32
      %add3A_292 = arith.addi %mul3A_290, %add3A_291 : i32
      %get3A_293 = arith.index_cast %add3A_292 : i32 to index
      %get3A_294 = arith.constant 64 : index
      %get3A_295 = tpu.vector_load %arg12[%get3A_293, %get3A_294] {strides = array<i32>} : memref<80x128xf32, #tpu.memory_space<vmem>>, vector<1x16xf32>,
      %get3A_296 = vector.shape_cast %get3A_295 : vector<1x16xf32> to vector<16xf32>
      %add3A_297 = arith.addf %get3A_288, %get3A_296 : vector<16xf32>
      %max3A_298 = arith.constant 0.000000e+00 : f32
      %max3A_299 = vector.broadcast %max3A_298 : f32 to vector<16xf32>
      %max3A_300 = arith.maximumf %add3A_297, %max3A_299 : vector<16xf32>
      %mul3A_301 = arith.constant 2 : i32
      %mul3A_302 = arith.muli %mul3A_301, %scan3A_165 : i32
      %add3A_303 = arith.constant 0 : i32
      %add3A_304 = arith.addi %mul3A_302, %add3A_303 : i32
      %swap3A_305 = arith.index_cast %add3A_304 : i32 to index
      %swap3A_306 = arith.constant 64 : index
      %swap3A_307 = tpu.vector_load %arg10[%swap3A_305, %swap3A_306] {strides = array<i32>} : memref<80x128xf32, #tpu.memory_space<vmem>>, vector<1x16xf32>,
      %swap3A_308 = vector.shape_cast %swap3A_307 : vector<1x16xf32> to vector<16xf32>
      %swap3A_309 = vector.shape_cast %max3A_300 : vector<16xf32> to vector<1x16xf32>
      tpu.vector_store %arg10[%swap3A_305, %swap3A_306], %swap3A_309 {strides = array<i32>} : memref<80x128xf32, #tpu.memory_space<vmem>>, vector<1x16xf32>,
      %mul3A_310 = arith.constant 2 : i32
      %mul3A_311 = arith.muli %mul3A_310, %scan3A_165 : i32
      %add3A_312 = arith.constant 0 : i32
      %add3A_313 = arith.addi %mul3A_311, %add3A_312 : i32
      %get3A_314 = arith.index_cast %add3A_313 : i32 to index
      %get3A_315 = arith.constant 80 : index
      %get3A_316 = tpu.vector_load %arg10[%get3A_314, %get3A_315] {strides = array<i32>} : memref<80x128xf32, #tpu.memory_space<vmem>>, vector<1x16xf32>,
      %get3A_317 = vector.shape_cast %get3A_316 : vector<1x16xf32> to vector<16xf32>
      %mul3A_318 = arith.constant 2 : i32
      %mul3A_319 = arith.muli %mul3A_318, %scan3A_165 : i32
      %add3A_320 = arith.constant 0 : i32
      %add3A_321 = arith.addi %mul3A_319, %add3A_320 : i32
      %get3A_322 = arith.index_cast %add3A_321 : i32 to index
      %get3A_323 = arith.constant 80 : index
      %get3A_324 = tpu.vector_load %arg12[%get3A_322, %get3A_323] {strides = array<i32>} : memref<80x128xf32, #tpu.memory_space<vmem>>, vector<1x16xf32>,
      %get3A_325 = vector.shape_cast %get3A_324 : vector<1x16xf32> to vector<16xf32>
      %add3A_326 = arith.addf %get3A_317, %get3A_325 : vector<16xf32>
      %max3A_327 = arith.constant 0.000000e+00 : f32
      %max3A_328 = vector.broadcast %max3A_327 : f32 to vector<16xf32>
      %max3A_329 = arith.maximumf %add3A_326, %max3A_328 : vector<16xf32>
      %mul3A_330 = arith.constant 2 : i32
      %mul3A_331 = arith.muli %mul3A_330, %scan3A_165 : i32
      %add3A_332 = arith.constant 0 : i32
      %add3A_333 = arith.addi %mul3A_331, %add3A_332 : i32
      %swap3A_334 = arith.index_cast %add3A_333 : i32 to index
      %swap3A_335 = arith.constant 80 : index
      %swap3A_336 = tpu.vector_load %arg10[%swap3A_334, %swap3A_335] {strides = array<i32>} : memref<80x128xf32, #tpu.memory_space<vmem>>, vector<1x16xf32>,
      %swap3A_337 = vector.shape_cast %swap3A_336 : vector<1x16xf32> to vector<16xf32>
      %swap3A_338 = vector.shape_cast %max3A_329 : vector<16xf32> to vector<1x16xf32>
      tpu.vector_store %arg10[%swap3A_334, %swap3A_335], %swap3A_338 {strides = array<i32>} : memref<80x128xf32, #tpu.memory_space<vmem>>, vector<1x16xf32>,
      %mul3A_339 = arith.constant 2 : i32
      %mul3A_340 = arith.muli %mul3A_339, %scan3A_165 : i32
      %add3A_341 = arith.constant 0 : i32
      %add3A_342 = arith.addi %mul3A_340, %add3A_341 : i32
      %get3A_343 = arith.index_cast %add3A_342 : i32 to index
      %get3A_344 = arith.constant 96 : index
      %get3A_345 = tpu.vector_load %arg10[%get3A_343, %get3A_344] {strides = array<i32>} : memref<80x128xf32, #tpu.memory_space<vmem>>, vector<1x16xf32>,
      %get3A_346 = vector.shape_cast %get3A_345 : vector<1x16xf32> to vector<16xf32>
      %mul3A_347 = arith.constant 2 : i32
      %mul3A_348 = arith.muli %mul3A_347, %scan3A_165 : i32
      %add3A_349 = arith.constant 0 : i32
      %add3A_350 = arith.addi %mul3A_348, %add3A_349 : i32
      %get3A_351 = arith.index_cast %add3A_350 : i32 to index
      %get3A_352 = arith.constant 96 : index
      %get3A_353 = tpu.vector_load %arg12[%get3A_351, %get3A_352] {strides = array<i32>} : memref<80x128xf32, #tpu.memory_space<vmem>>, vector<1x16xf32>,
      %get3A_354 = vector.shape_cast %get3A_353 : vector<1x16xf32> to vector<16xf32>
      %add3A_355 = arith.addf %get3A_346, %get3A_354 : vector<16xf32>
      %max3A_356 = arith.constant 0.000000e+00 : f32
      %max3A_357 = vector.broadcast %max3A_356 : f32 to vector<16xf32>
      %max3A_358 = arith.maximumf %add3A_355, %max3A_357 : vector<16xf32>
      %mul3A_359 = arith.constant 2 : i32
      %mul3A_360 = arith.muli %mul3A_359, %scan3A_165 : i32
      %add3A_361 = arith.constant 0 : i32
      %add3A_362 = arith.addi %mul3A_360, %add3A_361 : i32
      %swap3A_363 = arith.index_cast %add3A_362 : i32 to index
      %swap3A_364 = arith.constant 96 : index
      %swap3A_365 = tpu.vector_load %arg10[%swap3A_363, %swap3A_364] {strides = array<i32>} : memref<80x128xf32, #tpu.memory_space<vmem>>, vector<1x16xf32>,
      %swap3A_366 = vector.shape_cast %swap3A_365 : vector<1x16xf32> to vector<16xf32>
      %swap3A_367 = vector.shape_cast %max3A_358 : vector<16xf32> to vector<1x16xf32>
      tpu.vector_store %arg10[%swap3A_363, %swap3A_364], %swap3A_367 {strides = array<i32>} : memref<80x128xf32, #tpu.memory_space<vmem>>, vector<1x16xf32>,
      %mul3A_368 = arith.constant 2 : i32
      %mul3A_369 = arith.muli %mul3A_368, %scan3A_165 : i32
      %add3A_370 = arith.constant 0 : i32
      %add3A_371 = arith.addi %mul3A_369, %add3A_370 : i32
      %get3A_372 = arith.index_cast %add3A_371 : i32 to index
      %get3A_373 = arith.constant 112 : index
      %get3A_374 = tpu.vector_load %arg10[%get3A_372, %get3A_373] {strides = array<i32>} : memref<80x128xf32, #tpu.memory_space<vmem>>, vector<1x16xf32>,
      %get3A_375 = vector.shape_cast %get3A_374 : vector<1x16xf32> to vector<16xf32>
      %mul3A_376 = arith.constant 2 : i32
      %mul3A_377 = arith.muli %mul3A_376, %scan3A_165 : i32
      %add3A_378 = arith.constant 0 : i32
      %add3A_379 = arith.addi %mul3A_377, %add3A_378 : i32
      %get3A_380 = arith.index_cast %add3A_379 : i32 to index
      %get3A_381 = arith.constant 112 : index
      %get3A_382 = tpu.vector_load %arg12[%get3A_380, %get3A_381] {strides = array<i32>} : memref<80x128xf32, #tpu.memory_space<vmem>>, vector<1x16xf32>,
      %get3A_383 = vector.shape_cast %get3A_382 : vector<1x16xf32> to vector<16xf32>
      %add3A_384 = arith.addf %get3A_375, %get3A_383 : vector<16xf32>
      %max3A_385 = arith.constant 0.000000e+00 : f32
      %max3A_386 = vector.broadcast %max3A_385 : f32 to vector<16xf32>
      %max3A_387 = arith.maximumf %add3A_384, %max3A_386 : vector<16xf32>
      %mul3A_388 = arith.constant 2 : i32
      %mul3A_389 = arith.muli %mul3A_388, %scan3A_165 : i32
      %add3A_390 = arith.constant 0 : i32
      %add3A_391 = arith.addi %mul3A_389, %add3A_390 : i32
      %swap3A_392 = arith.index_cast %add3A_391 : i32 to index
      %swap3A_393 = arith.constant 112 : index
      %swap3A_394 = tpu.vector_load %arg10[%swap3A_392, %swap3A_393] {strides = array<i32>} : memref<80x128xf32, #tpu.memory_space<vmem>>, vector<1x16xf32>,
      %swap3A_395 = vector.shape_cast %swap3A_394 : vector<1x16xf32> to vector<16xf32>
      %swap3A_396 = vector.shape_cast %max3A_387 : vector<16xf32> to vector<1x16xf32>
      tpu.vector_store %arg10[%swap3A_392, %swap3A_393], %swap3A_396 {strides = array<i32>} : memref<80x128xf32, #tpu.memory_space<vmem>>, vector<1x16xf32>,
      %mul3A_397 = arith.constant 2 : i32
      %mul3A_398 = arith.muli %mul3A_397, %scan3A_165 : i32
      %add3A_399 = arith.constant 1 : i32
      %add3A_400 = arith.addi %mul3A_398, %add3A_399 : i32
      %get3A_401 = arith.index_cast %add3A_400 : i32 to index
      %get3A_402 = arith.constant 0 : index
      %get3A_403 = tpu.vector_load %arg10[%get3A_401, %get3A_402] {strides = array<i32>} : memref<80x128xf32, #tpu.memory_space<vmem>>, vector<1x16xf32>,
      %get3A_404 = vector.shape_cast %get3A_403 : vector<1x16xf32> to vector<16xf32>
      %mul3A_405 = arith.constant 2 : i32
      %mul3A_406 = arith.muli %mul3A_405, %scan3A_165 : i32
      %add3A_407 = arith.constant 1 : i32
      %add3A_408 = arith.addi %mul3A_406, %add3A_407 : i32
      %get3A_409 = arith.index_cast %add3A_408 : i32 to index
      %get3A_410 = arith.constant 0 : index
      %get3A_411 = tpu.vector_load %arg12[%get3A_409, %get3A_410] {strides = array<i32>} : memref<80x128xf32, #tpu.memory_space<vmem>>, vector<1x16xf32>,
      %get3A_412 = vector.shape_cast %get3A_411 : vector<1x16xf32> to vector<16xf32>
      %add3A_413 = arith.addf %get3A_404, %get3A_412 : vector<16xf32>
      %max3A_414 = arith.constant 0.000000e+00 : f32
      %max3A_415 = vector.broadcast %max3A_414 : f32 to vector<16xf32>
      %max3A_416 = arith.maximumf %add3A_413, %max3A_415 : vector<16xf32>
      %mul3A_417 = arith.constant 2 : i32
      %mul3A_418 = arith.muli %mul3A_417, %scan3A_165 : i32
      %add3A_419 = arith.constant 1 : i32
      %add3A_420 = arith.addi %mul3A_418, %add3A_419 : i32
      %swap3A_421 = arith.index_cast %add3A_420 : i32 to index
      %swap3A_422 = arith.constant 0 : index
      %swap3A_423 = tpu.vector_load %arg10[%swap3A_421, %swap3A_422] {strides = array<i32>} : memref<80x128xf32, #tpu.memory_space<vmem>>, vector<1x16xf32>,
      %swap3A_424 = vector.shape_cast %swap3A_423 : vector<1x16xf32> to vector<16xf32>
      %swap3A_425 = vector.shape_cast %max3A_416 : vector<16xf32> to vector<1x16xf32>
      tpu.vector_store %arg10[%swap3A_421, %swap3A_422], %swap3A_425 {strides = array<i32>} : memref<80x128xf32, #tpu.memory_space<vmem>>, vector<1x16xf32>,
      %mul3A_426 = arith.constant 2 : i32
      %mul3A_427 = arith.muli %mul3A_426, %scan3A_165 : i32
      %add3A_428 = arith.constant 1 : i32
      %add3A_429 = arith.addi %mul3A_427, %add3A_428 : i32
      %get3A_430 = arith.index_cast %add3A_429 : i32 to index
      %get3A_431 = arith.constant 16 : index
      %get3A_432 = tpu.vector_load %arg10[%get3A_430, %get3A_431] {strides = array<i32>} : memref<80x128xf32, #tpu.memory_space<vmem>>, vector<1x16xf32>,
      %get3A_433 = vector.shape_cast %get3A_432 : vector<1x16xf32> to vector<16xf32>
      %mul3A_434 = arith.constant 2 : i32
      %mul3A_435 = arith.muli %mul3A_434, %scan3A_165 : i32
      %add3A_436 = arith.constant 1 : i32
      %add3A_437 = arith.addi %mul3A_435, %add3A_436 : i32
      %get3A_438 = arith.index_cast %add3A_437 : i32 to index
      %get3A_439 = arith.constant 16 : index
      %get3A_440 = tpu.vector_load %arg12[%get3A_438, %get3A_439] {strides = array<i32>} : memref<80x128xf32, #tpu.memory_space<vmem>>, vector<1x16xf32>,
      %get3A_441 = vector.shape_cast %get3A_440 : vector<1x16xf32> to vector<16xf32>
      %add3A_442 = arith.addf %get3A_433, %get3A_441 : vector<16xf32>
      %max3A_443 = arith.constant 0.000000e+00 : f32
      %max3A_444 = vector.broadcast %max3A_443 : f32 to vector<16xf32>
      %max3A_445 = arith.maximumf %add3A_442, %max3A_444 : vector<16xf32>
      %mul3A_446 = arith.constant 2 : i32
      %mul3A_447 = arith.muli %mul3A_446, %scan3A_165 : i32
      %add3A_448 = arith.constant 1 : i32
      %add3A_449 = arith.addi %mul3A_447, %add3A_448 : i32
      %swap3A_450 = arith.index_cast %add3A_449 : i32 to index
      %swap3A_451 = arith.constant 16 : index
      %swap3A_452 = tpu.vector_load %arg10[%swap3A_450, %swap3A_451] {strides = array<i32>} : memref<80x128xf32, #tpu.memory_space<vmem>>, vector<1x16xf32>,
      %swap3A_453 = vector.shape_cast %swap3A_452 : vector<1x16xf32> to vector<16xf32>
      %swap3A_454 = vector.shape_cast %max3A_445 : vector<16xf32> to vector<1x16xf32>
      tpu.vector_store %arg10[%swap3A_450, %swap3A_451], %swap3A_454 {strides = array<i32>} : memref<80x128xf32, #tpu.memory_space<vmem>>, vector<1x16xf32>,
      %mul3A_455 = arith.constant 2 : i32
      %mul3A_456 = arith.muli %mul3A_455, %scan3A_165 : i32
      %add3A_457 = arith.constant 1 : i32
      %add3A_458 = arith.addi %mul3A_456, %add3A_457 : i32
      %get3A_459 = arith.index_cast %add3A_458 : i32 to index
      %get3A_460 = arith.constant 32 : index
      %get3A_461 = tpu.vector_load %arg10[%get3A_459, %get3A_460] {strides = array<i32>} : memref<80x128xf32, #tpu.memory_space<vmem>>, vector<1x16xf32>,
      %get3A_462 = vector.shape_cast %get3A_461 : vector<1x16xf32> to vector<16xf32>
      %mul3A_463 = arith.constant 2 : i32
      %mul3A_464 = arith.muli %mul3A_463, %scan3A_165 : i32
      %add3A_465 = arith.constant 1 : i32
      %add3A_466 = arith.addi %mul3A_464, %add3A_465 : i32
      %get3A_467 = arith.index_cast %add3A_466 : i32 to index
      %get3A_468 = arith.constant 32 : index
      %get3A_469 = tpu.vector_load %arg12[%get3A_467, %get3A_468] {strides = array<i32>} : memref<80x128xf32, #tpu.memory_space<vmem>>, vector<1x16xf32>,
      %get3A_470 = vector.shape_cast %get3A_469 : vector<1x16xf32> to vector<16xf32>
      %add3A_471 = arith.addf %get3A_462, %get3A_470 : vector<16xf32>
      %max3A_472 = arith.constant 0.000000e+00 : f32
      %max3A_473 = vector.broadcast %max3A_472 : f32 to vector<16xf32>
      %max3A_474 = arith.maximumf %add3A_471, %max3A_473 : vector<16xf32>
      %mul3A_475 = arith.constant 2 : i32
      %mul3A_476 = arith.muli %mul3A_475, %scan3A_165 : i32
      %add3A_477 = arith.constant 1 : i32
      %add3A_478 = arith.addi %mul3A_476, %add3A_477 : i32
      %swap3A_479 = arith.index_cast %add3A_478 : i32 to index
      %swap3A_480 = arith.constant 32 : index
      %swap3A_481 = tpu.vector_load %arg10[%swap3A_479, %swap3A_480] {strides = array<i32>} : memref<80x128xf32, #tpu.memory_space<vmem>>, vector<1x16xf32>,
      %swap3A_482 = vector.shape_cast %swap3A_481 : vector<1x16xf32> to vector<16xf32>
      %swap3A_483 = vector.shape_cast %max3A_474 : vector<16xf32> to vector<1x16xf32>
      tpu.vector_store %arg10[%swap3A_479, %swap3A_480], %swap3A_483 {strides = array<i32>} : memref<80x128xf32, #tpu.memory_space<vmem>>, vector<1x16xf32>,
      %mul3A_484 = arith.constant 2 : i32
      %mul3A_485 = arith.muli %mul3A_484, %scan3A_165 : i32
      %add3A_486 = arith.constant 1 : i32
      %add3A_487 = arith.addi %mul3A_485, %add3A_486 : i32
      %get3A_488 = arith.index_cast %add3A_487 : i32 to index
      %get3A_489 = arith.constant 48 : index
      %get3A_490 = tpu.vector_load %arg10[%get3A_488, %get3A_489] {strides = array<i32>} : memref<80x128xf32, #tpu.memory_space<vmem>>, vector<1x16xf32>,
      %get3A_491 = vector.shape_cast %get3A_490 : vector<1x16xf32> to vector<16xf32>
      %mul3A_492 = arith.constant 2 : i32
      %mul3A_493 = arith.muli %mul3A_492, %scan3A_165 : i32
      %add3A_494 = arith.constant 1 : i32
      %add3A_495 = arith.addi %mul3A_493, %add3A_494 : i32
      %get3A_496 = arith.index_cast %add3A_495 : i32 to index
      %get3A_497 = arith.constant 48 : index
      %get3A_498 = tpu.vector_load %arg12[%get3A_496, %get3A_497] {strides = array<i32>} : memref<80x128xf32, #tpu.memory_space<vmem>>, vector<1x16xf32>,
      %get3A_499 = vector.shape_cast %get3A_498 : vector<1x16xf32> to vector<16xf32>
      %add3A_500 = arith.addf %get3A_491, %get3A_499 : vector<16xf32>
      %max3A_501 = arith.constant 0.000000e+00 : f32
      %max3A_502 = vector.broadcast %max3A_501 : f32 to vector<16xf32>
      %max3A_503 = arith.maximumf %add3A_500, %max3A_502 : vector<16xf32>
      %mul3A_504 = arith.constant 2 : i32
      %mul3A_505 = arith.muli %mul3A_504, %scan3A_165 : i32
      %add3A_506 = arith.constant 1 : i32
      %add3A_507 = arith.addi %mul3A_505, %add3A_506 : i32
      %swap3A_508 = arith.index_cast %add3A_507 : i32 to index
      %swap3A_509 = arith.constant 48 : index
      %swap3A_510 = tpu.vector_load %arg10[%swap3A_508, %swap3A_509] {strides = array<i32>} : memref<80x128xf32, #tpu.memory_space<vmem>>, vector<1x16xf32>,
      %swap3A_511 = vector.shape_cast %swap3A_510 : vector<1x16xf32> to vector<16xf32>
      %swap3A_512 = vector.shape_cast %max3A_503 : vector<16xf32> to vector<1x16xf32>
      tpu.vector_store %arg10[%swap3A_508, %swap3A_509], %swap3A_512 {strides = array<i32>} : memref<80x128xf32, #tpu.memory_space<vmem>>, vector<1x16xf32>,
      %mul3A_513 = arith.constant 2 : i32
      %mul3A_514 = arith.muli %mul3A_513, %scan3A_165 : i32
      %add3A_515 = arith.constant 1 : i32
      %add3A_516 = arith.addi %mul3A_514, %add3A_515 : i32
      %get3A_517 = arith.index_cast %add3A_516 : i32 to index
      %get3A_518 = arith.constant 64 : index
      %get3A_519 = tpu.vector_load %arg10[%get3A_517, %get3A_518] {strides = array<i32>} : memref<80x128xf32, #tpu.memory_space<vmem>>, vector<1x16xf32>,
      %get3A_520 = vector.shape_cast %get3A_519 : vector<1x16xf32> to vector<16xf32>
      %mul3A_521 = arith.constant 2 : i32
      %mul3A_522 = arith.muli %mul3A_521, %scan3A_165 : i32
      %add3A_523 = arith.constant 1 : i32
      %add3A_524 = arith.addi %mul3A_522, %add3A_523 : i32
      %get3A_525 = arith.index_cast %add3A_524 : i32 to index
      %get3A_526 = arith.constant 64 : index
      %get3A_527 = tpu.vector_load %arg12[%get3A_525, %get3A_526] {strides = array<i32>} : memref<80x128xf32, #tpu.memory_space<vmem>>, vector<1x16xf32>,
      %get3A_528 = vector.shape_cast %get3A_527 : vector<1x16xf32> to vector<16xf32>
      %add3A_529 = arith.addf %get3A_520, %get3A_528 : vector<16xf32>
      %max3A_530 = arith.constant 0.000000e+00 : f32
      %max3A_531 = vector.broadcast %max3A_530 : f32 to vector<16xf32>
      %max3A_532 = arith.maximumf %add3A_529, %max3A_531 : vector<16xf32>
      %mul3A_533 = arith.constant 2 : i32
      %mul3A_534 = arith.muli %mul3A_533, %scan3A_165 : i32
      %add3A_535 = arith.constant 1 : i32
      %add3A_536 = arith.addi %mul3A_534, %add3A_535 : i32
      %swap3A_537 = arith.index_cast %add3A_536 : i32 to index
      %swap3A_538 = arith.constant 64 : index
      %swap3A_539 = tpu.vector_load %arg10[%swap3A_537, %swap3A_538] {strides = array<i32>} : memref<80x128xf32, #tpu.memory_space<vmem>>, vector<1x16xf32>,
      %swap3A_540 = vector.shape_cast %swap3A_539 : vector<1x16xf32> to vector<16xf32>
      %swap3A_541 = vector.shape_cast %max3A_532 : vector<16xf32> to vector<1x16xf32>
      tpu.vector_store %arg10[%swap3A_537, %swap3A_538], %swap3A_541 {strides = array<i32>} : memref<80x128xf32, #tpu.memory_space<vmem>>, vector<1x16xf32>,
      %mul3A_542 = arith.constant 2 : i32
      %mul3A_543 = arith.muli %mul3A_542, %scan3A_165 : i32
      %add3A_544 = arith.constant 1 : i32
      %add3A_545 = arith.addi %mul3A_543, %add3A_544 : i32
      %get3A_546 = arith.index_cast %add3A_545 : i32 to index
      %get3A_547 = arith.constant 80 : index
      %get3A_548 = tpu.vector_load %arg10[%get3A_546, %get3A_547] {strides = array<i32>} : memref<80x128xf32, #tpu.memory_space<vmem>>, vector<1x16xf32>,
      %get3A_549 = vector.shape_cast %get3A_548 : vector<1x16xf32> to vector<16xf32>
      %mul3A_550 = arith.constant 2 : i32
      %mul3A_551 = arith.muli %mul3A_550, %scan3A_165 : i32
      %add3A_552 = arith.constant 1 : i32
      %add3A_553 = arith.addi %mul3A_551, %add3A_552 : i32
      %get3A_554 = arith.index_cast %add3A_553 : i32 to index
      %get3A_555 = arith.constant 80 : index
      %get3A_556 = tpu.vector_load %arg12[%get3A_554, %get3A_555] {strides = array<i32>} : memref<80x128xf32, #tpu.memory_space<vmem>>, vector<1x16xf32>,
      %get3A_557 = vector.shape_cast %get3A_556 : vector<1x16xf32> to vector<16xf32>
      %add3A_558 = arith.addf %get3A_549, %get3A_557 : vector<16xf32>
      %max3A_559 = arith.constant 0.000000e+00 : f32
      %max3A_560 = vector.broadcast %max3A_559 : f32 to vector<16xf32>
      %max3A_561 = arith.maximumf %add3A_558, %max3A_560 : vector<16xf32>
      %mul3A_562 = arith.constant 2 : i32
      %mul3A_563 = arith.muli %mul3A_562, %scan3A_165 : i32
      %add3A_564 = arith.constant 1 : i32
      %add3A_565 = arith.addi %mul3A_563, %add3A_564 : i32
      %swap3A_566 = arith.index_cast %add3A_565 : i32 to index
      %swap3A_567 = arith.constant 80 : index
      %swap3A_568 = tpu.vector_load %arg10[%swap3A_566, %swap3A_567] {strides = array<i32>} : memref<80x128xf32, #tpu.memory_space<vmem>>, vector<1x16xf32>,
      %swap3A_569 = vector.shape_cast %swap3A_568 : vector<1x16xf32> to vector<16xf32>
      %swap3A_570 = vector.shape_cast %max3A_561 : vector<16xf32> to vector<1x16xf32>
      tpu.vector_store %arg10[%swap3A_566, %swap3A_567], %swap3A_570 {strides = array<i32>} : memref<80x128xf32, #tpu.memory_space<vmem>>, vector<1x16xf32>,
      %mul3A_571 = arith.constant 2 : i32
      %mul3A_572 = arith.muli %mul3A_571, %scan3A_165 : i32
      %add3A_573 = arith.constant 1 : i32
      %add3A_574 = arith.addi %mul3A_572, %add3A_573 : i32
      %get3A_575 = arith.index_cast %add3A_574 : i32 to index
      %get3A_576 = arith.constant 96 : index
      %get3A_577 = tpu.vector_load %arg10[%get3A_575, %get3A_576] {strides = array<i32>} : memref<80x128xf32, #tpu.memory_space<vmem>>, vector<1x16xf32>,
      %get3A_578 = vector.shape_cast %get3A_577 : vector<1x16xf32> to vector<16xf32>
      %mul3A_579 = arith.constant 2 : i32
      %mul3A_580 = arith.muli %mul3A_579, %scan3A_165 : i32
      %add3A_581 = arith.constant 1 : i32
      %add3A_582 = arith.addi %mul3A_580, %add3A_581 : i32
      %get3A_583 = arith.index_cast %add3A_582 : i32 to index
      %get3A_584 = arith.constant 96 : index
      %get3A_585 = tpu.vector_load %arg12[%get3A_583, %get3A_584] {strides = array<i32>} : memref<80x128xf32, #tpu.memory_space<vmem>>, vector<1x16xf32>,
      %get3A_586 = vector.shape_cast %get3A_585 : vector<1x16xf32> to vector<16xf32>
      %add3A_587 = arith.addf %get3A_578, %get3A_586 : vector<16xf32>
      %max3A_588 = arith.constant 0.000000e+00 : f32
      %max3A_589 = vector.broadcast %max3A_588 : f32 to vector<16xf32>
      %max3A_590 = arith.maximumf %add3A_587, %max3A_589 : vector<16xf32>
      %mul3A_591 = arith.constant 2 : i32
      %mul3A_592 = arith.muli %mul3A_591, %scan3A_165 : i32
      %add3A_593 = arith.constant 1 : i32
      %add3A_594 = arith.addi %mul3A_592, %add3A_593 : i32
      %swap3A_595 = arith.index_cast %add3A_594 : i32 to index
      %swap3A_596 = arith.constant 96 : index
      %swap3A_597 = tpu.vector_load %arg10[%swap3A_595, %swap3A_596] {strides = array<i32>} : memref<80x128xf32, #tpu.memory_space<vmem>>, vector<1x16xf32>,
      %swap3A_598 = vector.shape_cast %swap3A_597 : vector<1x16xf32> to vector<16xf32>
      %swap3A_599 = vector.shape_cast %max3A_590 : vector<16xf32> to vector<1x16xf32>
      tpu.vector_store %arg10[%swap3A_595, %swap3A_596], %swap3A_599 {strides = array<i32>} : memref<80x128xf32, #tpu.memory_space<vmem>>, vector<1x16xf32>,
      %mul3A_600 = arith.constant 2 : i32
      %mul3A_601 = arith.muli %mul3A_600, %scan3A_165 : i32
      %add3A_602 = arith.constant 1 : i32
      %add3A_603 = arith.addi %mul3A_601, %add3A_602 : i32
      %get3A_604 = arith.index_cast %add3A_603 : i32 to index
      %get3A_605 = arith.constant 112 : index
      %get3A_606 = tpu.vector_load %arg10[%get3A_604, %get3A_605] {strides = array<i32>} : memref<80x128xf32, #tpu.memory_space<vmem>>, vector<1x16xf32>,
      %get3A_607 = vector.shape_cast %get3A_606 : vector<1x16xf32> to vector<16xf32>
      %mul3A_608 = arith.constant 2 : i32
      %mul3A_609 = arith.muli %mul3A_608, %scan3A_165 : i32
      %add3A_610 = arith.constant 1 : i32
      %add3A_611 = arith.addi %mul3A_609, %add3A_610 : i32
      %get3A_612 = arith.index_cast %add3A_611 : i32 to index
      %get3A_613 = arith.constant 112 : index
      %get3A_614 = tpu.vector_load %arg12[%get3A_612, %get3A_613] {strides = array<i32>} : memref<80x128xf32, #tpu.memory_space<vmem>>, vector<1x16xf32>,
      %get3A_615 = vector.shape_cast %get3A_614 : vector<1x16xf32> to vector<16xf32>
      %add3A_616 = arith.addf %get3A_607, %get3A_615 : vector<16xf32>
      %max3A_617 = arith.constant 0.000000e+00 : f32
      %max3A_618 = vector.broadcast %max3A_617 : f32 to vector<16xf32>
      %max3A_619 = arith.maximumf %add3A_616, %max3A_618 : vector<16xf32>
      %mul3A_620 = arith.constant 2 : i32
      %mul3A_621 = arith.muli %mul3A_620, %scan3A_165 : i32
      %add3A_622 = arith.constant 1 : i32
      %add3A_623 = arith.addi %mul3A_621, %add3A_622 : i32
      %swap3A_624 = arith.index_cast %add3A_623 : i32 to index
      %swap3A_625 = arith.constant 112 : index
      %swap3A_626 = tpu.vector_load %arg10[%swap3A_624, %swap3A_625] {strides = array<i32>} : memref<80x128xf32, #tpu.memory_space<vmem>>, vector<1x16xf32>,
      %swap3A_627 = vector.shape_cast %swap3A_626 : vector<1x16xf32> to vector<16xf32>
      %swap3A_628 = vector.shape_cast %max3A_619 : vector<16xf32> to vector<1x16xf32>
      tpu.vector_store %arg10[%swap3A_624, %swap3A_625], %swap3A_628 {strides = array<i32>} : memref<80x128xf32, #tpu.memory_space<vmem>>, vector<1x16xf32>,
    }
    %scan3A_149 = arith.constant 40 : i32
    %dma_wait3A_150 = arith.constant 0 : i32
    %dma_wait3A_151 = arith.constant 0 : i32
    %dma_wait3A_152 = tpu.memref_slice %arg16[%dma_wait3A_150, %dma_wait3A_151] : memref<10000x128xf32, #tpu.memory_space<vmem_shared>> -> memref<10000x128xf32, #tpu.memory_space<vmem_shared>>
    tpu.wait_indirect_dma semaphore(%arg22 : memref<!tpu.dma_semaphore, #tpu.memory_space<semaphore_mem>>) src(%arg11 : memref<80x128xf32, #tpu.memory_space<vmem>>) dst(%dma_wait3A_152 : memref<10000x128xf32, #tpu.memory_space<vmem_shared>>)
    %dma_start3A_153 = arith.constant 0 : i32
    %dma_start3A_154 = arith.constant 0 : i32
    %dma_start3A_155 = tpu.memref_slice %arg16[%dma_start3A_153, %dma_start3A_154] : memref<10000x128xf32, #tpu.memory_space<vmem_shared>> -> memref<10000x128xf32, #tpu.memory_space<vmem_shared>>
    tpu.enqueue_indirect_dma source(%arg10 : memref<80x128xf32, #tpu.memory_space<vmem>>) target(%dma_start3A_155 : memref<10000x128xf32, #tpu.memory_space<vmem_shared>>) offsets(%arg14 : memref<80xi32, #tpu.memory_space<vmem>>) semaphore(%arg21 : memref<!tpu.dma_semaphore, #tpu.memory_space<semaphore_mem>>) {add = true}
    %dma_wait3A_156 = arith.constant 0 : i32
    %dma_wait3A_157 = arith.constant 0 : i32
    %dma_wait3A_158 = tpu.memref_slice %arg16[%dma_wait3A_156, %dma_wait3A_157] : memref<10000x128xf32, #tpu.memory_space<vmem_shared>> -> memref<10000x128xf32, #tpu.memory_space<vmem_shared>>
    tpu.wait_indirect_dma semaphore(%arg21 : memref<!tpu.dma_semaphore, #tpu.memory_space<semaphore_mem>>) src(%arg10 : memref<80x128xf32, #tpu.memory_space<vmem>>) dst(%dma_wait3A_158 : memref<10000x128xf32, #tpu.memory_space<vmem_shared>>)
    %barrier3A_159 = arith.constant 0 : index
    tpu.barrier barrier_id(%barrier3A_159)
    %lt3A_160 = arith.constant 10 : i32
    %lt3A_161 = arith.cmpi slt, %arg1, %lt3A_160 : i32
    %convert_element_type3A_162 = arith.extui %lt3A_161 : i1 to i32
    %cond3A_163 = arith.constant 0 : i32
    %cond3A_164 = arith.cmpi ne, %convert_element_type3A_162, %cond3A_163 : i32
    scf.if %cond3A_164 {
      %mul3A_165 = arith.constant 1000 : i32
      %mul3A_166 = arith.muli %arg1, %mul3A_165 : i32
      %mul3A_167 = arith.constant 1000 : i32
      %mul3A_168 = arith.muli %arg1, %mul3A_167 : i32
      "tpu.region"() ({
        %run_scoped3A_169 = tpu.sem_alloc : memref<!tpu.dma_semaphore, #tpu.memory_space<semaphore_mem>>
        %dma_start3A_170 = arith.constant 0 : i32
        %dma_start3A_171 = tpu.memref_slice %arg7[%arg0, %mul3A_168, %dma_start3A_170] : memref<2x10000x128xf32, #tpu.memory_space<hbm>> -> memref<1x1000x128xf32, #tpu.memory_space<hbm>>
        %dma_start3A_172 = tpu.memref_squeeze %dma_start3A_171 : memref<1x1000x128xf32, #tpu.memory_space<hbm>> -> memref<1000x128xf32, #tpu.memory_space<hbm>>
        %dma_start3A_173 = arith.constant 0 : i32
        %dma_start3A_174 = tpu.memref_slice %arg16[%mul3A_166, %dma_start3A_173] : memref<10000x128xf32, #tpu.memory_space<vmem_shared>> -> memref<1000x128xf32, #tpu.memory_space<vmem_shared>>
        tpu.enqueue_dma source(%dma_start3A_174 : memref<1000x128xf32, #tpu.memory_space<vmem_shared>>) target(%dma_start3A_172 : memref<1000x128xf32, #tpu.memory_space<hbm>>) target_semaphore(%run_scoped3A_169 : memref<!tpu.dma_semaphore, #tpu.memory_space<semaphore_mem>>)
        %dma_wait3A_175 = arith.constant 0 : i32
        %dma_wait3A_176 = tpu.memref_slice %arg7[%arg0, %mul3A_168, %dma_wait3A_175] : memref<2x10000x128xf32, #tpu.memory_space<hbm>> -> memref<1x1000x128xf32, #tpu.memory_space<hbm>>
        %dma_wait3A_177 = tpu.memref_squeeze %dma_wait3A_176 : memref<1x1000x128xf32, #tpu.memory_space<hbm>> -> memref<1000x128xf32, #tpu.memory_space<hbm>>
        %dma_wait3A_178 = arith.constant 0 : i32
        %dma_wait3A_179 = tpu.memref_slice %arg16[%mul3A_166, %dma_wait3A_178] : memref<10000x128xf32, #tpu.memory_space<vmem_shared>> -> memref<1000x128xf32, #tpu.memory_space<vmem_shared>>
        tpu.wait_dma2 semaphore(%run_scoped3A_169 : memref<!tpu.dma_semaphore, #tpu.memory_space<semaphore_mem>>) src(%dma_wait3A_179 : memref<1000x128xf32, #tpu.memory_space<vmem_shared>>) dst(%dma_wait3A_177 : memref<1000x128xf32, #tpu.memory_space<hbm>>)
        tpu.yield
      }) : () -> ()
    } else {
    }
    return
  }
}

module attributes {stable_mosaic.version = 14 : i64} {
  func.func @_edge_mlp_body(%arg0: i32, %arg1: memref<4x3200xf32, #tpu.memory_space<vmem>>, %arg2: memref<4x256xf32, #tpu.memory_space<vmem>>, %arg3: memref<1x256xf32, #tpu.memory_space<vmem>>, %arg4: memref<256x256xf32, #tpu.memory_space<vmem>>, %arg5: memref<1x256xf32, #tpu.memory_space<vmem>>, %arg6: memref<2x3200x128xf32, #tpu.memory_space<vmem>>) attributes {dimension_semantics = [#tpu.dimension_semantics<arbitrary>], iteration_bounds = array<i64: 50>, scalar_prefetch = 0 : i64, scratch_operands = 0 : i64, tpu.core_type = #tpu.core_type<tc>, window_params = [{transform_indices = @transform_0, window_bounds = array<i64: 4, 3200>}, {pipeline_mode = #tpu.pipeline_mode<synchronous>, transform_indices = @transform_1, window_bounds = array<i64: 4, 256>}, {pipeline_mode = #tpu.pipeline_mode<synchronous>, transform_indices = @transform_2, window_bounds = array<i64: 1, 256>}, {pipeline_mode = #tpu.pipeline_mode<synchronous>, transform_indices = @transform_3, window_bounds = array<i64: 256, 256>}, {pipeline_mode = #tpu.pipeline_mode<synchronous>, transform_indices = @transform_4, window_bounds = array<i64: 1, 256>}, {transform_indices = @transform_5, window_bounds = array<i64: 2, 3200, 128>}]} {
    %get3A = arith.constant 0 : index
    %get3A_0 = arith.constant 0 : index
    %get3A_1 = vector.load %arg1[%get3A, %get3A_0] : memref<4x3200xf32, #tpu.memory_space<vmem>>, vector<4x3200xf32>
    %convert_element_type3A = arith.truncf %get3A_1 : vector<4x3200xf32> to vector<4x3200xbf16>
    %get3A_2 = arith.constant 0 : index
    %get3A_3 = arith.constant 0 : index
    %get3A_4 = vector.load %arg2[%get3A_2, %get3A_3] : memref<4x256xf32, #tpu.memory_space<vmem>>, vector<4x256xf32>
    %convert_element_type3A_5 = arith.truncf %get3A_4 : vector<4x256xf32> to vector<4x256xbf16>
    %dot_general3A = arith.constant dense<0.000000e+00> : vector<3200x256xf32>
    %dot_general3A_6 = tpu.matmul %convert_element_type3A, %convert_element_type3A_5, %dot_general3A {dimension_numbers = #tpu.dot_dimension_numbers<[0], [0], [1], [1], [0, 1, 1, 1], [], []>, transpose_lhs_hint = false} : vector<4x3200xbf16>, vector<4x256xbf16>, vector<3200x256xf32> -> vector<3200x256xf32>
    %get3A_7 = arith.constant 0 : index
    %get3A_8 = arith.constant 0 : index
    %get3A_9 = vector.load %arg3[%get3A_7, %get3A_8] : memref<1x256xf32, #tpu.memory_space<vmem>>, vector<1x256xf32>
    %add3A = vector.broadcast %get3A_9 : vector<1x256xf32> to vector<3200x256xf32>
    %add3A_10 = arith.addf %dot_general3A_6, %add3A : vector<3200x256xf32>
    %max3A = arith.constant 0.000000e+00 : f32
    %max3A_11 = vector.broadcast %max3A : f32 to vector<3200x256xf32>
    %max3A_12 = arith.maximumf %add3A_10, %max3A_11 : vector<3200x256xf32>
    %convert_element_type3A_13 = arith.truncf %max3A_12 : vector<3200x256xf32> to vector<3200x256xbf16>
    %get3A_14 = arith.constant 0 : index
    %get3A_15 = arith.constant 0 : index
    %get3A_16 = vector.load %arg4[%get3A_14, %get3A_15] : memref<256x256xf32, #tpu.memory_space<vmem>>, vector<256x256xf32>
    %convert_element_type3A_17 = arith.truncf %get3A_16 : vector<256x256xf32> to vector<256x256xbf16>
    %dot_general3A_18 = arith.constant dense<0.000000e+00> : vector<3200x256xf32>
    %dot_general3A_19 = tpu.matmul %convert_element_type3A_13, %convert_element_type3A_17, %dot_general3A_18 {dimension_numbers = #tpu.dot_dimension_numbers<[1], [0], [0], [1], [0, 0, 1, 1], [], []>, transpose_lhs_hint = false} : vector<3200x256xbf16>, vector<256x256xbf16>, vector<3200x256xf32> -> vector<3200x256xf32>
    %get3A_20 = arith.constant 0 : index
    %get3A_21 = arith.constant 0 : index
    %get3A_22 = vector.load %arg5[%get3A_20, %get3A_21] : memref<1x256xf32, #tpu.memory_space<vmem>>, vector<1x256xf32>
    %add3A_23 = vector.broadcast %get3A_22 : vector<1x256xf32> to vector<3200x256xf32>
    %add3A_24 = arith.addf %dot_general3A_19, %add3A_23 : vector<3200x256xf32>
    %slice3A = vector.extract_strided_slice %add3A_24 {offsets = [0, 0], sizes = [3200, 128], strides = [1, 1]} : vector<3200x256xf32> to vector<3200x128xf32>
    %swap3A = arith.constant 0 : index
    %swap3A_25 = arith.constant 0 : index
    %swap3A_26 = arith.constant 0 : index
    %swap3A_27 = vector.load %arg6[%swap3A, %swap3A_25, %swap3A_26] : memref<2x3200x128xf32, #tpu.memory_space<vmem>>, vector<1x3200x128xf32>
    %swap3A_28 = vector.shape_cast %swap3A_27 : vector<1x3200x128xf32> to vector<3200x128xf32>
    %swap3A_29 = vector.shape_cast %slice3A : vector<3200x128xf32> to vector<1x3200x128xf32>
    tpu.vector_store %arg6[%swap3A, %swap3A_25, %swap3A_26], %swap3A_29 {strides = array<i32>} : memref<2x3200x128xf32, #tpu.memory_space<vmem>>, vector<1x3200x128xf32>,
    %slice3A_30 = vector.extract_strided_slice %add3A_24 {offsets = [0, 128], sizes = [3200, 128], strides = [1, 1]} : vector<3200x256xf32> to vector<3200x128xf32>
    %swap3A_31 = arith.constant 1 : index
    %swap3A_32 = arith.constant 0 : index
    %swap3A_33 = arith.constant 0 : index
    %swap3A_34 = vector.load %arg6[%swap3A_31, %swap3A_32, %swap3A_33] : memref<2x3200x128xf32, #tpu.memory_space<vmem>>, vector<1x3200x128xf32>
    %swap3A_35 = vector.shape_cast %swap3A_34 : vector<1x3200x128xf32> to vector<3200x128xf32>
    %swap3A_36 = vector.shape_cast %slice3A_30 : vector<3200x128xf32> to vector<1x3200x128xf32>
    tpu.vector_store %arg6[%swap3A_31, %swap3A_32, %swap3A_33], %swap3A_36 {strides = array<i32>} : memref<2x3200x128xf32, #tpu.memory_space<vmem>>, vector<1x3200x128xf32>,
    return
  }
  func.func @transform_0(%arg0: i32) -> (i32, i32) {
    %c0_i32 = arith.constant 0 : i32
    %c0_i32_0 = arith.constant 0 : i32
    return %c0_i32, %arg0 : i32, i32
  }
  func.func @transform_1(%arg0: i32) -> (i32, i32) {
    %c0_i32 = arith.constant 0 : i32
    %c0_i32_0 = arith.constant 0 : i32
    %c0_i32_1 = arith.constant 0 : i32
    return %c0_i32, %c0_i32_0 : i32, i32
  }
  func.func @transform_2(%arg0: i32) -> (i32, i32) {
    %c0_i32 = arith.constant 0 : i32
    %c0_i32_0 = arith.constant 0 : i32
    %c0_i32_1 = arith.constant 0 : i32
    return %c0_i32, %c0_i32_0 : i32, i32
  }
  func.func @transform_3(%arg0: i32) -> (i32, i32) {
    %c0_i32 = arith.constant 0 : i32
    %c0_i32_0 = arith.constant 0 : i32
    %c0_i32_1 = arith.constant 0 : i32
    return %c0_i32, %c0_i32_0 : i32, i32
  }
  func.func @transform_4(%arg0: i32) -> (i32, i32) {
    %c0_i32 = arith.constant 0 : i32
    %c0_i32_0 = arith.constant 0 : i32
    %c0_i32_1 = arith.constant 0 : i32
    return %c0_i32, %c0_i32_0 : i32, i32
  }
  func.func @transform_5(%arg0: i32) -> (i32, i32, i32) {
    %c0_i32 = arith.constant 0 : i32
    %c0_i32_0 = arith.constant 0 : i32
    %c0_i32_1 = arith.constant 0 : i32
    return %c0_i32, %arg0, %c0_i32_0 : i32, i32, i32
  }
}

module attributes {stable_mosaic.version = 14 : i64} {
  func.func @_xsplit_body(%arg0: i32, %arg1: memref<2000x256xf32, #tpu.memory_space<vmem>>, %arg2: memref<2000x128xf32, #tpu.memory_space<vmem>>, %arg3: memref<2000x128xf32, #tpu.memory_space<vmem>>) attributes {dimension_semantics = [#tpu.dimension_semantics<arbitrary>], iteration_bounds = array<i64: 5>, scalar_prefetch = 0 : i64, scratch_operands = 0 : i64, tpu.core_type = #tpu.core_type<tc>, window_params = [{transform_indices = @transform_0, window_bounds = array<i64: 2000, 256>}, {transform_indices = @transform_1, window_bounds = array<i64: 2000, 128>}, {transform_indices = @transform_2, window_bounds = array<i64: 2000, 128>}]} {
    %get3A = arith.constant 0 : index
    %get3A_0 = arith.constant 0 : index
    %get3A_1 = vector.load %arg1[%get3A, %get3A_0] : memref<2000x256xf32, #tpu.memory_space<vmem>>, vector<2000x128xf32>
    %swap3A = arith.constant 0 : index
    %swap3A_2 = arith.constant 0 : index
    %swap3A_3 = vector.load %arg2[%swap3A, %swap3A_2] : memref<2000x128xf32, #tpu.memory_space<vmem>>, vector<2000x128xf32>
    tpu.vector_store %arg2[%swap3A, %swap3A_2], %get3A_1 {strides = array<i32>} : memref<2000x128xf32, #tpu.memory_space<vmem>>, vector<2000x128xf32>,
    %get3A_4 = arith.constant 0 : index
    %get3A_5 = arith.constant 128 : index
    %get3A_6 = vector.load %arg1[%get3A_4, %get3A_5] : memref<2000x256xf32, #tpu.memory_space<vmem>>, vector<2000x128xf32>
    %swap3A_7 = arith.constant 0 : index
    %swap3A_8 = arith.constant 0 : index
    %swap3A_9 = vector.load %arg3[%swap3A_7, %swap3A_8] : memref<2000x128xf32, #tpu.memory_space<vmem>>, vector<2000x128xf32>
    tpu.vector_store %arg3[%swap3A_7, %swap3A_8], %get3A_6 {strides = array<i32>} : memref<2000x128xf32, #tpu.memory_space<vmem>>, vector<2000x128xf32>,
    return
  }
  func.func @transform_0(%arg0: i32) -> (i32, i32) {
    %c0_i32 = arith.constant 0 : i32
    %c0_i32_0 = arith.constant 0 : i32
    return %arg0, %c0_i32 : i32, i32
  }
  func.func @transform_1(%arg0: i32) -> (i32, i32) {
    %c0_i32 = arith.constant 0 : i32
    %c0_i32_0 = arith.constant 0 : i32
    return %arg0, %c0_i32 : i32, i32
  }
  func.func @transform_2(%arg0: i32) -> (i32, i32) {
    %c0_i32 = arith.constant 0 : i32
    %c0_i32_0 = arith.constant 0 : i32
    return %arg0, %c0_i32 : i32, i32
  }
}

module attributes {stable_mosaic.version = 14 : i64} {
  func.func @_node_mlp_body(%arg0: i32, %arg1: memref<2000x256xf32, #tpu.memory_space<vmem>>, %arg2: memref<2x2000x128xf32, #tpu.memory_space<vmem>>, %arg3: memref<256x512xf32, #tpu.memory_space<vmem>>, %arg4: memref<1x512xf32, #tpu.memory_space<vmem>>, %arg5: memref<512x512xf32, #tpu.memory_space<vmem>>, %arg6: memref<1x512xf32, #tpu.memory_space<vmem>>, %arg7: memref<1x1xf32, #tpu.memory_space<smem>>, %arg8: memref<2000x512xf32, #tpu.memory_space<vmem>>) attributes {dimension_semantics = [#tpu.dimension_semantics<arbitrary>], iteration_bounds = array<i64: 5>, scalar_prefetch = 0 : i64, scratch_operands = 0 : i64, tpu.core_type = #tpu.core_type<tc>, window_params = [{transform_indices = @transform_0, window_bounds = array<i64: 2000, 256>}, {transform_indices = @transform_1, window_bounds = array<i64: 2, 2000, 128>}, {pipeline_mode = #tpu.pipeline_mode<synchronous>, transform_indices = @transform_2, window_bounds = array<i64: 256, 512>}, {pipeline_mode = #tpu.pipeline_mode<synchronous>, transform_indices = @transform_3, window_bounds = array<i64: 1, 512>}, {pipeline_mode = #tpu.pipeline_mode<synchronous>, transform_indices = @transform_4, window_bounds = array<i64: 512, 512>}, {pipeline_mode = #tpu.pipeline_mode<synchronous>, transform_indices = @transform_5, window_bounds = array<i64: 1, 512>}, {transform_indices = @transform_6, window_bounds = array<i64: 1, 1>}, {transform_indices = @transform_7, window_bounds = array<i64: 2000, 512>}]} {
    %get3A = arith.constant 0 : index
    %get3A_0 = arith.constant 0 : index
    %get3A_1 = memref.load %arg7[%get3A, %get3A_0] : memref<1x1xf32, #tpu.memory_space<smem>>
    %add3A = arith.constant 1.000000e+00 : f32
    %add3A_2 = arith.addf %add3A, %get3A_1 : f32
    %get3A_3 = arith.constant 0 : index
    %get3A_4 = arith.constant 0 : index
    %get3A_5 = arith.constant 0 : index
    %get3A_6 = vector.load %arg2[%get3A_3, %get3A_4, %get3A_5] : memref<2x2000x128xf32, #tpu.memory_space<vmem>>, vector<1x2000x128xf32>
    %get3A_7 = vector.shape_cast %get3A_6 : vector<1x2000x128xf32> to vector<2000x128xf32>
    %get3A_8 = arith.constant 1 : index
    %get3A_9 = arith.constant 0 : index
    %get3A_10 = arith.constant 0 : index
    %get3A_11 = vector.load %arg2[%get3A_8, %get3A_9, %get3A_10] : memref<2x2000x128xf32, #tpu.memory_space<vmem>>, vector<1x2000x128xf32>
    %get3A_12 = vector.shape_cast %get3A_11 : vector<1x2000x128xf32> to vector<2000x128xf32>
    %concatenate3A = tpu.concatenate %get3A_7, %get3A_12 in 1 : vector<2000x128xf32>, vector<2000x128xf32> -> vector<2000x256xf32>
    %get3A_13 = arith.constant 0 : index
    %get3A_14 = arith.constant 0 : index
    %get3A_15 = vector.load %arg1[%get3A_13, %get3A_14] : memref<2000x256xf32, #tpu.memory_space<vmem>>, vector<2000x256xf32>
    %mul3A = vector.broadcast %add3A_2 : f32 to vector<2000x256xf32>
    %mul3A_16 = arith.mulf %mul3A, %get3A_15 : vector<2000x256xf32>
    %add3A_17 = arith.addf %mul3A_16, %concatenate3A : vector<2000x256xf32>
    %get3A_18 = arith.constant 0 : index
    %get3A_19 = arith.constant 0 : index
    %get3A_20 = vector.load %arg3[%get3A_18, %get3A_19] : memref<256x512xf32, #tpu.memory_space<vmem>>, vector<256x512xf32>
    %dot_general3A = arith.constant dense<0.000000e+00> : vector<2000x512xf32>
    %dot_general3A_21 = tpu.matmul %add3A_17, %get3A_20, %dot_general3A {dimension_numbers = #tpu.dot_dimension_numbers<[1], [0], [0], [1], [0, 0, 1, 1], [], []>, transpose_lhs_hint = false} : vector<2000x256xf32>, vector<256x512xf32>, vector<2000x512xf32> -> vector<2000x512xf32>
    %get3A_22 = arith.constant 0 : index
    %get3A_23 = arith.constant 0 : index
    %get3A_24 = vector.load %arg4[%get3A_22, %get3A_23] : memref<1x512xf32, #tpu.memory_space<vmem>>, vector<1x512xf32>
    %add3A_25 = vector.broadcast %get3A_24 : vector<1x512xf32> to vector<2000x512xf32>
    %add3A_26 = arith.addf %dot_general3A_21, %add3A_25 : vector<2000x512xf32>
    %max3A = arith.constant 0.000000e+00 : f32
    %max3A_27 = vector.broadcast %max3A : f32 to vector<2000x512xf32>
    %max3A_28 = arith.maximumf %add3A_26, %max3A_27 : vector<2000x512xf32>
    %get3A_29 = arith.constant 0 : index
    %get3A_30 = arith.constant 0 : index
    %get3A_31 = vector.load %arg5[%get3A_29, %get3A_30] : memref<512x512xf32, #tpu.memory_space<vmem>>, vector<512x512xf32>
    %dot_general3A_32 = arith.constant dense<0.000000e+00> : vector<2000x512xf32>
    %dot_general3A_33 = tpu.matmul %max3A_28, %get3A_31, %dot_general3A_32 {dimension_numbers = #tpu.dot_dimension_numbers<[1], [0], [0], [1], [0, 0, 1, 1], [], []>, transpose_lhs_hint = false} : vector<2000x512xf32>, vector<512x512xf32>, vector<2000x512xf32> -> vector<2000x512xf32>
    %get3A_34 = arith.constant 0 : index
    %get3A_35 = arith.constant 0 : index
    %get3A_36 = vector.load %arg6[%get3A_34, %get3A_35] : memref<1x512xf32, #tpu.memory_space<vmem>>, vector<1x512xf32>
    %add3A_37 = vector.broadcast %get3A_36 : vector<1x512xf32> to vector<2000x512xf32>
    %add3A_38 = arith.addf %dot_general3A_33, %add3A_37 : vector<2000x512xf32>
    %swap3A = arith.constant 0 : index
    %swap3A_39 = arith.constant 0 : index
    %swap3A_40 = vector.load %arg8[%swap3A, %swap3A_39] : memref<2000x512xf32, #tpu.memory_space<vmem>>, vector<2000x512xf32>
    tpu.vector_store %arg8[%swap3A, %swap3A_39], %add3A_38 {strides = array<i32>} : memref<2000x512xf32, #tpu.memory_space<vmem>>, vector<2000x512xf32>,
    return
  }
  func.func @transform_0(%arg0: i32) -> (i32, i32) {
    %c0_i32 = arith.constant 0 : i32
    %c0_i32_0 = arith.constant 0 : i32
    return %arg0, %c0_i32 : i32, i32
  }
  func.func @transform_1(%arg0: i32) -> (i32, i32, i32) {
    %c0_i32 = arith.constant 0 : i32
    %c0_i32_0 = arith.constant 0 : i32
    %c0_i32_1 = arith.constant 0 : i32
    return %c0_i32, %arg0, %c0_i32_0 : i32, i32, i32
  }
  func.func @transform_2(%arg0: i32) -> (i32, i32) {
    %c0_i32 = arith.constant 0 : i32
    %c0_i32_0 = arith.constant 0 : i32
    %c0_i32_1 = arith.constant 0 : i32
    return %c0_i32, %c0_i32_0 : i32, i32
  }
  func.func @transform_3(%arg0: i32) -> (i32, i32) {
    %c0_i32 = arith.constant 0 : i32
    %c0_i32_0 = arith.constant 0 : i32
    %c0_i32_1 = arith.constant 0 : i32
    return %c0_i32, %c0_i32_0 : i32, i32
  }
  func.func @transform_4(%arg0: i32) -> (i32, i32) {
    %c0_i32 = arith.constant 0 : i32
    %c0_i32_0 = arith.constant 0 : i32
    %c0_i32_1 = arith.constant 0 : i32
    return %c0_i32, %c0_i32_0 : i32, i32
  }
  func.func @transform_5(%arg0: i32) -> (i32, i32) {
    %c0_i32 = arith.constant 0 : i32
    %c0_i32_0 = arith.constant 0 : i32
    %c0_i32_1 = arith.constant 0 : i32
    return %c0_i32, %c0_i32_0 : i32, i32
  }
  func.func @transform_6(%arg0: i32) -> (i32, i32) {
    %c0_i32 = arith.constant 0 : i32
    %c0_i32_0 = arith.constant 0 : i32
    %c0_i32_1 = arith.constant 0 : i32
    return %c0_i32, %c0_i32_0 : i32, i32
  }
  func.func @transform_7(%arg0: i32) -> (i32, i32) {
    %c0_i32 = arith.constant 0 : i32
    %c0_i32_0 = arith.constant 0 : i32
    return %arg0, %c0_i32 : i32, i32
  }
}

</mosaic_0001>

<sc_bundles>
// kernel: kernel.6.cloned.1.call-start
scs
__scs_entry_jumppad:
0x0: {  	(pc) =	sbr.rel $0x88, $3  }
0x1: {  	(tag) =	ssettag $0x0;
	lr =	simm.s32 $0x1  }
0x2: {  	[smem:$0x3F95] =	sst lr;
	_ =	strace $0xD0000000  }
0x3: {  	_ = 	snop  }
0x4: {  	_ = 	snop  }
0x5: {  	_ = 	snop  }
0x6: {  	_ = 	snop  }
0x7: {  	_ = 	snop  }
__scs_overlays_trampoline_lowered:
0x8: {  	[smem:$0x3FA4] =	sst s0  }
0x9: {  	[smem:$0x3FA5] =	sst s1  }
0xa: {  	[smem:$0x3FA6] =	sst s2  }
0xb: {  	[smem:$0x3FA7] =	sst s3  }
0xc: {  	[smem:$0x3FA8] =	sst s4  }
0xd: {  	[smem:$0x3FA9] =	sst s5  }
0xe: {  	[smem:$0x3FAA] =	sst s6  }
0xf: {  	[smem:$0x3FAB] =	sst s7  }
0x10: {  	[smem:$0x3FAC] =	sst s8  }
0x11: {  	[smem:$0x3FAD] =	sst s9;
	s0 =	simm.s32 @!p0 $0x0  }
0x12: {  	s1 =	sld [smem:$0x3F93];
	s0 =	simm.s32 @p0 $0x1  }
0x13: {  	[smem:$0x3FAE] =	sst s0;
	s0 =	simm.s32 @!p1 $0x0  }
0x14: {  	s2 =	sld [smem:$0x3F92];
	s0 =	simm.s32 @p1 $0x1  }
0x15: {  	[smem:$0x3FAF] =	sst s0;
	s0 =	simm.s32 @!p2 $0x0  }
0x16: {  	s3 =	sld [smem:$0x3FDB];
	s0 =	simm.s32 @p2 $0x1  }
0x17: {  	s4 =	simm.s32 $0x1BF5;
	[smem:$0x3FB1] =	sst s0  }
0x18: {  	s0 =	sld [smem:$0x3F94];
	_ =	swait.ge [sflag:s4], $0x0  }
0x19: {  	s7 =	sld [smem:$0x3F95]  }
0x1a: {  	s8 =	sadd.s32 $0xFFFFE003, lr  }
0x1b: {  	s9 =	sadd.s32 $0xFFFFFEF7, lr;
	s5 =	simm.s32 $0xFFFFFFFF;
	p2 =	slt.u32 s8, $0xFFFFF086  }
0x1c: {  	p1 =	slt.u32 s9, $0xF7A;
	s5 =	simm.s32 @!p2 $0x0  }
0x1d: {  	s5 =	simm.s32 @p1 $0x1;
	p0 =	seq.s32 s7, s2  }
0x1e: {  	s7 =	smul.u32 @!p0 $0xF7A, s2;
	p2 =	seq.s32 @!p0 s5, $0x0  }
0x1f: {  	s9 =	smul.u32 $0xF7A, s1;
	s8 =	simm.s32 @!p0 $0x1BF5;
	p2 =	por !p2, p0  }
0x20: {  	[sflag:s8] =	ssyncset.s32 @!p0 $0xFFFFF086;
	s6 =	sadd.s32 @!p0 s3, s7;
	s7 =	simm.s32 @!p0 $0x108  }
0x21: {  	s3 =	sadd.s32 s3, s9;
	s6 =	sadd.s32 @!p0 $0x88, s6;
	s7 =	simm.s32 @p2 $0x1082  }
0x22: {  	[simem:s7], [sflag:s8] =	dma.local @!p0 [hbm:s6], $0xF7A  }
0x23: {  	s9 =	sor.u32 $0xD0000000, s2;
	s6 =	simm.s32 $0x108;
	_ =	swait.ge @!p0 [sflag:s8], $0x0  }
0x24: {  	s3 =	sadd.s32 $0x88, s3;
	s6 =	simm.s32 @!p1 $0x1082;
	[sflag:s4] =	ssyncset.s32 $0xFFFFF086  }
0x25: {  	[simem:s6], [sflag:s4] =	dma.local [hbm:s3], $0xF7A  }
0x26: {  	[smem:$0x3F95] =	sst s1;
	(tag) =	ssettag s2;
	_ =	strace s9  }
0x27: {  	s1 =	sld [smem:$0x3FA5]  }
0x28: {  	s2 =	sld [smem:$0x3FA6]  }
0x29: {  	s4 =	sld [smem:$0x3FA8]  }
0x2a: {  	p0 =	seq.s32 s5, $0x0;
	s5 =	sld [smem:$0x3FA9]  }
0x2b: {  	s6 =	sld [smem:$0x3FAA]  }
0x2c: {  	s7 =	sld [smem:$0x3FAB]  }
0x2d: {  	s3 =	simm.s32 $0x108;
	s8 =	sld [smem:$0x3FAC]  }
0x2e: {  	s3 =	simm.s32 @!p0 $0x1082;
	s9 =	sld [smem:$0x3FAD]  }
0x2f: {  	lr =	sadd.s32 s0, s3;
	s0 =	sld [smem:$0x3FA4]  }
0x30: {  	s3 =	sld [smem:$0x3FA7]  }
0x31: {  	[smem:$0x3FB0] =	sst s10  }
0x32: {  	s10 =	sld [smem:$0x3FAE];
	_ =	sdelay $0x3  }
0x33: {  	p0 =	seq.s32 s10, $0x1;
	s10 =	sld [smem:$0x3FB0];
	_ =	sdelay $0x3  }
0x34: {  	[smem:$0x3FB0] =	sst s10  }
0x35: {  	s10 =	sld [smem:$0x3FAF];
	_ =	sdelay $0x3  }
0x36: {  	p1 =	seq.s32 s10, $0x1;
	s10 =	sld [smem:$0x3FB0];
	_ =	sdelay $0x3  }
0x37: {  	[smem:$0x3FB0] =	sst s10  }
0x38: {  	s10 =	sld [smem:$0x3FB1]  }
0x39: {  	_ = 	snop;
	(pc) =	sbr.ind lr, $3  }
0x3a: {  	_ = 	snop  }
0x3b: {  	_ = 	snop  }
0x3c: {  	p2 =	seq.s32 s10, $0x1;
	s10 =	sld [smem:$0x3FB0]  }
0x3d: {  	_ =	shalt  }
0x3e: {  	_ =	shalt  }
0x3f: {  	_ =	shalt  }
0x40: {  	_ =	shalt  }
0x41: {  	_ =	shalt  }
0x42: {  	_ =	shalt  }
0x43: {  	_ =	shalt  }
0x44: {  	_ =	shalt  }
0x45: {  	_ =	shalt  }
0x46: {  	_ =	shalt  }
0x47: {  	_ =	shalt  }
0x48: {  	_ =	shalt  }
0x49: {  	_ =	shalt  }
0x4a: {  	_ =	shalt  }
0x4b: {  	_ =	shalt  }
0x4c: {  	_ =	shalt  }
0x4d: {  	_ =	shalt  }
0x4e: {  	_ =	shalt  }
0x4f: {  	_ =	shalt  }
0x50: {  	_ =	shalt  }
0x51: {  	_ =	shalt  }
0x52: {  	_ =	shalt  }
0x53: {  	_ =	shalt  }
0x54: {  	_ =	shalt  }
0x55: {  	_ =	shalt  }
0x56: {  	_ =	shalt  }
0x57: {  	_ =	shalt  }
0x58: {  	_ =	shalt  }
0x59: {  	_ =	shalt  }
0x5a: {  	_ =	shalt  }
0x5b: {  	_ =	shalt  }
0x5c: {  	_ =	shalt  }
0x5d: {  	_ =	shalt  }
0x5e: {  	_ =	shalt  }
0x5f: {  	_ =	shalt  }
0x60: {  	_ =	shalt  }
0x61: {  	_ =	shalt  }
0x62: {  	_ =	shalt  }
0x63: {  	_ =	shalt  }
0x64: {  	_ =	shalt  }
0x65: {  	_ =	shalt  }
0x66: {  	_ =	shalt  }
0x67: {  	_ =	shalt  }
0x68: {  	_ =	shalt  }
0x69: {  	_ =	shalt  }
0x6a: {  	_ =	shalt  }
0x6b: {  	_ =	shalt  }
0x6c: {  	_ =	shalt  }
0x6d: {  	_ =	shalt  }
0x6e: {  	_ =	shalt  }
0x6f: {  	_ =	shalt  }
0x70: {  	_ =	shalt  }
0x71: {  	_ =	shalt  }
0x72: {  	_ =	shalt  }
0x73: {  	_ =	shalt  }
0x74: {  	_ =	shalt  }
0x75: {  	_ =	shalt  }
0x76: {  	_ =	shalt  }
0x77: {  	_ =	shalt  }
0x78: {  	_ =	shalt  }
0x79: {  	_ =	shalt  }
0x7a: {  	_ =	shalt  }
0x7b: {  	_ =	shalt  }
0x7c: {  	_ =	shalt  }
0x7d: {  	_ =	shalt  }
0x7e: {  	_ =	shalt  }
0x7f: {  	_ =	shalt  }
0x80: {  	_ =	shalt  }
0x81: {  	_ =	shalt  }
0x82: {  	_ =	shalt  }
0x83: {  	_ =	shalt  }
0x84: {  	_ =	shalt  }
0x85: {  	_ =	shalt  }
0x86: {  	_ =	shalt  }
0x87: {  	_ =	shalt  }
.Lfunc_end0:
.L_simem_size_0:
called_computation_lowered:
.L_overlay_start_0:
0x88: {  	s2 =	sld [smem:$0x3FD9]  }
0x89: {  	s3 =	sld [smem:$0x3FFE];
	_ =	sdelay $0x1  }
0x8a: {  	s1 =	srdreg.scid  }
0x8b: {  	s0 =	sand.u32 $0x1, s1  }
0x8c: {  	s17 =	sshll.u32 s0, $0xA;
	s2 =	sadd.s32 s3, s2  }
0x8d: {  	s2 =	sadd.s32 s2, s17  }
0x8e: {  	[smem:$0x3FBC] =	sst s2  }
0x8f: {  	_ = 	snop  }
0x90: {  	s2 =	sld [smem:$0x3FD0];
	(tm) =	ssettm $0x1  }
0x91: {  	s18 =	sld [smem:$0x3FFB];
	_ =	sdelay $0x3  }
0x92: {  	_ =	strace s18  }
0x93: {  	s3 =	sld [smem:$0x3FFC];
	_ =	sdelay $0x3  }
0x94: {  	_ =	strace s3  }
0x95: {  	s3 =	sld [smem:$0x3FFD];
	_ =	sdelay $0x3  }
0x96: {  	_ =	strace s3  }
0x97: {  	_ =	strace $0x8FFFFFFF  }
0x98: {  	s19 =	sld [smem:$0x3FDB];
	_ =	sdelay $0x1  }
0x99: {  	s4 =	simm.s32 $_scs_section_size  }
0x9a: {  	s5 =	simm.s32 $_size__tile_overlayer_lowered;
	s6 =	simm.s32 $_tile_overlayer_lowered  }
0x9b: {  	s22 =	simm.s32 $0x1BFF;
	s21 =	sshll.u32 s6, $0x1;
	s3 =	sadd.s32 s4, s19  }
0x9c: {  	s7 =	simm.s32 $0x0;
	s20 =	sshll.u32 s5, $0x1;
	s5 =	sadd.s32 s21, s3  }
0x9d: {  	[timem:s7], [sflag:s22] =	dma.local [hbm:s5], s20  }
0x9e: {  	_ =	swait.ge [sflag:s22], s20  }
0x9f: {  	s4 =	ssub.s32 $0x0, s20;
	[sflag:s22] =	ssyncset.done $0x0  }
0xa0: {  	[sflag:s22] =	ssyncadd.s32 s4;
	_ =	sdelay $0x1  }
0xa1: {  	s23 =	simm.s32 $0x1B8B  }
0xa2: {  	_ =	swait.ge [sflag:s23], $0x1  }
0xa3: {  	[sflag:s23] =	ssyncset.done $0x0  }
0xa4: {  	s25 =	simm.s32 $0x1B8E;
	s24 =	sld [smem:$0x3FFE];
	[sflag:s23] =	ssyncadd.s32 $0xFFFFFFFF  }
0xa5: {  	s26 =	simm.s32 $execute0_lowered;
	[smem:$0x3FD2] =	sst s25  }
0xa6: {  	s5 =	sshll.u32 s26, $0x1;
	_ =	strace $0x80000046;
	[dreg:$0x1] =	wrdreg $0xFFFFFFFF  }
0xa7: {  	s28 =	simm.s32 $_size_execute0_lowered;
	s3 =	sadd.s32 s3, s5;
	[dreg:$0x0] =	wrdreg $0x0  }
0xa8: {  	s5 =	sshll.u32 s28, $0x1;
	[dreg:$0x2] =	wrdreg s3  }
0xa9: {  	[dreg:$0x3] =	wrdreg s5  }
0xaa: {  	[dreg:$0x4] =	wrdreg $0xC0  }
0xab: {  	_ =	task [dreg:s7], $0x5FFFF  }
0xac: {  	[dreg:$0x1] =	wrdreg $0xFFFFFFFF  }
0xad: {  	[dreg:$0x0] =	wrdreg $0x60  }
0xae: {  	[dreg:$0x2] =	wrdreg s24  }
0xaf: {  	[dreg:$0x3] =	wrdreg s2  }
0xb0: {  	[dreg:$0x4] =	wrdreg $0xC1000  }
0xb1: {  	[dreg:$0x5] =	wrdreg $0x9  }
0xb2: {  	_ =	task.clear_ibuf [dreg:s7], $0x6FFFF;
	_ =	strace $0x90000046  }
0xb3: {  	s29 =	simm.s32 $0x9;
	_ =	strace $0x80000048  }
0xb4: {  	_ =	swait.ge [sflag:s29], $0x1  }
0xb5: {  	[sflag:s29] =	ssyncadd.s32 $0xFFFFFFFF  }
0xb6: {  	_ =	strace $0x90000048  }
0xb7: {  	_ =	sfence  }
0xb8: {  	s30 =	sld [smem:$0x0];
	_ =	sdelay $0x2  }
0xb9: {  	s31 =	sshll.u32 s1, $0xD;
	s1 =	sshrl.u32 s1, $0x2  }
0xba: {  	s3 =	sand.u32 $0x4000, s31;
	s1 =	sadd.s32 s1, s30  }
0xbb: {  	s0 =	sor.u32 s3, s0;
	s1 =	sshll.u32 s1, $0x11  }
0xbc: {  	s0 =	sor.u32 s1, s0  }
0xbd: {  	s0 =	sadd.s32 $0x8F2B, s0  }
0xbe: {  	[sflag:s0] =	ssyncadd.remote.s32 $0x1  }
0xbf: {  	_ =	sfence.sel $0xFFFF  }
0xc0: {  	[dreg:$0x0] =	wrdreg $0xFFFFFFFF;
	(pc) =	sbr.abs _section_cstart, $3  }
0xc1: {  	[dreg:$0x1] =	wrdreg $0xFFFFFFFF  }
0xc2: {  	_ =	task.clear_ibuf [dreg:s7], $0x2FFFF;
	_ =	strace $0x9FFFFFFF  }
0xc3: {  	(tm) =	ssettm $0x7FFFFFFF  }
tec
execute0_lowered:
.L_overlay_start_1:
0x0: {  	(tag) =	ssettag $0x1  }
0x1: {  	s0 =	rddreg [dreg:$0x0]  }
0x2: {  	s2 =	rddreg [dreg:$0x1]  }
0x3: {  	s1 =	rddreg [dreg:$0x2];
	s3 =	simm.s32 $0x0  }
0x4: {  	s4 =	srdreg.scid;
	s16 =	stileid.u32;
	s29 =	simm.s32 $0x50  }
0x5: {  	s30 =	simm.s32 $0x7000;
	s31 =	simm.s32 $0x1;
	s28 =	simm.s32 $0x4800  }
0x6: {  	[smem:$0x7FF] =	sst s3;
	s9 =	sand.u32 $0x1, s4;
	s7 =	smul.u32 $0xA000, s16  }
0x7: {  	s4 =	sadd.s32 $0x64000, s0;
	s5 =	sadd.s32 $0x50000, s0;
	s26 =	smul.u32 $0x138800, s16  }
0x8: {  	s6 =	sadd.s32 $0x5A000, s0;
	s15 =	smul.u32 $0x1F400, s16;
	s7 =	sshrl.u32 s7, $0x2  }
0x9: {  	s23 =	smul.u32 $0x7D000, s16;
	p1 =	sgt.u32 s16, $0xC;
	s7 =	sadd.s32 s7, s1  }
0xa: {  	_ =	strace $0x80000047;
	s11 =	sadd.s32 $0x28000, s7;
	[dreg:$0x4] =	wrdreg s7  }
0xb: {  	s8 =	ssub.s32 $0x2, s9;
	s24 =	sadd.s32 $0x50000, s7;
	[dreg:$0x5] =	wrdreg s11  }
0xc: {  	s18 =	smul.u32 $0x138800, s9;
	s12 =	sadd.s32 $0x78000, s7;
	[dreg:$0x6] =	wrdreg s24  }
0xd: {  	p0 =	seq.s32 s9, $0x0;
	s25 =	sadd.s32 $0xA0000, s7;
	[dreg:$0x7] =	wrdreg s12  }
0xe: {  	s10 =	sshrl.u32 s8, $0x1;
	s13 =	sadd.s32 $0xC8000, s7;
	[dreg:$0x8] =	wrdreg s25  }
0xf: {  	s10 =	ssub.s32 s8, s10;
	s17 =	sadd.s32 $0xF0000, s7;
	[dreg:$0x9] =	wrdreg s13  }
0x10: {  	s8 =	smul.u32 $0x5000, s16;
	s7 =	sadd.s32 $0x118000, s7;
	[dreg:$0xa] =	wrdreg s17  }
0x11: {  	s22 =	sadd.s32 s15, s18;
	s11 =	smul.u32 $0x1388000, s9;
	[dreg:$0xb] =	wrdreg s7  }
0x12: {  	s14 =	sshrl.u32 s8, $0x3;
	s12 =	sshrl.u32 s22, $0x3;
	s24 =	sshrl.u32 s23, $0x2  }
0x13: {  	s13 =	simm.s32 $0x5;
	s19 =	sadd.s32 s5, s14;
	s20 =	sadd.s32 s6, s14  }
0x14: {  	s2 =	sadd.s32 s2, s12;
	s12 =	simm.s32 $0x1C00;
	[dreg:$0xc] =	wrdreg s19  }
0x15: {  	s14 =	simm.s32 $0xC080;
	[dreg:$0xd] =	wrdreg s20;
	s21 =	sadd.s32 s26, s11  }
0x16: {  	s19 =	smul.u32 $0x2710, s16;
	[dreg:$0xe] =	wrdreg s2;
	s2 =	sadd.s32 s24, s1  }
0x17: {  	s12 =	simm.s32 @!p0 $0x28E00;
	s26 =	smax.u32 s10, $0x1;
	p0 =	sgt.u32 s16, $0x9  }
0x18: {  	s24 =	simm.s32 $0x2000;
	s10 =	simm.s32 $0x3;
	s16 =	simm.s32 $0x0  }
0x19: {  	s9 =	sshrl.u32 s21, $0x3;
	[dreg:$0x10] =	wrdreg s26;
	s23 =	sadd.s32 s12, s0  }
0x1a: {  	s0 =	sshrl.u32 @!p0 s2, $0x3;
	s26 =	simm.s32 $0x7;
	s2 =	simm.s32 $0x9800  }
0x1b: {  	s12 =	simm.s32 $0x4;
	s25 =	sadd.s32 s4, s9;
	[dreg:$0x11] =	wrdreg s0  }
0x1c: {  	v0 =	vimm.f32 $0.0e+00;
	s0 =	simm.s32 $0x2;
	s9 =	simm.s32 $0xC000;
	[dreg:$0xf] =	wrdreg s25  }
.LBB2_1:
0x1d: {  	s17 =	simm.s32 $0x0;
	s18 =	simm.s32 $0x200  }
.LBB2_2:
0x1e: {  	p2 =	sne.s32 s18, $0x9E00;
	[tilespmem:s17+$0x2070] =	vst v0  }
0x1f: {  	[tilespmem:s17+$0x2000] =	vst v0  }
0x20: {  	[tilespmem:s17+$0x2010] =	vst v0  }
.Ltmp0:
0x21: {  	[tilespmem:s17+$0x2020] =	vst v0;
	(pc) =	sbr.rel @p2 .LBB2_2-.Ltmp0, $4  }
0x22: {  	[tilespmem:s17+$0x2030] =	vst v0  }
0x23: {  	[tilespmem:s17+$0x2040] =	vst v0  }
0x24: {  	[tilespmem:s17+$0x2050] =	vst v0  }
0x25: {  	[tilespmem:s17+$0x2060] =	vst v0;
	s17 =	sshra.s32 s18, $0x2;
	s18 =	sadd.s32 $0x200, s18  }
0x26: {  	[tilespmem:s17+$0x2070] =	vst v0  }
0x27: {  	[tilespmem:s17+$0x2000] =	vst v0  }
0x28: {  	[tilespmem:s17+$0x2010] =	vst v0  }
0x29: {  	[tilespmem:s17+$0x2020] =	vst v0  }
0x2a: {  	[tilespmem:s17+$0x2030] =	vst v0  }
0x2b: {  	[tilespmem:s17+$0x2040] =	vst v0  }
0x2c: {  	[tilespmem:s17+$0x2050] =	vst v0  }
0x2d: {  	[tilespmem:s17+$0x2060] =	vst v0;
	s7 =	rddreg [dreg:$0x4]  }
0x2e: {  	[spmem:s7] =	stream.linear.scatter [tilespmem:s24], [sflag:$0x7], $0x2800, $0x38;
	[tilespmem:$0x1F980] =	vst v63  }
0x2f: {  	_ =	swait.ge [sflag:s26], $0x2800  }
0x30: {  	[sflag:s26] =	ssyncset.done $0x0  }
0x31: {  	s22 =	rddreg [dreg:$0x5];
	[sflag:s26] =	ssyncadd.s32 $0xFFFFD800  }
0x32: {  	[spmem:s22] =	stream.linear.scatter [tilespmem:s24], [sflag:$0x7], $0x2800, $0x38;
	[tilespmem:$0x1F980] =	vst v63  }
0x33: {  	_ =	swait.ge [sflag:s26], $0x2800  }
0x34: {  	[sflag:s26] =	ssyncset.done $0x0  }
0x35: {  	s25 =	rddreg [dreg:$0x6];
	[sflag:s26] =	ssyncadd.s32 $0xFFFFD800  }
0x36: {  	[spmem:s25] =	stream.linear.scatter [tilespmem:s24], [sflag:$0x7], $0x2800, $0x38;
	[tilespmem:$0x1F980] =	vst v63  }
0x37: {  	_ =	swait.ge [sflag:s26], $0x2800  }
0x38: {  	[sflag:s26] =	ssyncset.done $0x0  }
0x39: {  	s15 =	rddreg [dreg:$0x7];
	[sflag:s26] =	ssyncadd.s32 $0xFFFFD800  }
0x3a: {  	[spmem:s15] =	stream.linear.scatter [tilespmem:s24], [sflag:$0x7], $0x2800, $0x38;
	[tilespmem:$0x1F980] =	vst v63  }
0x3b: {  	_ =	swait.ge [sflag:s26], $0x2800  }
0x3c: {  	[sflag:s26] =	ssyncset.done $0x0  }
0x3d: {  	s17 =	rddreg [dreg:$0x8];
	[sflag:s26] =	ssyncadd.s32 $0xFFFFD800  }
0x3e: {  	[spmem:s17] =	stream.linear.scatter [tilespmem:s24], [sflag:$0x7], $0x2800, $0x38;
	[tilespmem:$0x1F980] =	vst v63  }
0x3f: {  	_ =	swait.ge [sflag:s26], $0x2800  }
0x40: {  	[sflag:s26] =	ssyncset.done $0x0  }
0x41: {  	s18 =	rddreg [dreg:$0x9];
	[sflag:s26] =	ssyncadd.s32 $0xFFFFD800  }
0x42: {  	[spmem:s18] =	stream.linear.scatter [tilespmem:s24], [sflag:$0x7], $0x2800, $0x38;
	[tilespmem:$0x1F980] =	vst v63  }
0x43: {  	_ =	swait.ge [sflag:s26], $0x2800  }
0x44: {  	[sflag:s26] =	ssyncset.done $0x0  }
0x45: {  	s20 =	rddreg [dreg:$0xa];
	[sflag:s26] =	ssyncadd.s32 $0xFFFFD800  }
0x46: {  	[spmem:s20] =	stream.linear.scatter [tilespmem:s24], [sflag:$0x7], $0x2800, $0x38;
	[tilespmem:$0x1F980] =	vst v63  }
0x47: {  	_ =	swait.ge [sflag:s26], $0x2800  }
0x48: {  	[sflag:s26] =	ssyncset.done $0x0  }
0x49: {  	s17 =	simm.s32 @!p1 $0x2000;
	s7 =	rddreg [dreg:$0xb];
	[sflag:s26] =	ssyncadd.s32 $0xFFFFD800  }
0x4a: {  	[spmem:s7] =	stream.linear.scatter @!p1 [tilespmem:s17], [sflag:$0x7], $0x2800, $0x38;
	[tilespmem:$0x1F980] =	vst v63  }
0x4b: {  	s17 =	simm.s32 @!p1 $0x7  }
0x4c: {  	_ =	swait.ge @!p1 [sflag:s17], $0x2800  }
0x4d: {  	[sflag:s17] =	ssyncset.done @!p1 $0x0  }
0x4e: {  	[sflag:s17] =	ssyncadd.s32 @!p1 $0xFFFFD800  }
0x4f: {  	[bflag:$0x0] =	sbarrier.arrive $0xFFFF  }
0x50: {  	s17 =	simm.s32 $0x0;
	s21 =	rddreg [dreg:$0xc]  }
0x51: {  	[tilespmem:s17], [sflag:$0x7] =	stream.linear.gather [hbm4b:s21+s17], $0xC80, $0x38;
	[tilespmem:$0x1F980] =	vst v63  }
0x52: {  	_ =	swait.ge [sflag:s26], $0xC80  }
0x53: {  	[sflag:s26] =	ssyncset.done $0x0  }
0x54: {  	s15 =	simm.s32 $0x1000;
	s22 =	rddreg [dreg:$0xd];
	[sflag:s26] =	ssyncadd.s32 $0xFFFFF380  }
0x55: {  	[tilespmem:s15], [sflag:$0x7] =	stream.linear.gather [hbm4b:s22+s17], $0xC80, $0x38;
	[tilespmem:$0x1F980] =	vst v63  }
0x56: {  	_ =	swait.ge [sflag:s26], $0xC80  }
0x57: {  	[sflag:s26] =	ssyncset.done $0x0  }
0x58: {  	[sflag:s26] =	ssyncadd.s32 $0xFFFFF380  }
0x59: {  	[tilespmem:s24], [sflag:$0x1] =	stream.indirect.gather [hbm4b:s23+s29], $0x80, s17, s29, $0xb8;
	[tilespmem:$0x1F980] =	vst v63  }
0x5a: {  	s25 =	rddreg [dreg:$0xf]  }
0x5b: {  	[tilespmem:s30], [sflag:$0x2] =	stream.linear.gather [hbm4b:s25+s17], $0x2800, $0x38;
	[tilespmem:$0x1F980] =	vst v63  }
.LBB2_4:
0x5c: {  	s18 =	smul.u32 $0x52, s17;
	_ =	sdelay $0x1  }
0x5d: {  	s18 =	sshrl.u32 s18, $0xA  }
0x5e: {  	s18 =	sand.u32 $0x3F, s18  }
0x5f: {  	_ =	swait.ge [sflag:s31], $0x2800;
	s18 =	smul.u32 $0x19, s18  }
0x60: {  	s21 =	sshll.u32 s17, $0x1;
	[sflag:s31] =	ssyncset.done $0x0  }
0x61: {  	[sflag:s31] =	ssyncadd.s32 $0xFFFFD800;
	s18 =	ssub.s32 s21, s18  }
0x62: {  	_ =	swait.ge [sflag:s0], $0x2800;
	s18 =	sand.u32 $0xFF, s18  }
0x63: {  	[sflag:s0] =	ssyncset.done $0x0;
	s18 =	sshll.u32 s18, $0x7  }
0x64: {  	[sflag:s0] =	ssyncadd.s32 $0xFFFFD800;
	s20 =	sor.u32 $0x1000, s18  }
0x65: {  	v1 =	vld [tilespmem:s20+$0x0];
	_ =	sdelay $0x4  }
0x66: {  	s7 =	sor.u32 $0x1010, s18;
	[tilespmem:$0xC000] =	vst v1  }
0x67: {  	v1 =	vld [tilespmem:s7+$0x0];
	_ =	sdelay $0x4  }
0x68: {  	s15 =	sor.u32 $0x1020, s18;
	[tilespmem:$0xC010] =	vst v1  }
0x69: {  	v1 =	vld [tilespmem:s15+$0x0];
	_ =	sdelay $0x1  }
0x6a: {  	s20 =	sshllo.u32 s17, $0x1  }
0x6b: {  	s22 =	smul.u32 $0x29, s20;
	_ =	sdelay $0x1  }
0x6c: {  	s25 =	sor.u32 $0x1030, s18;
	s22 =	sshrl.u32 s22, $0xA;
	[tilespmem:$0xC020] =	vst v1  }
0x6d: {  	s22 =	sand.u32 $0x3F, s22;
	v1 =	vld [tilespmem:s25+$0x0]  }
0x6e: {  	s22 =	smul.u32 $0x19, s22;
	_ =	sdelay $0x1  }
0x6f: {  	s22 =	ssub.s32 s20, s22  }
0x70: {  	s22 =	sand.u32 $0xFF, s22  }
0x71: {  	s18 =	sor.u32 $0x1040, s18;
	p2 =	sne.s32 s22, $0x0;
	[tilespmem:$0xC030] =	vst v1  }
0x72: {  	v1 =	vld [tilespmem:s18+$0x0];
	s18 =	smul.u32 @!p2 $0xA4, s20;
	_ =	sdelay $0x1  }
0x73: {  	s18 =	sand.u32 @!p2 $0x3F000, s18  }
0x74: {  	s18 =	sadd.s32 @!p2 s8, s18  }
0x75: {  	s18 =	sshrl.u32 @!p2 s18, $0x3  }
0x76: {  	s7 =	simm.s32 @!p2 $0x0;
	[tilespmem:$0xC040] =	vst v1;
	s25 =	sadd.s32 @!p2 s5, s18  }
0x77: {  	[tilespmem:s7], [sflag:$0x7] =	stream.linear.gather @!p2 [hbm4b:s25+s7], $0xC80, $0x38;
	[tilespmem:$0x1F980] =	vst v63  }
0x78: {  	s25 =	simm.s32 @!p2 $0x7  }
0x79: {  	_ =	swait.ge @!p2 [sflag:s25], $0xC80  }
0x7a: {  	[sflag:s25] =	ssyncset.done @!p2 $0x0  }
0x7b: {  	s15 =	simm.s32 @!p2 $0x1000;
	s18 =	sadd.s32 @!p2 s6, s18;
	[sflag:s25] =	ssyncadd.s32 @!p2 $0xFFFFF380  }
0x7c: {  	[tilespmem:s15], [sflag:$0x7] =	stream.linear.gather @!p2 [hbm4b:s18+s7], $0xC80, $0x38;
	[tilespmem:$0x1F980] =	vst v63  }
0x7d: {  	_ =	swait.ge @!p2 [sflag:s25], $0xC80  }
0x7e: {  	p3 =	seq.s32 s17, $0x0;
	[sflag:s25] =	ssyncset.done @!p2 $0x0  }
0x7f: {  	s7 =	simm.s32 @!p3 $0x6;
	[sflag:s25] =	ssyncadd.s32 @!p2 $0xFFFFF380  }
0x80: {  	s25 =	smul.u32 $0x50, s20;
	_ =	swait.ge @!p3 [sflag:s7], $0x2800  }
0x81: {  	s22 =	sshll.u32 s22, $0x9;
	[sflag:s7] =	ssyncset.done @!p3 $0x0  }
0x82: {  	s18 =	sshrl.u32 s22, $0x2;
	[sflag:s7] =	ssyncadd.s32 @!p3 $0xFFFFD800;
	s7 =	sadd.s32 s19, s25  }
0x83: {  	[tilespmem:s28], [sflag:$0x3] =	stream.indirect.gather [hbm4b:s23+s29], $0x80, s18, s29, $0xb8;
	[tilespmem:$0x1F980] =	vst v63  }
0x84: {  	s7 =	sshll.u32 s7, $0x7  }
0x85: {  	s7 =	sadd.s32 s11, s7  }
0x86: {  	s7 =	sshrl.u32 s7, $0x3  }
0x87: {  	s20 =	simm.s32 $0xF0;
	s7 =	sadd.s32 s4, s7  }
0x88: {  	[tilespmem:s2], [sflag:$0x4] =	stream.linear.gather [hbm4b:s7+s3], $0x2800, $0x38;
	[tilespmem:$0x1F980] =	vst v63  }
0x89: {  	v7 =	vld [tilespmem:s20+$0x6F10]  }
0x8a: {  	v8 =	vld [tilespmem:s20+$0x6F20]  }
0x8b: {  	v9 =	vld [tilespmem:s20+$0x6F30]  }
0x8c: {  	v10 =	vld [tilespmem:s20+$0x6F40]  }
0x8d: {  	v11 =	vld [tilespmem:s20+$0x6F50]  }
0x8e: {  	v12 =	vld [tilespmem:s20+$0x6F60]  }
0x8f: {  	v13 =	vld [tilespmem:s20+$0x6F70]  }
0x90: {  	v14 =	vld [tilespmem:s20+$0x6F80]  }
0x91: {  	v15 =	vld [tilespmem:s20+$0x6F90]  }
0x92: {  	v16 =	vld [tilespmem:s20+$0x6FA0]  }
0x93: {  	v6 =	vld [tilespmem:s20+$0x6FB0]  }
0x94: {  	v5 =	vld [tilespmem:s20+$0x6FC0]  }
0x95: {  	v4 =	vld [tilespmem:s20+$0x6FD0]  }
0x96: {  	v17 =	vld [tilespmem:s20+$0x1F10]  }
0x97: {  	v18 =	vld [tilespmem:s20+$0x1F20]  }
0x98: {  	v3 =	vld [tilespmem:s20+$0x6FE0]  }
0x99: {  	v19 =	vld [tilespmem:s20+$0x1F30]  }
0x9a: {  	v20 =	vld [tilespmem:s20+$0x1F40]  }
0x9b: {  	v2 =	vld [tilespmem:s20+$0x6FF0];
	v7 =	vadd.f32 v7, v17  }
0x9c: {  	v21 =	vld [tilespmem:s20+$0x1F50];
	v8 =	vadd.f32 v8, v18  }
0x9d: {  	v60 =	vld [tilespmem:s20+$0x1F60];
	v7 =	vmax.f32 v7, $0.0e+00  }
0x9e: {  	v1 =	vld [tilespmem:s20+$0x7000];
	v8 =	vmax.f32 v8, $0.0e+00;
	[tilespmem:s20+$0x1F10] =	vst v7;
	v7 =	vadd.f32 v9, v19  }
0x9f: {  	v22 =	vld [tilespmem:s20+$0x1F70];
	[tilespmem:s20+$0x1F20] =	vst v8;
	v8 =	vadd.f32 v10, v20  }
0xa0: {  	v61 =	vld [tilespmem:s20+$0x1F80];
	v7 =	vmax.f32 v7, $0.0e+00  }
0xa1: {  	v62 =	vld [tilespmem:s20+$0x1F90];
	v9 =	vmax.f32 v8, $0.0e+00;
	[tilespmem:s20+$0x1F30] =	vst v7;
	v7 =	vadd.f32 v11, v21  }
0xa2: {  	v63 =	vld [tilespmem:s20+$0x1FA0];
	[tilespmem:s20+$0x1F40] =	vst v9;
	v9 =	vadd.f32 v12, v60  }
0xa3: {  	v8 =	vld [tilespmem:s20+$0x1FB0];
	v10 =	vmax.f32 v7, $0.0e+00  }
0xa4: {  	v7 =	vld [tilespmem:s20+$0x1FC0];
	v11 =	vmax.f32 v9, $0.0e+00;
	[tilespmem:s20+$0x1F50] =	vst v10;
	v10 =	vadd.f32 v13, v22  }
0xa5: {  	v9 =	vld [tilespmem:s20+$0x1FD0];
	[tilespmem:s20+$0x1F60] =	vst v11;
	v11 =	vadd.f32 v14, v61  }
0xa6: {  	v13 =	vadd.f32 v15, v62;
	v12 =	vmax.f32 v10, $0.0e+00;
	v10 =	vld [tilespmem:s20+$0x1FE0]  }
0xa7: {  	s21 =	sadd.s32 $0x2, s21;
	s22 =	simm.s32 $0x7C0;
	v14 =	vmax.f32 v11, $0.0e+00;
	v11 =	vld [tilespmem:s20+$0x1FF0];
	[tilespmem:s20+$0x1F70] =	vst v12;
	v12 =	vadd.f32 v16, v63  }
.LBB2_5:
0xa8: {  	s7 =	sshra.s32 s22, $0x2;
	p2 =	sne.s32 s22, $0x9FC0;
	[tilespmem:s20+$0x1F80] =	vst v14;
	v13 =	vmax.f32 v13, $0.0e+00;
	v6 =	vadd.f32 v6, v8;
	v8 =	vld [tilespmem:s20+$0x2000]  }
0xa9: {  	v14 =	vld [tilespmem:s7+$0x6F10];
	[tilespmem:s20+$0x1F90] =	vst v13;
	v12 =	vmax.f32 v12, $0.0e+00;
	v5 =	vadd.f32 v5, v7  }
0xaa: {  	v7 =	vld [tilespmem:s7+$0x6F20];
	[tilespmem:s20+$0x1FA0] =	vst v12;
	v6 =	vmax.f32 v6, $0.0e+00;
	v4 =	vadd.f32 v4, v9  }
0xab: {  	v9 =	vld [tilespmem:s7+$0x6F30];
	[tilespmem:s20+$0x1FB0] =	vst v6;
	v5 =	vmax.f32 v5, $0.0e+00;
	v3 =	vadd.f32 v3, v10  }
0xac: {  	v10 =	vld [tilespmem:s7+$0x6F40];
	[tilespmem:s20+$0x1FC0] =	vst v5;
	v4 =	vmax.f32 v4, $0.0e+00;
	v2 =	vadd.f32 v2, v11  }
0xad: {  	v11 =	vld [tilespmem:s7+$0x6F50];
	[tilespmem:s20+$0x1FD0] =	vst v4;
	v3 =	vmax.f32 v3, $0.0e+00;
	v1 =	vadd.f32 v1, v8  }
0xae: {  	v8 =	vld [tilespmem:s7+$0x6F60];
	[tilespmem:s20+$0x1FE0] =	vst v3;
	v2 =	vmax.f32 v2, $0.0e+00  }
0xaf: {  	v12 =	vld [tilespmem:s7+$0x6F70];
	[tilespmem:s20+$0x1FF0] =	vst v2;
	v1 =	vmax.f32 v1, $0.0e+00  }
0xb0: {  	v13 =	vld [tilespmem:s7+$0x6F80];
	[tilespmem:s20+$0x2000] =	vst v1;
	s20 =	smov.u32 s7  }
0xb1: {  	v15 =	vld [tilespmem:s20+$0x6F90]  }
0xb2: {  	v16 =	vld [tilespmem:s20+$0x6FA0]  }
0xb3: {  	v6 =	vld [tilespmem:s20+$0x6FB0]  }
0xb4: {  	v5 =	vld [tilespmem:s20+$0x6FC0]  }
0xb5: {  	v4 =	vld [tilespmem:s20+$0x6FD0]  }
0xb6: {  	v3 =	vld [tilespmem:s20+$0x6FE0]  }
0xb7: {  	v2 =	vld [tilespmem:s20+$0x6FF0]  }
0xb8: {  	v1 =	vld [tilespmem:s20+$0x7000]  }
0xb9: {  	v17 =	vld [tilespmem:s20+$0x1F10]  }
0xba: {  	v18 =	vld [tilespmem:s20+$0x1F20]  }
0xbb: {  	v19 =	vld [tilespmem:s20+$0x1F30]  }
0xbc: {  	v20 =	vld [tilespmem:s20+$0x1F40]  }
0xbd: {  	v21 =	vld [tilespmem:s20+$0x1F50]  }
0xbe: {  	v14 =	vadd.f32 v14, v17;
	v17 =	vld [tilespmem:s20+$0x1F60]  }
0xbf: {  	v7 =	vadd.f32 v7, v18;
	v18 =	vld [tilespmem:s20+$0x1F70]  }
0xc0: {  	v14 =	vmax.f32 v14, $0.0e+00;
	v9 =	vadd.f32 v9, v19;
	v19 =	vld [tilespmem:s20+$0x1F80]  }
0xc1: {  	[tilespmem:s20+$0x1F10] =	vst v14;
	v7 =	vmax.f32 v7, $0.0e+00;
	v10 =	vadd.f32 v10, v20;
	v14 =	vld [tilespmem:s20+$0x1F90]  }
0xc2: {  	[tilespmem:s20+$0x1F20] =	vst v7;
	v7 =	vmax.f32 v9, $0.0e+00;
	v9 =	vadd.f32 v11, v21;
	v11 =	vld [tilespmem:s20+$0x1FA0]  }
.Ltmp1:
0xc3: {  	[tilespmem:s20+$0x1F30] =	vst v7;
	v7 =	vmax.f32 v10, $0.0e+00;
	v10 =	vadd.f32 v8, v17;
	v8 =	vld [tilespmem:s20+$0x1FB0];
	(pc) =	sbr.rel @p2 .LBB2_5-.Ltmp1, $4  }
0xc4: {  	[tilespmem:s20+$0x1F40] =	vst v7;
	v9 =	vmax.f32 v9, $0.0e+00;
	v12 =	vadd.f32 v12, v18;
	v7 =	vld [tilespmem:s20+$0x1FC0]  }
0xc5: {  	[tilespmem:s20+$0x1F50] =	vst v9;
	v10 =	vmax.f32 v10, $0.0e+00;
	v17 =	vadd.f32 v13, v19;
	v9 =	vld [tilespmem:s20+$0x1FD0]  }
0xc6: {  	[tilespmem:s20+$0x1F60] =	vst v10;
	v12 =	vmax.f32 v12, $0.0e+00;
	v13 =	vadd.f32 v15, v14;
	v10 =	vld [tilespmem:s20+$0x1FE0]  }
0xc7: {  	s22 =	sadd.s32 $0x400, s22;
	[tilespmem:s20+$0x1F70] =	vst v12;
	v14 =	vmax.f32 v17, $0.0e+00;
	v12 =	vadd.f32 v16, v11;
	v11 =	vld [tilespmem:s20+$0x1FF0]  }
0xc8: {  	[tilespmem:s20+$0x1F80] =	vst v14;
	v13 =	vmax.f32 v13, $0.0e+00;
	v6 =	vadd.f32 v6, v8;
	v8 =	vld [tilespmem:s20+$0x2000]  }
0xc9: {  	[tilespmem:s20+$0x1F90] =	vst v13;
	v12 =	vmax.f32 v12, $0.0e+00;
	v5 =	vadd.f32 v5, v7  }
0xca: {  	[tilespmem:s20+$0x1FA0] =	vst v12;
	v6 =	vmax.f32 v6, $0.0e+00;
	v4 =	vadd.f32 v4, v9  }
0xcb: {  	[tilespmem:s20+$0x1FB0] =	vst v6;
	v5 =	vmax.f32 v5, $0.0e+00;
	v3 =	vadd.f32 v3, v10  }
0xcc: {  	[tilespmem:s20+$0x1FC0] =	vst v5;
	v4 =	vmax.f32 v4, $0.0e+00;
	v2 =	vadd.f32 v2, v11  }
0xcd: {  	[tilespmem:s20+$0x1FD0] =	vst v4;
	v3 =	vmax.f32 v3, $0.0e+00;
	v1 =	vadd.f32 v1, v8  }
0xce: {  	[tilespmem:s20+$0x1FE0] =	vst v3;
	v2 =	vmax.f32 v2, $0.0e+00  }
0xcf: {  	[tilespmem:s20+$0x1FF0] =	vst v2;
	v1 =	vmax.f32 v1, $0.0e+00  }
0xd0: {  	[tilespmem:s20+$0x2000] =	vst v1  }
0xd1: {  	[spmem:s1] =	stream.indirect.scatter.add.f32 [tilespmem:s24], [sflag:$0x5], $0x80, s9, s29, $0xb8;
	[tilespmem:$0x1F980] =	vst v63  }
0xd2: {  	_ =	swait.ge [sflag:s10], $0x2800  }
0xd3: {  	[sflag:s10] =	ssyncset.done $0x0  }
0xd4: {  	[sflag:s10] =	ssyncadd.s32 $0xFFFFD800  }
0xd5: {  	_ =	swait.ge [sflag:s12], $0x2800  }
0xd6: {  	[sflag:s12] =	ssyncset.done $0x0  }
0xd7: {  	[sflag:s12] =	ssyncadd.s32 $0xFFFFD800  }
0xd8: {  	v1 =	vld [tilespmem:s18+$0x1000];
	_ =	sdelay $0x4  }
0xd9: {  	[tilespmem:$0xC080] =	vst v1  }
0xda: {  	v1 =	vld [tilespmem:s18+$0x1010];
	_ =	sdelay $0x4  }
0xdb: {  	[tilespmem:$0xC090] =	vst v1  }
0xdc: {  	v1 =	vld [tilespmem:s18+$0x1020];
	_ =	sdelay $0x3  }
0xdd: {  	s7 =	smulhi.u32 $0x51EB851F, s21  }
0xde: {  	[tilespmem:$0xC0A0] =	vst v1  }
0xdf: {  	s7 =	sshrl.u32 s7, $0x3;
	v1 =	vld [tilespmem:s18+$0x1030]  }
0xe0: {  	s7 =	smul.u32 $0x19, s7;
	_ =	sdelay $0x1  }
0xe1: {  	s7 =	ssub.s32 s21, s7  }
0xe2: {  	p2 =	sne.s32 s7, $0x0  }
0xe3: {  	s15 =	smulhi.u32 @!p2 $0x51EB851F, s21;
	[tilespmem:$0xC0B0] =	vst v1  }
0xe4: {  	v1 =	vld [tilespmem:s18+$0x1040]  }
0xe5: {  	s15 =	sshll.u32 @!p2 s15, $0x9  }
0xe6: {  	s15 =	sand.u32 @!p2 $0xFFFFF000, s15  }
0xe7: {  	s15 =	sadd.s32 @!p2 s8, s15  }
0xe8: {  	s15 =	sshrl.u32 @!p2 s15, $0x3  }
0xe9: {  	s20 =	simm.s32 @!p2 $0x0;
	s18 =	sadd.s32 @!p2 s5, s15;
	[tilespmem:$0xC0C0] =	vst v1  }
0xea: {  	[tilespmem:s20], [sflag:$0x7] =	stream.linear.gather @!p2 [hbm4b:s18+s20], $0xC80, $0x38;
	[tilespmem:$0x1F980] =	vst v63  }
0xeb: {  	s18 =	simm.s32 @!p2 $0x7  }
0xec: {  	_ =	swait.ge @!p2 [sflag:s18], $0xC80  }
0xed: {  	[sflag:s18] =	ssyncset.done @!p2 $0x0  }
0xee: {  	s22 =	simm.s32 @!p2 $0x1000;
	s15 =	sadd.s32 @!p2 s6, s15;
	[sflag:s18] =	ssyncadd.s32 @!p2 $0xFFFFF380  }
0xef: {  	[tilespmem:s22], [sflag:$0x7] =	stream.linear.gather @!p2 [hbm4b:s15+s20], $0xC80, $0x38;
	[tilespmem:$0x1F980] =	vst v63  }
0xf0: {  	_ =	swait.ge @!p2 [sflag:s18], $0xC80  }
0xf1: {  	[sflag:s18] =	ssyncset.done @!p2 $0x0  }
0xf2: {  	[sflag:s18] =	ssyncadd.s32 @!p2 $0xFFFFF380  }
0xf3: {  	s22 =	smul.u32 $0x50, s21;
	_ =	swait.ge [sflag:s13], $0x2800  }
0xf4: {  	s7 =	sshll.u32 s7, $0x7;
	[sflag:s13] =	ssyncset.done $0x0  }
0xf5: {  	s7 =	sand.u32 $0x3FFFFF80, s7;
	s25 =	sadd.s32 s19, s22;
	[sflag:s13] =	ssyncadd.s32 $0xFFFFD800  }
0xf6: {  	[tilespmem:s24], [sflag:$0x1] =	stream.indirect.gather [hbm4b:s23+s29], $0x80, s7, s29, $0xb8;
	[tilespmem:$0x1F980] =	vst v63  }
0xf7: {  	s7 =	sshll.u32 s25, $0x7  }
0xf8: {  	s7 =	sadd.s32 s11, s7  }
0xf9: {  	s7 =	sshrl.u32 s7, $0x3  }
0xfa: {  	s18 =	simm.s32 $0xF0;
	s7 =	sadd.s32 s4, s7  }
0xfb: {  	[tilespmem:s30], [sflag:$0x2] =	stream.linear.gather [hbm4b:s7+s3], $0x2800, $0x38;
	[tilespmem:$0x1F980] =	vst v63  }
0xfc: {  	v7 =	vld [tilespmem:s18+$0x9710]  }
0xfd: {  	v8 =	vld [tilespmem:s18+$0x9720]  }
0xfe: {  	v9 =	vld [tilespmem:s18+$0x9730]  }
0xff: {  	v10 =	vld [tilespmem:s18+$0x9740]  }
0x100: {  	v11 =	vld [tilespmem:s18+$0x9750]  }
0x101: {  	v12 =	vld [tilespmem:s18+$0x9760]  }
0x102: {  	v13 =	vld [tilespmem:s18+$0x9770]  }
0x103: {  	v14 =	vld [tilespmem:s18+$0x9780]  }
0x104: {  	v15 =	vld [tilespmem:s18+$0x9790]  }
0x105: {  	v16 =	vld [tilespmem:s18+$0x97A0]  }
0x106: {  	v6 =	vld [tilespmem:s18+$0x97B0]  }
0x107: {  	v5 =	vld [tilespmem:s18+$0x97C0]  }
0x108: {  	v4 =	vld [tilespmem:s18+$0x97D0]  }
0x109: {  	v17 =	vld [tilespmem:s18+$0x4710]  }
0x10a: {  	v18 =	vld [tilespmem:s18+$0x4720]  }
0x10b: {  	v3 =	vld [tilespmem:s18+$0x97E0]  }
0x10c: {  	v19 =	vld [tilespmem:s18+$0x4730]  }
0x10d: {  	v20 =	vld [tilespmem:s18+$0x4740]  }
0x10e: {  	v2 =	vld [tilespmem:s18+$0x97F0];
	v7 =	vadd.f32 v7, v17  }
0x10f: {  	v21 =	vld [tilespmem:s18+$0x4750];
	v8 =	vadd.f32 v8, v18  }
0x110: {  	v60 =	vld [tilespmem:s18+$0x4760];
	v7 =	vmax.f32 v7, $0.0e+00  }
0x111: {  	v1 =	vld [tilespmem:s18+$0x9800];
	v8 =	vmax.f32 v8, $0.0e+00;
	[tilespmem:s18+$0x4710] =	vst v7;
	v7 =	vadd.f32 v9, v19  }
0x112: {  	v22 =	vld [tilespmem:s18+$0x4770];
	[tilespmem:s18+$0x4720] =	vst v8;
	v8 =	vadd.f32 v10, v20  }
0x113: {  	v61 =	vld [tilespmem:s18+$0x4780];
	v7 =	vmax.f32 v7, $0.0e+00  }
0x114: {  	v62 =	vld [tilespmem:s18+$0x4790];
	v9 =	vmax.f32 v8, $0.0e+00;
	[tilespmem:s18+$0x4730] =	vst v7;
	v7 =	vadd.f32 v11, v21  }
0x115: {  	v63 =	vld [tilespmem:s18+$0x47A0];
	[tilespmem:s18+$0x4740] =	vst v9;
	v9 =	vadd.f32 v12, v60  }
0x116: {  	v8 =	vld [tilespmem:s18+$0x47B0];
	v10 =	vmax.f32 v7, $0.0e+00  }
0x117: {  	v7 =	vld [tilespmem:s18+$0x47C0];
	v11 =	vmax.f32 v9, $0.0e+00;
	[tilespmem:s18+$0x4750] =	vst v10;
	v10 =	vadd.f32 v13, v22  }
0x118: {  	v9 =	vld [tilespmem:s18+$0x47D0];
	[tilespmem:s18+$0x4760] =	vst v11;
	v11 =	vadd.f32 v14, v61  }
0x119: {  	v13 =	vadd.f32 v15, v62;
	v12 =	vmax.f32 v10, $0.0e+00;
	v10 =	vld [tilespmem:s18+$0x47E0]  }
0x11a: {  	s20 =	simm.s32 $0x7C0;
	v14 =	vmax.f32 v11, $0.0e+00;
	v11 =	vld [tilespmem:s18+$0x47F0];
	[tilespmem:s18+$0x4770] =	vst v12;
	v12 =	vadd.f32 v16, v63  }
.LBB2_7:
0x11b: {  	s7 =	sshra.s32 s20, $0x2;
	p2 =	sne.s32 s20, $0x9FC0;
	[tilespmem:s18+$0x4780] =	vst v14;
	v13 =	vmax.f32 v13, $0.0e+00;
	v6 =	vadd.f32 v6, v8;
	v8 =	vld [tilespmem:s18+$0x4800]  }
0x11c: {  	v14 =	vld [tilespmem:s7+$0x9710];
	[tilespmem:s18+$0x4790] =	vst v13;
	v12 =	vmax.f32 v12, $0.0e+00;
	v5 =	vadd.f32 v5, v7  }
0x11d: {  	v7 =	vld [tilespmem:s7+$0x9720];
	[tilespmem:s18+$0x47A0] =	vst v12;
	v6 =	vmax.f32 v6, $0.0e+00;
	v4 =	vadd.f32 v4, v9  }
0x11e: {  	v9 =	vld [tilespmem:s7+$0x9730];
	[tilespmem:s18+$0x47B0] =	vst v6;
	v5 =	vmax.f32 v5, $0.0e+00;
	v3 =	vadd.f32 v3, v10  }
0x11f: {  	v10 =	vld [tilespmem:s7+$0x9740];
	[tilespmem:s18+$0x47C0] =	vst v5;
	v4 =	vmax.f32 v4, $0.0e+00;
	v2 =	vadd.f32 v2, v11  }
0x120: {  	v11 =	vld [tilespmem:s7+$0x9750];
	[tilespmem:s18+$0x47D0] =	vst v4;
	v3 =	vmax.f32 v3, $0.0e+00;
	v1 =	vadd.f32 v1, v8  }
0x121: {  	v8 =	vld [tilespmem:s7+$0x9760];
	[tilespmem:s18+$0x47E0] =	vst v3;
	v2 =	vmax.f32 v2, $0.0e+00  }
0x122: {  	v12 =	vld [tilespmem:s7+$0x9770];
	[tilespmem:s18+$0x47F0] =	vst v2;
	v1 =	vmax.f32 v1, $0.0e+00  }
0x123: {  	v13 =	vld [tilespmem:s7+$0x9780];
	[tilespmem:s18+$0x4800] =	vst v1;
	s18 =	smov.u32 s7  }
0x124: {  	v15 =	vld [tilespmem:s18+$0x9790]  }
0x125: {  	v16 =	vld [tilespmem:s18+$0x97A0]  }
0x126: {  	v6 =	vld [tilespmem:s18+$0x97B0]  }
0x127: {  	v5 =	vld [tilespmem:s18+$0x97C0]  }
0x128: {  	v4 =	vld [tilespmem:s18+$0x97D0]  }
0x129: {  	v3 =	vld [tilespmem:s18+$0x97E0]  }
0x12a: {  	v2 =	vld [tilespmem:s18+$0x97F0]  }
0x12b: {  	v1 =	vld [tilespmem:s18+$0x9800]  }
0x12c: {  	v17 =	vld [tilespmem:s18+$0x4710]  }
0x12d: {  	v18 =	vld [tilespmem:s18+$0x4720]  }
0x12e: {  	v19 =	vld [tilespmem:s18+$0x4730]  }
0x12f: {  	v20 =	vld [tilespmem:s18+$0x4740]  }
0x130: {  	v21 =	vld [tilespmem:s18+$0x4750]  }
0x131: {  	v14 =	vadd.f32 v14, v17;
	v17 =	vld [tilespmem:s18+$0x4760]  }
0x132: {  	v7 =	vadd.f32 v7, v18;
	v18 =	vld [tilespmem:s18+$0x4770]  }
0x133: {  	v14 =	vmax.f32 v14, $0.0e+00;
	v9 =	vadd.f32 v9, v19;
	v19 =	vld [tilespmem:s18+$0x4780]  }
0x134: {  	[tilespmem:s18+$0x4710] =	vst v14;
	v7 =	vmax.f32 v7, $0.0e+00;
	v10 =	vadd.f32 v10, v20;
	v14 =	vld [tilespmem:s18+$0x4790]  }
0x135: {  	[tilespmem:s18+$0x4720] =	vst v7;
	v7 =	vmax.f32 v9, $0.0e+00;
	v9 =	vadd.f32 v11, v21;
	v11 =	vld [tilespmem:s18+$0x47A0]  }
.Ltmp2:
0x136: {  	[tilespmem:s18+$0x4730] =	vst v7;
	v7 =	vmax.f32 v10, $0.0e+00;
	v10 =	vadd.f32 v8, v17;
	v8 =	vld [tilespmem:s18+$0x47B0];
	(pc) =	sbr.rel @p2 .LBB2_7-.Ltmp2, $4  }
0x137: {  	[tilespmem:s18+$0x4740] =	vst v7;
	v9 =	vmax.f32 v9, $0.0e+00;
	v12 =	vadd.f32 v12, v18;
	v7 =	vld [tilespmem:s18+$0x47C0]  }
0x138: {  	[tilespmem:s18+$0x4750] =	vst v9;
	v10 =	vmax.f32 v10, $0.0e+00;
	v17 =	vadd.f32 v13, v19;
	v9 =	vld [tilespmem:s18+$0x47D0]  }
0x139: {  	[tilespmem:s18+$0x4760] =	vst v10;
	v12 =	vmax.f32 v12, $0.0e+00;
	v13 =	vadd.f32 v15, v14;
	v10 =	vld [tilespmem:s18+$0x47E0]  }
0x13a: {  	s20 =	sadd.s32 $0x400, s20;
	[tilespmem:s18+$0x4770] =	vst v12;
	v14 =	vmax.f32 v17, $0.0e+00;
	v12 =	vadd.f32 v16, v11;
	v11 =	vld [tilespmem:s18+$0x47F0]  }
0x13b: {  	[tilespmem:s18+$0x4780] =	vst v14;
	v13 =	vmax.f32 v13, $0.0e+00;
	v6 =	vadd.f32 v6, v8;
	v63 =	vld [tilespmem:s18+$0x4800]  }
0x13c: {  	[tilespmem:s18+$0x4790] =	vst v13;
	v12 =	vmax.f32 v12, $0.0e+00;
	v5 =	vadd.f32 v5, v7  }
0x13d: {  	[tilespmem:s18+$0x47A0] =	vst v12;
	v6 =	vmax.f32 v6, $0.0e+00;
	v4 =	vadd.f32 v4, v9  }
0x13e: {  	s17 =	sadd.s32 $0x1, s17;
	[tilespmem:s18+$0x47B0] =	vst v6;
	v5 =	vmax.f32 v5, $0.0e+00;
	v3 =	vadd.f32 v3, v10  }
0x13f: {  	p2 =	sne.s32 s17, $0x3E;
	[tilespmem:s18+$0x47C0] =	vst v5;
	v4 =	vmax.f32 v4, $0.0e+00;
	v2 =	vadd.f32 v2, v11  }
.Ltmp3:
0x140: {  	[tilespmem:s18+$0x47D0] =	vst v4;
	v3 =	vmax.f32 v3, $0.0e+00;
	v1 =	vadd.f32 v1, v63;
	(pc) =	sbr.rel @p2 .LBB2_4-.Ltmp3, $4  }
0x141: {  	[tilespmem:s18+$0x47E0] =	vst v3;
	v2 =	vmax.f32 v2, $0.0e+00  }
0x142: {  	[tilespmem:s18+$0x47F0] =	vst v2;
	v1 =	vmax.f32 v1, $0.0e+00  }
0x143: {  	[tilespmem:s18+$0x4800] =	vst v1  }
0x144: {  	[spmem:s1] =	stream.indirect.scatter.add.f32 [tilespmem:s28], [sflag:$0x6], $0x80, s14, s29, $0xb8;
	[tilespmem:$0x1F980] =	vst v63  }
0x145: {  	_ =	swait.ge [sflag:s31], $0x2800  }
0x146: {  	[sflag:s31] =	ssyncset.done $0x0  }
0x147: {  	[sflag:s31] =	ssyncadd.s32 $0xFFFFD800  }
0x148: {  	_ =	swait.ge [sflag:s0], $0x2800  }
0x149: {  	[sflag:s0] =	ssyncset.done $0x0  }
0x14a: {  	[sflag:s0] =	ssyncadd.s32 $0xFFFFD800  }
0x14b: {  	v1 =	vld [tilespmem:$0x1C00]  }
0x14c: {  	v2 =	vld [tilespmem:$0x1C10]  }
0x14d: {  	v3 =	vld [tilespmem:$0x1C20]  }
0x14e: {  	v4 =	vld [tilespmem:$0x1C30]  }
0x14f: {  	v5 =	vld [tilespmem:$0x1C40]  }
0x150: {  	[tilespmem:$0xC000] =	vst v1  }
0x151: {  	[tilespmem:$0xC010] =	vst v2  }
0x152: {  	[tilespmem:$0xC020] =	vst v3  }
0x153: {  	[tilespmem:$0xC030] =	vst v4  }
0x154: {  	s17 =	simm.s32 $0xF0;
	[tilespmem:$0xC040] =	vst v5  }
0x155: {  	v7 =	vld [tilespmem:s17+$0x6F10]  }
0x156: {  	v8 =	vld [tilespmem:s17+$0x6F20]  }
0x157: {  	v9 =	vld [tilespmem:s17+$0x6F30]  }
0x158: {  	v10 =	vld [tilespmem:s17+$0x6F40]  }
0x159: {  	v11 =	vld [tilespmem:s17+$0x6F50]  }
0x15a: {  	v12 =	vld [tilespmem:s17+$0x6F60]  }
0x15b: {  	v13 =	vld [tilespmem:s17+$0x6F70]  }
0x15c: {  	v14 =	vld [tilespmem:s17+$0x6F80]  }
0x15d: {  	v15 =	vld [tilespmem:s17+$0x6F90]  }
0x15e: {  	v16 =	vld [tilespmem:s17+$0x6FA0]  }
0x15f: {  	v6 =	vld [tilespmem:s17+$0x6FB0]  }
0x160: {  	v5 =	vld [tilespmem:s17+$0x6FC0]  }
0x161: {  	v4 =	vld [tilespmem:s17+$0x6FD0]  }
0x162: {  	v17 =	vld [tilespmem:s17+$0x1F10]  }
0x163: {  	v18 =	vld [tilespmem:s17+$0x1F20]  }
0x164: {  	v3 =	vld [tilespmem:s17+$0x6FE0]  }
0x165: {  	v19 =	vld [tilespmem:s17+$0x1F30]  }
0x166: {  	v20 =	vld [tilespmem:s17+$0x1F40]  }
0x167: {  	v2 =	vld [tilespmem:s17+$0x6FF0];
	v7 =	vadd.f32 v7, v17  }
0x168: {  	v21 =	vld [tilespmem:s17+$0x1F50];
	v8 =	vadd.f32 v8, v18  }
0x169: {  	v60 =	vld [tilespmem:s17+$0x1F60];
	v7 =	vmax.f32 v7, $0.0e+00  }
0x16a: {  	v1 =	vld [tilespmem:s17+$0x7000];
	v8 =	vmax.f32 v8, $0.0e+00;
	[tilespmem:s17+$0x1F10] =	vst v7;
	v7 =	vadd.f32 v9, v19  }
0x16b: {  	v22 =	vld [tilespmem:s17+$0x1F70];
	[tilespmem:s17+$0x1F20] =	vst v8;
	v8 =	vadd.f32 v10, v20  }
0x16c: {  	v61 =	vld [tilespmem:s17+$0x1F80];
	v7 =	vmax.f32 v7, $0.0e+00  }
0x16d: {  	v62 =	vld [tilespmem:s17+$0x1F90];
	v9 =	vmax.f32 v8, $0.0e+00;
	[tilespmem:s17+$0x1F30] =	vst v7;
	v7 =	vadd.f32 v11, v21  }
0x16e: {  	v63 =	vld [tilespmem:s17+$0x1FA0];
	[tilespmem:s17+$0x1F40] =	vst v9;
	v9 =	vadd.f32 v12, v60  }
0x16f: {  	v8 =	vld [tilespmem:s17+$0x1FB0];
	v10 =	vmax.f32 v7, $0.0e+00  }
0x170: {  	v7 =	vld [tilespmem:s17+$0x1FC0];
	v11 =	vmax.f32 v9, $0.0e+00;
	[tilespmem:s17+$0x1F50] =	vst v10;
	v10 =	vadd.f32 v13, v22  }
0x171: {  	v9 =	vld [tilespmem:s17+$0x1FD0];
	[tilespmem:s17+$0x1F60] =	vst v11;
	v11 =	vadd.f32 v14, v61  }
0x172: {  	v13 =	vadd.f32 v15, v62;
	v12 =	vmax.f32 v10, $0.0e+00;
	v10 =	vld [tilespmem:s17+$0x1FE0]  }
0x173: {  	s18 =	simm.s32 $0x7C0;
	v14 =	vmax.f32 v11, $0.0e+00;
	v11 =	vld [tilespmem:s17+$0x1FF0];
	[tilespmem:s17+$0x1F70] =	vst v12;
	v12 =	vadd.f32 v16, v63  }
.LBB2_10:
0x174: {  	s7 =	sshra.s32 s18, $0x2;
	p2 =	sne.s32 s18, $0x9FC0;
	[tilespmem:s17+$0x1F80] =	vst v14;
	v13 =	vmax.f32 v13, $0.0e+00;
	v6 =	vadd.f32 v6, v8;
	v8 =	vld [tilespmem:s17+$0x2000]  }
0x175: {  	v14 =	vld [tilespmem:s7+$0x6F10];
	[tilespmem:s17+$0x1F90] =	vst v13;
	v12 =	vmax.f32 v12, $0.0e+00;
	v5 =	vadd.f32 v5, v7  }
0x176: {  	v7 =	vld [tilespmem:s7+$0x6F20];
	[tilespmem:s17+$0x1FA0] =	vst v12;
	v6 =	vmax.f32 v6, $0.0e+00;
	v4 =	vadd.f32 v4, v9  }
0x177: {  	v9 =	vld [tilespmem:s7+$0x6F30];
	[tilespmem:s17+$0x1FB0] =	vst v6;
	v5 =	vmax.f32 v5, $0.0e+00;
	v3 =	vadd.f32 v3, v10  }
0x178: {  	v10 =	vld [tilespmem:s7+$0x6F40];
	[tilespmem:s17+$0x1FC0] =	vst v5;
	v4 =	vmax.f32 v4, $0.0e+00;
	v2 =	vadd.f32 v2, v11  }
0x179: {  	v11 =	vld [tilespmem:s7+$0x6F50];
	[tilespmem:s17+$0x1FD0] =	vst v4;
	v3 =	vmax.f32 v3, $0.0e+00;
	v1 =	vadd.f32 v1, v8  }
0x17a: {  	v8 =	vld [tilespmem:s7+$0x6F60];
	[tilespmem:s17+$0x1FE0] =	vst v3;
	v2 =	vmax.f32 v2, $0.0e+00  }
0x17b: {  	v12 =	vld [tilespmem:s7+$0x6F70];
	[tilespmem:s17+$0x1FF0] =	vst v2;
	v1 =	vmax.f32 v1, $0.0e+00  }
0x17c: {  	v13 =	vld [tilespmem:s7+$0x6F80];
	[tilespmem:s17+$0x2000] =	vst v1;
	s17 =	smov.u32 s7  }
0x17d: {  	v15 =	vld [tilespmem:s17+$0x6F90]  }
0x17e: {  	v16 =	vld [tilespmem:s17+$0x6FA0]  }
0x17f: {  	v6 =	vld [tilespmem:s17+$0x6FB0]  }
0x180: {  	v5 =	vld [tilespmem:s17+$0x6FC0]  }
0x181: {  	v4 =	vld [tilespmem:s17+$0x6FD0]  }
0x182: {  	v3 =	vld [tilespmem:s17+$0x6FE0]  }
0x183: {  	v2 =	vld [tilespmem:s17+$0x6FF0]  }
0x184: {  	v1 =	vld [tilespmem:s17+$0x7000]  }
0x185: {  	v17 =	vld [tilespmem:s17+$0x1F10]  }
0x186: {  	v18 =	vld [tilespmem:s17+$0x1F20]  }
0x187: {  	v19 =	vld [tilespmem:s17+$0x1F30]  }
0x188: {  	v20 =	vld [tilespmem:s17+$0x1F40]  }
0x189: {  	v21 =	vld [tilespmem:s17+$0x1F50]  }
0x18a: {  	v14 =	vadd.f32 v14, v17;
	v17 =	vld [tilespmem:s17+$0x1F60]  }
0x18b: {  	v7 =	vadd.f32 v7, v18;
	v18 =	vld [tilespmem:s17+$0x1F70]  }
0x18c: {  	v14 =	vmax.f32 v14, $0.0e+00;
	v9 =	vadd.f32 v9, v19;
	v19 =	vld [tilespmem:s17+$0x1F80]  }
0x18d: {  	[tilespmem:s17+$0x1F10] =	vst v14;
	v7 =	vmax.f32 v7, $0.0e+00;
	v10 =	vadd.f32 v10, v20;
	v14 =	vld [tilespmem:s17+$0x1F90]  }
0x18e: {  	[tilespmem:s17+$0x1F20] =	vst v7;
	v7 =	vmax.f32 v9, $0.0e+00;
	v9 =	vadd.f32 v11, v21;
	v11 =	vld [tilespmem:s17+$0x1FA0]  }
.Ltmp4:
0x18f: {  	[tilespmem:s17+$0x1F30] =	vst v7;
	v7 =	vmax.f32 v10, $0.0e+00;
	v10 =	vadd.f32 v8, v17;
	v8 =	vld [tilespmem:s17+$0x1FB0];
	(pc) =	sbr.rel @p2 .LBB2_10-.Ltmp4, $4  }
0x190: {  	[tilespmem:s17+$0x1F40] =	vst v7;
	v9 =	vmax.f32 v9, $0.0e+00;
	v12 =	vadd.f32 v12, v18;
	v7 =	vld [tilespmem:s17+$0x1FC0]  }
0x191: {  	[tilespmem:s17+$0x1F50] =	vst v9;
	v10 =	vmax.f32 v10, $0.0e+00;
	v17 =	vadd.f32 v13, v19;
	v9 =	vld [tilespmem:s17+$0x1FD0]  }
0x192: {  	[tilespmem:s17+$0x1F60] =	vst v10;
	v12 =	vmax.f32 v12, $0.0e+00;
	v13 =	vadd.f32 v15, v14;
	v10 =	vld [tilespmem:s17+$0x1FE0]  }
0x193: {  	s18 =	sadd.s32 $0x400, s18;
	[tilespmem:s17+$0x1F70] =	vst v12;
	v14 =	vmax.f32 v17, $0.0e+00;
	v12 =	vadd.f32 v16, v11;
	v11 =	vld [tilespmem:s17+$0x1FF0]  }
0x194: {  	[tilespmem:s17+$0x1F80] =	vst v14;
	v13 =	vmax.f32 v13, $0.0e+00;
	v6 =	vadd.f32 v6, v8;
	v63 =	vld [tilespmem:s17+$0x2000]  }
0x195: {  	[tilespmem:s17+$0x1F90] =	vst v13;
	v12 =	vmax.f32 v12, $0.0e+00;
	v5 =	vadd.f32 v5, v7  }
0x196: {  	[tilespmem:s17+$0x1FA0] =	vst v12;
	v6 =	vmax.f32 v6, $0.0e+00;
	v4 =	vadd.f32 v4, v9  }
0x197: {  	[tilespmem:s17+$0x1FB0] =	vst v6;
	v5 =	vmax.f32 v5, $0.0e+00;
	v3 =	vadd.f32 v3, v10  }
0x198: {  	[tilespmem:s17+$0x1FC0] =	vst v5;
	v4 =	vmax.f32 v4, $0.0e+00;
	v2 =	vadd.f32 v2, v11  }
0x199: {  	[tilespmem:s17+$0x1FD0] =	vst v4;
	v3 =	vmax.f32 v3, $0.0e+00;
	v1 =	vadd.f32 v1, v63  }
0x19a: {  	[tilespmem:s17+$0x1FE0] =	vst v3;
	v2 =	vmax.f32 v2, $0.0e+00  }
0x19b: {  	[tilespmem:s17+$0x1FF0] =	vst v2;
	v1 =	vmax.f32 v1, $0.0e+00  }
0x19c: {  	s7 =	simm.s32 $0x6;
	[tilespmem:s17+$0x2000] =	vst v1  }
0x19d: {  	_ =	swait.ge [sflag:s7], $0x2800  }
0x19e: {  	[sflag:s7] =	ssyncset.done $0x0  }
0x19f: {  	[sflag:s7] =	ssyncadd.s32 $0xFFFFD800  }
0x1a0: {  	[spmem:s1] =	stream.indirect.scatter.add.f32 [tilespmem:s24], [sflag:$0x5], $0x80, s9, s29, $0xb8;
	[tilespmem:$0x1F980] =	vst v63  }
0x1a1: {  	_ =	swait.ge [sflag:s13], $0x2800  }
0x1a2: {  	[sflag:s13] =	ssyncset.done $0x0  }
0x1a3: {  	[sflag:s13] =	ssyncadd.s32 $0xFFFFD800  }
0x1a4: {  	s7 =	stileid.u32;
	[bflag:$0x0] =	sbarrier.arrive $0xFFFF  }
0x1a5: {  	s7 =	sshll.u32 @!p0 s7, $0x6;
	s15 =	rddreg [dreg:$0xe]  }
0x1a6: {  	s7 =	sor.u32 @!p0 $0x1C07, s7;
	s17 =	rddreg [dreg:$0x11]  }
0x1a7: {  	[hbm:s15], [sflag:s7] =	dma.local @!p0 [spmem:s17], $0x3E80  }
0x1a8: {  	s7 =	simm.s32 @!p0 $0x7  }
0x1a9: {  	_ =	swait.ge @!p0 [sflag:s7], $0x3E80  }
0x1aa: {  	s16 =	sadd.s32 $0x1, s16;
	s25 =	rddreg [dreg:$0x10]  }
0x1ab: {  	p2 =	sne.s32 s16, s25  }
.Ltmp5:
0x1ac: {  	_ = 	snop;
	(pc) =	sbr.rel @p2 .LBB2_1-.Ltmp5, $3  }
0x1ad: {  	_ =	sdelay $0x1  }
0x1ae: {  	[sflag:s7] =	ssyncset.done @!p0 $0x0  }
0x1af: {  	[sflag:s7] =	ssyncadd.s32 @!p0 $0xFFFFC180  }
0x1b0: {  	_ =	sfence.sel $0x180000  }
0x1b1: {  	[bflag:$0x0] =	sbarrier.arrive $0xFFFF  }
0x1b2: {  	_ =	strace $0x90000047  }
0x1b3: {  	s0 =	stileid.u32;
	[bflag:$0x2] =	sbarrier.arrive $0xFFFF  }
0x1b4: {  	p0 =	sne.s32 s0, $0x0;
	s0 =	rddreg [dreg:$0x3]  }
0x1b5: {  	s0 =	sadd.s32 @!p0 $0x100000, s0  }
0x1b6: {  	[sflag:s0] =	ssyncadd.tile.s32 @!p0 $0x1;
	_ =	shalt  }
.Lfunc_end2:
_tile_overlayer_lowered:
.L_overlay_start_2:
0x1b7: {  	(tag) =	ssettag $0x2  }
0x1b8: {  	s0 =	rddreg [dreg:$0x0];
	s2 =	stileid.u32  }
0x1b9: {  	s1 =	rddreg [dreg:$0x1];
	p0 =	sne.s32 s2, $0x0  }
0x1ba: {  	s3 =	rddreg [dreg:$0x2];
	[bflag:$0x3] =	sbarrier.arrive $0xFFFF;
	s2 =	simm.s32 @!p0 $0x1C07  }
0x1bb: {  	[timem:s3], [sflag:s2] =	dma.local @!p0 [hbm:s0], s1  }
0x1bc: {  	s0 =	simm.s32 @!p0 $0x7  }
0x1bd: {  	_ =	swait.ge @!p0 [sflag:s0], s1  }
0x1be: {  	s1 =	ssub.s32 @!p0 $0x0, s1;
	[sflag:s0] =	ssyncset.done @!p0 $0x0  }
0x1bf: {  	[sflag:s0] =	ssyncadd.s32 @!p0 s1  }
0x1c0: {  	[bflag:$0x3] =	sbarrier.arrive $0xFFFF  }
0x1c1: {  	_ =	shalt  }

</sc_bundles>
